<compile_context>
chip_gen: v7x
topology: tpu7x:2x2x1
jax: 0.10.2.dev20260603
libtpu: 0.0.44.dev20260713+nightly
codegen_flags: <defaults>
</compile_context>

<pallas_src>
import functools

import jax
import jax.numpy as jnp
from jax import lax
from jax.experimental import pallas as pl
from jax.experimental.pallas import tpu as pltpu
from jax.experimental.pallas import tpu_sc as plsc

_B = 16384
_C = 1000
_NC = 2
_NS = 16
_NW = _NC * _NS
_RPW = _B // _NW
_HALF = _RPW // 2
_NG = _HALF // 16


def _ln(x):
    bits = lax.bitcast_convert_type(x, jnp.int32)
    e = ((bits >> 23) & 0xFF) - 127
    m = lax.bitcast_convert_type(
        (bits & 0x007FFFFF) | 0x3F800000, jnp.float32)
    big = m >= 1.4142135
    m = jnp.where(big, m * 0.5, m)
    e = (e + jnp.where(big, 1, 0)).astype(jnp.float32)
    z = m - 1.0
    w = z / (2.0 + z)
    w2 = w * w
    p = w * (2.0 + w2 * (0.66666667 + w2 * (0.4 + w2 * 0.28571429)))
    return e * 0.69314718 + p


def _sc_body(xt_mat, tgt, psum_out, t_v, big_v, zbuf_v, x0r_v, tmp_v, out_v,
             sem):
    wid = lax.axis_index("s") * _NC + lax.axis_index("c")
    cstart = wid * _RPW
    lanes = lax.iota(jnp.int32, 16)

    pltpu.sync_copy(tgt.at[pl.ds(cstart, _RPW)], t_v)
    pltpu.sync_copy(xt_mat.at[0, pl.ds(cstart, _RPW)], x0r_v)

    acc_tot = jnp.zeros((16,), jnp.float32)
    for h in range(2):
        base = cstart + h * _HALF
        ho = h * _HALF

        gathers = []
        for c in range(_HALF // 128):
            iwin = pl.multiple_of(base + c * 128, 128)
            gathers.append(pltpu.async_copy(
                xt_mat.at[:, pl.ds(iwin, 128)]
                .at[t_v.at[pl.ds(ho + c * 128, 128)]],
                big_v.at[pl.ds(c * 128, 128)], sem))
        for cp in gathers:
            cp.wait()

        def group(g, acc):
            gb = g * 16
            t16 = t_v[pl.ds(ho + gb, 16)]
            off0 = (base + gb) - ((base + gb) // 128) * 128
            xt16 = plsc.load_gather(big_v, [gb + lanes, off0 + lanes])
            e016 = jnp.exp(x0r_v[pl.ds(ho + gb, 16)])
            tmp_v[...] = e016
            nzero = plsc.all_reduce_population_count(t16 == 0)[0]

            @pl.when(nzero > 0)
            def _():
                def lane(l, carry2):
                    t_l = jnp.sum(jnp.where(lanes == l, t16, 0))

                    @pl.when(t_l == 0)
                    def _zcol():
                        i_col = base + gb + l
                        i_al = pl.multiple_of((i_col // 128) * 128, 128)
                        colv = jnp.full((16,), i_col - i_al, jnp.int32)

                        def chunk(q, a):
                            r0 = (q // 16) * 256

                            @pl.when(q % 16 == 0)
                            def _fetch():
                                pltpu.sync_copy(
                                    xt_mat.at[pl.ds(r0, 256),
                                              pl.ds(i_al, 128)],
                                    zbuf_v)

                            vals = plsc.load_gather(
                                zbuf_v, [(q % 16) * 16 + lanes, colv])
                            return a + jnp.exp(vals)

                        zacc = lax.fori_loop(0, 48, chunk,
                                             jnp.zeros((16,), jnp.float32))
                        pltpu.sync_copy(
                            xt_mat.at[pl.ds(768, 232), pl.ds(i_al, 128)],
                            zbuf_v.at[pl.ds(0, 232)])

                        def chunk2(q, a):
                            vals = plsc.load_gather(
                                zbuf_v, [q * 16 + lanes, colv])
                            return a + jnp.exp(vals)

                        zacc2 = lax.fori_loop(0, 14, chunk2, zacc)
                        tidx = jnp.minimum(224 + lanes, 231)
                        tvals = plsc.load_gather(zbuf_v, [tidx, colv])
                        zacc3 = zacc2 + jnp.where(
                            lanes < 8, jnp.exp(tvals), 0.0)
                        s = jnp.sum(zacc3)
                        cur = tmp_v[...]
                        e0_l = jnp.sum(jnp.where(lanes == l, cur, 0.0))
                        tmp_v[...] = jnp.where(lanes == l, s - e0_l, cur)

                    return carry2

                lax.fori_loop(0, 16, lane, 0)

            neg16 = tmp_v[...]
            li16 = _ln(neg16 + jnp.exp(xt16)) - xt16
            return acc + li16

        acc_tot = lax.fori_loop(0, _NG, group, acc_tot)

    sfull = jnp.full((16,), jnp.sum(acc_tot), jnp.float32)
    for q in range(8):
        out_v[pl.ds(q * 16, 16)] = sfull
    pltpu.sync_copy(out_v, psum_out.at[wid])


def _fin_body(ps_ref, out_ref):
    ps = ps_ref[...]
    col = lax.broadcasted_iota(jnp.int32, ps.shape, 1)
    out_ref[0, 0] = jnp.sum(jnp.where(col == 0, ps, 0.0)) / _B


@jax.jit
def kernel(inputs, targets):
    t32 = targets.astype(jnp.int32)
    xt_mat = inputs.T

    mesh = plsc.VectorSubcoreMesh(core_axis_name="c", subcore_axis_name="s",
                                  num_cores=_NC, num_subcores=_NS)
    sc_fn = pl.kernel(
        _sc_body,
        out_type=jax.ShapeDtypeStruct((_NW, 128), jnp.float32),
        mesh=mesh,
        compiler_params=pltpu.CompilerParams(needs_layout_passes=False),
        scratch_types=[
            pltpu.VMEM((_RPW,), jnp.int32),
            pltpu.VMEM((_HALF, 128), jnp.float32),
            pltpu.VMEM((256, 128), jnp.float32),
            pltpu.VMEM((_RPW,), jnp.float32),
            pltpu.VMEM((16,), jnp.float32),
            pltpu.VMEM((128,), jnp.float32),
            pltpu.SemaphoreType.DMA,
        ],
    )
    psum = sc_fn(xt_mat, t32)

    loss = pl.pallas_call(
        _fin_body,
        out_specs=pl.BlockSpec(memory_space=pltpu.SMEM),
        out_shape=jax.ShapeDtypeStruct((1, 1), jnp.float32),
    )(psum)
    return (loss[0, 0]).astype(inputs.dtype)

# --- scband reference (transcript-rebuilt; emitter-appended) ---
"""Pipeline reference for scband-multi-positive-loss-8761733284104 (READ-ONLY COPY).

The authoritative reference and input builder live on the scoring server;
editing this copy changes nothing except your own understanding.
"""

import jax, jax.numpy as jnp
import numpy as np

B = 16384
C = 1000

def setup_inputs(seed: int = 0) -> dict:
    key = jax.random.key(seed)
    k1, k2 = jax.random.split(key)
    inputs = jax.random.normal(k1, (B, C), dtype=jnp.float32)
    targets = jax.random.randint(k2, (B,), 0, C, dtype=jnp.int64) if jax.config.jax_enable_x64 else jax.random.randint(k2, (B,), 0, C, dtype=jnp.int32)
    return {"inputs": inputs, "targets": targets}

def reference(inputs, targets):
    Bn, Cn = inputs.shape
    # mask = one-hot scatter of targets (the original torch scatter_)
    mask = jnp.zeros((Bn, Cn), dtype=inputs.dtype).at[jnp.arange(Bn), targets].set(1.0)
    # The torch loop sets targets_c at all nonzero-target rows to cls for cls in 1..C-1,
    # OR-ing one-hot scatters. Net effect:
    #   rows with target != 0 -> positive classes {1, ..., C-1}
    #   rows with target == 0 -> positive class {0} only
    nonzero = (targets != 0)
    cls_idx = jnp.arange(Cn)
    positive_mask = jnp.where(nonzero[:, None], cls_idx[None, :] >= 1, cls_idx[None, :] == 0)
    negative_mask = jnp.logical_not(positive_mask)
    exp_logits = jnp.exp(inputs)
    neg_sum = (exp_logits * negative_mask.astype(inputs.dtype)).sum(axis=1, keepdims=True)
    log_sum_exp_pos_and_all_neg = jnp.log(neg_sum + exp_logits)
    log_prob = inputs - log_sum_exp_pos_and_all_neg
    loss = (-mask * log_prob).sum(axis=1).mean()
    return loss

if __name__ == "__main__":
    import jax
    _d = setup_inputs()
    print(jax.jit(kernel)(*tuple(_d.values())))

</pallas_src>

<mosaic_0001>
#map = affine_map<(d0, d1) -> (0, 0)>
#map1 = affine_map<(d0, d1) -> (0)>
module attributes {stable_mosaic.version = 14 : i64} {
  func.func @_sc_body(%arg0: i32, %arg1: i32, %arg2: memref<1000x16384xf32, #tpu.memory_space<hbm>>, %arg3: memref<16384xi32, #tpu.memory_space<hbm>>, %arg4: memref<32x128xf32, #tpu.memory_space<hbm>>, %arg5: memref<512xi32, #tpu.memory_space<vmem>>, %arg6: memref<256x128xf32, #tpu.memory_space<vmem>>, %arg7: memref<256x128xf32, #tpu.memory_space<vmem>>, %arg8: memref<512xf32, #tpu.memory_space<vmem>>, %arg9: memref<16xf32, #tpu.memory_space<vmem>>, %arg10: memref<128xf32, #tpu.memory_space<vmem>>, %arg11: memref<!tpu.dma_semaphore, #tpu.memory_space<semaphore_mem>>) attributes {dimension_semantics = [#tpu.dimension_semantics<core_parallel>, #tpu.dimension_semantics<subcore_parallel>], iteration_bounds = array<i64: 2, 16>, scalar_prefetch = 0 : i64, scratch_operands = 7 : i64, tpu.core_type = #tpu.core_type<sc_vector_subcore>, window_params = [{transform_indices = #map}, {transform_indices = #map1}, {transform_indices = #map}]} {
    %mul3A = arith.constant 2 : i32
    %mul3A_0 = arith.muli %arg1, %mul3A : i32
    %add3A = arith.addi %mul3A_0, %arg0 : i32
    %mul3A_1 = arith.constant 512 : i32
    %mul3A_2 = arith.muli %add3A, %mul3A_1 : i32
    %iota3A = tpu.iota {dimensions = array<i32: 0>} : vector<16xi32>
    "tpu.region"() ({
      %run_scoped3A_127 = tpu.sem_alloc : memref<!tpu.dma_semaphore, #tpu.memory_space<semaphore_mem>>
      %dma_start3A_128 = tpu.memref_slice %arg3[%mul3A_2] : memref<16384xi32, #tpu.memory_space<hbm>> -> memref<512xi32, #tpu.memory_space<hbm>>
      %dma_start3A_129 = tpu.memref_slice %arg3[%mul3A_2] : memref<16384xi32, #tpu.memory_space<hbm>> -> memref<512xi32, #tpu.memory_space<hbm>>
      tpu.enqueue_dma source(%dma_start3A_129 : memref<512xi32, #tpu.memory_space<hbm>>) target(%arg5 : memref<512xi32, #tpu.memory_space<vmem>>) target_semaphore(%run_scoped3A_127 : memref<!tpu.dma_semaphore, #tpu.memory_space<semaphore_mem>>)
      %dma_wait3A_130 = tpu.memref_slice %arg3[%mul3A_2] : memref<16384xi32, #tpu.memory_space<hbm>> -> memref<512xi32, #tpu.memory_space<hbm>>
      %dma_wait3A_131 = tpu.memref_slice %arg3[%mul3A_2] : memref<16384xi32, #tpu.memory_space<hbm>> -> memref<512xi32, #tpu.memory_space<hbm>>
      tpu.wait_dma2 semaphore(%run_scoped3A_127 : memref<!tpu.dma_semaphore, #tpu.memory_space<semaphore_mem>>) src(%dma_wait3A_131 : memref<512xi32, #tpu.memory_space<hbm>>) dst(%arg5 : memref<512xi32, #tpu.memory_space<vmem>>)
      tpu.yield
    }) : () -> ()
    %run_scoped3A = arith.constant 0 : i32
    "tpu.region"() ({
      %run_scoped3A_127 = tpu.sem_alloc : memref<!tpu.dma_semaphore, #tpu.memory_space<semaphore_mem>>
      %dma_start3A_128 = tpu.memref_slice %arg2[%run_scoped3A, %mul3A_2] : memref<1000x16384xf32, #tpu.memory_space<hbm>> -> memref<1x512xf32, #tpu.memory_space<hbm>>
      %dma_start3A_129 = tpu.memref_squeeze %dma_start3A_128 : memref<1x512xf32, #tpu.memory_space<hbm>> -> memref<512xf32, #tpu.memory_space<hbm>>
      %dma_start3A_130 = tpu.memref_slice %arg2[%run_scoped3A, %mul3A_2] : memref<1000x16384xf32, #tpu.memory_space<hbm>> -> memref<1x512xf32, #tpu.memory_space<hbm>>
      %dma_start3A_131 = tpu.memref_squeeze %dma_start3A_130 : memref<1x512xf32, #tpu.memory_space<hbm>> -> memref<512xf32, #tpu.memory_space<hbm>>
      tpu.enqueue_dma source(%dma_start3A_131 : memref<512xf32, #tpu.memory_space<hbm>>) target(%arg8 : memref<512xf32, #tpu.memory_space<vmem>>) target_semaphore(%run_scoped3A_127 : memref<!tpu.dma_semaphore, #tpu.memory_space<semaphore_mem>>)
      %dma_wait3A_132 = tpu.memref_slice %arg2[%run_scoped3A, %mul3A_2] : memref<1000x16384xf32, #tpu.memory_space<hbm>> -> memref<1x512xf32, #tpu.memory_space<hbm>>
      %dma_wait3A_133 = tpu.memref_squeeze %dma_wait3A_132 : memref<1x512xf32, #tpu.memory_space<hbm>> -> memref<512xf32, #tpu.memory_space<hbm>>
      %dma_wait3A_134 = tpu.memref_slice %arg2[%run_scoped3A, %mul3A_2] : memref<1000x16384xf32, #tpu.memory_space<hbm>> -> memref<1x512xf32, #tpu.memory_space<hbm>>
      %dma_wait3A_135 = tpu.memref_squeeze %dma_wait3A_134 : memref<1x512xf32, #tpu.memory_space<hbm>> -> memref<512xf32, #tpu.memory_space<hbm>>
      tpu.wait_dma2 semaphore(%run_scoped3A_127 : memref<!tpu.dma_semaphore, #tpu.memory_space<semaphore_mem>>) src(%dma_wait3A_135 : memref<512xf32, #tpu.memory_space<hbm>>) dst(%arg8 : memref<512xf32, #tpu.memory_space<vmem>>)
      tpu.yield
    }) : () -> ()
    %broadcast_in_dim3A = arith.constant 0.000000e+00 : f32
    %broadcast_in_dim3A_3 = vector.broadcast %broadcast_in_dim3A : f32 to vector<16xf32>
    %add3A_4 = arith.constant 0 : i32
    %add3A_5 = arith.addi %mul3A_2, %add3A_4 : i32
    %add3A_6 = arith.constant 0 : i32
    %add3A_7 = arith.addi %add3A_5, %add3A_6 : i32
    %multiple_of3A = tpu.assume_multiple %add3A_7, 128 : i32
    %dma_start3A = arith.constant 0 : i32
    %dma_start3A_8 = arith.constant 0 : i32
    %dma_start3A_9 = tpu.memref_slice %arg6[%dma_start3A, %dma_start3A_8] : memref<256x128xf32, #tpu.memory_space<vmem>> -> memref<128x128xf32, #tpu.memory_space<vmem>>
    %dma_start3A_10 = arith.constant 0 : i32
    %dma_start3A_11 = tpu.memref_slice %arg5[%dma_start3A_10] : memref<512xi32, #tpu.memory_space<vmem>> -> memref<128xi32, #tpu.memory_space<vmem>>
    %dma_start3A_12 = arith.constant 0 : i32
    %dma_start3A_13 = tpu.memref_slice %arg2[%dma_start3A_12, %multiple_of3A] : memref<1000x16384xf32, #tpu.memory_space<hbm>> -> memref<1000x128xf32, #tpu.memory_space<hbm>>
    %dma_start3A_14 = arith.constant 0 : i32
    %dma_start3A_15 = arith.constant 0 : i32
    %dma_start3A_16 = tpu.memref_slice %dma_start3A_13[%dma_start3A_14, %dma_start3A_15] : memref<1000x128xf32, #tpu.memory_space<hbm>> -> memref<1000x128xf32, #tpu.memory_space<hbm>>
    tpu.enqueue_indirect_dma source(%dma_start3A_16 : memref<1000x128xf32, #tpu.memory_space<hbm>>) target(%dma_start3A_9 : memref<128x128xf32, #tpu.memory_space<vmem>>) offsets(%dma_start3A_11 : memref<128xi32, #tpu.memory_space<vmem>>) semaphore(%arg11 : memref<!tpu.dma_semaphore, #tpu.memory_space<semaphore_mem>>)
    %add3A_17 = arith.constant 128 : i32
    %add3A_18 = arith.addi %add3A_5, %add3A_17 : i32
    %multiple_of3A_19 = tpu.assume_multiple %add3A_18, 128 : i32
    %dma_start3A_20 = arith.constant 128 : i32
    %dma_start3A_21 = arith.constant 0 : i32
    %dma_start3A_22 = tpu.memref_slice %arg6[%dma_start3A_20, %dma_start3A_21] : memref<256x128xf32, #tpu.memory_space<vmem>> -> memref<128x128xf32, #tpu.memory_space<vmem>>
    %dma_start3A_23 = arith.constant 128 : i32
    %dma_start3A_24 = tpu.memref_slice %arg5[%dma_start3A_23] : memref<512xi32, #tpu.memory_space<vmem>> -> memref<128xi32, #tpu.memory_space<vmem>>
    %dma_start3A_25 = arith.constant 0 : i32
    %dma_start3A_26 = tpu.memref_slice %arg2[%dma_start3A_25, %multiple_of3A_19] : memref<1000x16384xf32, #tpu.memory_space<hbm>> -> memref<1000x128xf32, #tpu.memory_space<hbm>>
    %dma_start3A_27 = arith.constant 0 : i32
    %dma_start3A_28 = arith.constant 0 : i32
    %dma_start3A_29 = tpu.memref_slice %dma_start3A_26[%dma_start3A_27, %dma_start3A_28] : memref<1000x128xf32, #tpu.memory_space<hbm>> -> memref<1000x128xf32, #tpu.memory_space<hbm>>
    tpu.enqueue_indirect_dma source(%dma_start3A_29 : memref<1000x128xf32, #tpu.memory_space<hbm>>) target(%dma_start3A_22 : memref<128x128xf32, #tpu.memory_space<vmem>>) offsets(%dma_start3A_24 : memref<128xi32, #tpu.memory_space<vmem>>) semaphore(%arg11 : memref<!tpu.dma_semaphore, #tpu.memory_space<semaphore_mem>>)
    %dma_wait3A = arith.constant 0 : i32
    %dma_wait3A_30 = arith.constant 0 : i32
    %dma_wait3A_31 = tpu.memref_slice %arg6[%dma_wait3A, %dma_wait3A_30] : memref<256x128xf32, #tpu.memory_space<vmem>> -> memref<128x128xf32, #tpu.memory_space<vmem>>
    %dma_wait3A_32 = arith.constant 0 : i32
    %dma_wait3A_33 = tpu.memref_slice %arg5[%dma_wait3A_32] : memref<512xi32, #tpu.memory_space<vmem>> -> memref<128xi32, #tpu.memory_space<vmem>>
    %dma_wait3A_34 = arith.constant 0 : i32
    %dma_wait3A_35 = tpu.memref_slice %arg2[%dma_wait3A_34, %multiple_of3A] : memref<1000x16384xf32, #tpu.memory_space<hbm>> -> memref<1000x128xf32, #tpu.memory_space<hbm>>
    %dma_wait3A_36 = arith.constant 0 : i32
    %dma_wait3A_37 = arith.constant 0 : i32
    %dma_wait3A_38 = tpu.memref_slice %dma_wait3A_35[%dma_wait3A_36, %dma_wait3A_37] : memref<1000x128xf32, #tpu.memory_space<hbm>> -> memref<1000x128xf32, #tpu.memory_space<hbm>>
    tpu.wait_indirect_dma semaphore(%arg11 : memref<!tpu.dma_semaphore, #tpu.memory_space<semaphore_mem>>) src(%dma_wait3A_38 : memref<1000x128xf32, #tpu.memory_space<hbm>>) dst(%dma_wait3A_31 : memref<128x128xf32, #tpu.memory_space<vmem>>)
    %dma_wait3A_39 = arith.constant 128 : i32
    %dma_wait3A_40 = arith.constant 0 : i32
    %dma_wait3A_41 = tpu.memref_slice %arg6[%dma_wait3A_39, %dma_wait3A_40] : memref<256x128xf32, #tpu.memory_space<vmem>> -> memref<128x128xf32, #tpu.memory_space<vmem>>
    %dma_wait3A_42 = arith.constant 128 : i32
    %dma_wait3A_43 = tpu.memref_slice %arg5[%dma_wait3A_42] : memref<512xi32, #tpu.memory_space<vmem>> -> memref<128xi32, #tpu.memory_space<vmem>>
    %dma_wait3A_44 = arith.constant 0 : i32
    %dma_wait3A_45 = tpu.memref_slice %arg2[%dma_wait3A_44, %multiple_of3A_19] : memref<1000x16384xf32, #tpu.memory_space<hbm>> -> memref<1000x128xf32, #tpu.memory_space<hbm>>
    %dma_wait3A_46 = arith.constant 0 : i32
    %dma_wait3A_47 = arith.constant 0 : i32
    %dma_wait3A_48 = tpu.memref_slice %dma_wait3A_45[%dma_wait3A_46, %dma_wait3A_47] : memref<1000x128xf32, #tpu.memory_space<hbm>> -> memref<1000x128xf32, #tpu.memory_space<hbm>>
    tpu.wait_indirect_dma semaphore(%arg11 : memref<!tpu.dma_semaphore, #tpu.memory_space<semaphore_mem>>) src(%dma_wait3A_48 : memref<1000x128xf32, #tpu.memory_space<hbm>>) dst(%dma_wait3A_41 : memref<128x128xf32, #tpu.memory_space<vmem>>)
    %scan3A = arith.constant 0 : i32
    %scan3A_49 = arith.constant 16 : i32
    %scan3A_50 = arith.addi %scan3A, %scan3A_49 : i32
    %scan3A_51 = arith.constant 1 : i32
    %scan3A_52 = scf.for %scan3A_127 = %scan3A to %scan3A_50 step %scan3A_51 iter_args(%scan3A_128 = %broadcast_in_dim3A_3) -> (vector<16xf32>)  : i32 {
      %mul3A_129 = arith.constant 16 : i32
      %mul3A_130 = arith.muli %scan3A_127, %mul3A_129 : i32
      %add3A_131 = arith.constant 0 : i32
      %add3A_132 = arith.addi %add3A_131, %mul3A_130 : i32
      %get3A = arith.index_cast %add3A_132 : i32 to index
      %get3A_133 = tpu.vector_load %arg5[%get3A] {strides = array<i32>} : memref<512xi32, #tpu.memory_space<vmem>>, vector<16xi32>,
      %add3A_134 = arith.addi %add3A_5, %mul3A_130 : i32
      %add3A_135 = arith.addi %add3A_5, %mul3A_130 : i32
      %jit3A = arith.constant 128 : i32
      %div3A = arith.divsi %add3A_135, %jit3A : i32
      %sign3A = arith.constant 0 : i32
      %sign3A_136 = arith.cmpi sgt, %add3A_135, %sign3A : i32
      %sign3A_137 = arith.extui %sign3A_136 : i1 to i32
      %sign3A_138 = arith.constant 0 : i32
      %sign3A_139 = arith.cmpi slt, %add3A_135, %sign3A_138 : i32
      %sign3A_140 = arith.extui %sign3A_139 : i1 to i32
      %sign3A_141 = arith.subi %sign3A_137, %sign3A_140 : i32
      %sign3A_142 = arith.constant 0 : i32
      %sign3A_143 = arith.cmpi sgt, %jit3A, %sign3A_142 : i32
      %sign3A_144 = arith.extui %sign3A_143 : i1 to i32
      %sign3A_145 = arith.constant 0 : i32
      %sign3A_146 = arith.cmpi slt, %jit3A, %sign3A_145 : i32
      %sign3A_147 = arith.extui %sign3A_146 : i1 to i32
      %sign3A_148 = arith.subi %sign3A_144, %sign3A_147 : i32
      %ne3A = arith.cmpi ne, %sign3A_141, %sign3A_148 : i32
      %rem3A = arith.remsi %add3A_135, %jit3A : i32
      %ne3A_149 = arith.constant 0 : i32
      %ne3A_150 = arith.cmpi ne, %rem3A, %ne3A_149 : i32
      %and3A = arith.andi %ne3A, %ne3A_150 : i1
      %sub3A = arith.constant 1 : i32
      %sub3A_151 = arith.subi %div3A, %sub3A : i32
      %select_n3A = arith.select %and3A, %sub3A_151, %div3A : i32
      %mul3A_152 = arith.constant 128 : i32
      %mul3A_153 = arith.muli %select_n3A, %mul3A_152 : i32
      %sub3A_154 = arith.subi %add3A_134, %mul3A_153 : i32
      %add3A_155 = vector.broadcast %mul3A_130 : i32 to vector<16xi32>
      %add3A_156 = arith.addi %add3A_155, %iota3A : vector<16xi32>
      %add3A_157 = vector.broadcast %sub3A_154 : i32 to vector<16xi32>
      %add3A_158 = arith.addi %add3A_157, %iota3A : vector<16xi32>
      %gather3A = tpu.vector_load_idx %arg6[%add3A_156, %add3A_158] : memref<256x128xf32, #tpu.memory_space<vmem>>[vector<16xi32>, vector<16xi32>], vector<16xf32>,
      %add3A_159 = arith.constant 0 : i32
      %add3A_160 = arith.addi %add3A_159, %mul3A_130 : i32
      %get3A_161 = arith.index_cast %add3A_160 : i32 to index
      %get3A_162 = tpu.vector_load %arg8[%get3A_161] {strides = array<i32>} : memref<512xf32, #tpu.memory_space<vmem>>, vector<16xf32>,
      %exp3A = math.exp %get3A_162 : vector<16xf32>
      %swap3A_163 = arith.constant 0 : index
      %swap3A_164 = tpu.vector_load %arg9[%swap3A_163] {strides = array<i32>} : memref<16xf32, #tpu.memory_space<vmem>>, vector<16xf32>,
      tpu.vector_store %arg9[%swap3A_163], %exp3A {strides = array<i32>} : memref<16xf32, #tpu.memory_space<vmem>>, vector<16xf32>,
      %eq3A = arith.constant 0 : i32
      %eq3A_165 = vector.broadcast %eq3A : i32 to vector<16xi32>
      %eq3A_166 = arith.cmpi eq, %get3A_133, %eq3A_165 : vector<16xi32>
      %all_reduce_population_count3A = tpu.all_reduce %eq3A_166 {dim = 0 : i64, kind = #tpu.reduction_kind<sum>} : vector<16xi1> -> vector<16xi32>
      %slice3A = vector.extract_strided_slice %all_reduce_population_count3A {offsets = [0], sizes = [1], strides = [1]} : vector<16xi32> to vector<1xi32>
      %squeeze3A = vector.extract %slice3A[0] : i32 from vector<1xi32>
      %gt3A = arith.constant 0 : i32
      %gt3A_167 = arith.cmpi sgt, %squeeze3A, %gt3A : i32
      %convert_element_type3A = arith.extui %gt3A_167 : i1 to i32
      %cond3A = arith.constant 0 : i32
      %cond3A_168 = arith.cmpi ne, %convert_element_type3A, %cond3A : i32
      scf.if %cond3A_168 {
        %scan3A_229 = arith.constant 0 : i32
        %scan3A_230 = arith.constant 0 : i32
        %scan3A_231 = arith.constant 16 : i32
        %scan3A_232 = arith.addi %scan3A_230, %scan3A_231 : i32
        %scan3A_233 = arith.constant 1 : i32
        scf.for %scan3A_235 = %scan3A_230 to %scan3A_232 step %scan3A_233  : i32 {
          %eq3A_236 = vector.broadcast %scan3A_235 : i32 to vector<16xi32>
          %eq3A_237 = arith.cmpi eq, %iota3A, %eq3A_236 : vector<16xi32>
          %jit3A_238 = arith.constant 0 : i32
          %broadcast_in_dim3A_239 = vector.broadcast %jit3A_238 : i32 to vector<16xi32>
          %select_n3A_240 = arith.select %eq3A_237, %get3A_133, %broadcast_in_dim3A_239 : vector<16xi1>, vector<16xi32>
          %reduce_sum3A_241 = arith.constant true
          %reduce_sum3A_242 = vector.broadcast %reduce_sum3A_241 : i1 to vector<16xi1>
          %reduce_sum3A_243 = tpu.scan <sum>, %select_n3A_240 masked %reduce_sum3A_242 : vector<16xi32>, vector<16xi1> -> vector<16xi32>
          %reduce_sum3A_244 = vector.extract %reduce_sum3A_243[15] : i32 from vector<16xi32>
          %eq3A_245 = arith.constant 0 : i32
          %eq3A_246 = arith.cmpi eq, %reduce_sum3A_244, %eq3A_245 : i32
          %convert_element_type3A_247 = arith.extui %eq3A_246 : i1 to i32
          %cond3A_248 = arith.constant 0 : i32
          %cond3A_249 = arith.cmpi ne, %convert_element_type3A_247, %cond3A_248 : i32
          scf.if %cond3A_249 {
            %add3A_250 = arith.addi %add3A_5, %mul3A_130 : i32
            %add3A_251 = arith.addi %add3A_250, %scan3A_235 : i32
            %jit3A_252 = arith.constant 128 : i32
            %div3A_253 = arith.divsi %add3A_251, %jit3A_252 : i32
            %sign3A_254 = arith.constant 0 : i32
            %sign3A_255 = arith.cmpi sgt, %add3A_251, %sign3A_254 : i32
            %sign3A_256 = arith.extui %sign3A_255 : i1 to i32
            %sign3A_257 = arith.constant 0 : i32
            %sign3A_258 = arith.cmpi slt, %add3A_251, %sign3A_257 : i32
            %sign3A_259 = arith.extui %sign3A_258 : i1 to i32
            %sign3A_260 = arith.subi %sign3A_256, %sign3A_259 : i32
            %sign3A_261 = arith.constant 0 : i32
            %sign3A_262 = arith.cmpi sgt, %jit3A_252, %sign3A_261 : i32
            %sign3A_263 = arith.extui %sign3A_262 : i1 to i32
            %sign3A_264 = arith.constant 0 : i32
            %sign3A_265 = arith.cmpi slt, %jit3A_252, %sign3A_264 : i32
            %sign3A_266 = arith.extui %sign3A_265 : i1 to i32
            %sign3A_267 = arith.subi %sign3A_263, %sign3A_266 : i32
            %ne3A_268 = arith.cmpi ne, %sign3A_260, %sign3A_267 : i32
            %rem3A_269 = arith.remsi %add3A_251, %jit3A_252 : i32
            %ne3A_270 = arith.constant 0 : i32
            %ne3A_271 = arith.cmpi ne, %rem3A_269, %ne3A_270 : i32
            %and3A_272 = arith.andi %ne3A_268, %ne3A_271 : i1
            %sub3A_273 = arith.constant 1 : i32
            %sub3A_274 = arith.subi %div3A_253, %sub3A_273 : i32
            %select_n3A_275 = arith.select %and3A_272, %sub3A_274, %div3A_253 : i32
            %mul3A_276 = arith.constant 128 : i32
            %mul3A_277 = arith.muli %select_n3A_275, %mul3A_276 : i32
            %multiple_of3A_278 = tpu.assume_multiple %mul3A_277, 128 : i32
            %sub3A_279 = arith.subi %add3A_251, %multiple_of3A_278 : i32
            %broadcast_in_dim3A_280 = vector.broadcast %sub3A_279 : i32 to vector<16xi32>
            %broadcast_in_dim3A_281 = arith.constant 0.000000e+00 : f32
            %broadcast_in_dim3A_282 = vector.broadcast %broadcast_in_dim3A_281 : f32 to vector<16xf32>
            %scan3A_283 = arith.constant 0 : i32
            %scan3A_284 = arith.constant 48 : i32
            %scan3A_285 = arith.addi %scan3A_283, %scan3A_284 : i32
            %scan3A_286 = arith.constant 1 : i32
            %scan3A_287 = scf.for %scan3A_330 = %scan3A_283 to %scan3A_285 step %scan3A_286 iter_args(%scan3A_331 = %broadcast_in_dim3A_282) -> (vector<16xf32>)  : i32 {
              %jit3A_332 = arith.constant 16 : i32
              %div3A_333 = arith.divsi %scan3A_330, %jit3A_332 : i32
              %sign3A_334 = arith.constant 0 : i32
              %sign3A_335 = arith.cmpi sgt, %scan3A_330, %sign3A_334 : i32
              %sign3A_336 = arith.extui %sign3A_335 : i1 to i32
              %sign3A_337 = arith.constant 0 : i32
              %sign3A_338 = arith.cmpi slt, %scan3A_330, %sign3A_337 : i32
              %sign3A_339 = arith.extui %sign3A_338 : i1 to i32
              %sign3A_340 = arith.subi %sign3A_336, %sign3A_339 : i32
              %sign3A_341 = arith.constant 0 : i32
              %sign3A_342 = arith.cmpi sgt, %jit3A_332, %sign3A_341 : i32
              %sign3A_343 = arith.extui %sign3A_342 : i1 to i32
              %sign3A_344 = arith.constant 0 : i32
              %sign3A_345 = arith.cmpi slt, %jit3A_332, %sign3A_344 : i32
              %sign3A_346 = arith.extui %sign3A_345 : i1 to i32
              %sign3A_347 = arith.subi %sign3A_343, %sign3A_346 : i32
              %ne3A_348 = arith.cmpi ne, %sign3A_340, %sign3A_347 : i32
              %rem3A_349 = arith.remsi %scan3A_330, %jit3A_332 : i32
              %ne3A_350 = arith.constant 0 : i32
              %ne3A_351 = arith.cmpi ne, %rem3A_349, %ne3A_350 : i32
              %and3A_352 = arith.andi %ne3A_348, %ne3A_351 : i1
              %sub3A_353 = arith.constant 1 : i32
              %sub3A_354 = arith.subi %div3A_333, %sub3A_353 : i32
              %select_n3A_355 = arith.select %and3A_352, %sub3A_354, %div3A_333 : i32
              %mul3A_356 = arith.constant 256 : i32
              %mul3A_357 = arith.muli %select_n3A_355, %mul3A_356 : i32
              %jit3A_358 = arith.constant 16 : i32
              %eq3A_359 = arith.constant 0 : i32
              %eq3A_360 = arith.cmpi eq, %jit3A_358, %eq3A_359 : i32
              %jit3A_361 = arith.constant 1 : i32
              %select_n3A_362 = arith.select %eq3A_360, %jit3A_361, %jit3A_358 : i32
              %rem3A_363 = arith.remsi %scan3A_330, %select_n3A_362 : i32
              %ne3A_364 = arith.constant 0 : i32
              %ne3A_365 = arith.cmpi ne, %rem3A_363, %ne3A_364 : i32
              %lt3A_366 = arith.constant 0 : i32
              %lt3A_367 = arith.cmpi slt, %rem3A_363, %lt3A_366 : i32
              %lt3A_368 = arith.constant 0 : i32
              %lt3A_369 = arith.cmpi slt, %select_n3A_362, %lt3A_368 : i32
              %ne3A_370 = arith.xori %lt3A_367, %lt3A_369 : i1
              %and3A_371 = arith.andi %ne3A_370, %ne3A_365 : i1
              %add3A_372 = arith.addi %rem3A_363, %select_n3A_362 : i32
              %select_n3A_373 = arith.select %and3A_371, %add3A_372, %rem3A_363 : i32
              %eq3A_374 = arith.constant 0 : i32
              %eq3A_375 = arith.cmpi eq, %select_n3A_373, %eq3A_374 : i32
              %convert_element_type3A_376 = arith.extui %eq3A_375 : i1 to i32
              %cond3A_377 = arith.constant 0 : i32
              %cond3A_378 = arith.cmpi ne, %convert_element_type3A_376, %cond3A_377 : i32
              scf.if %cond3A_378 {
                "tpu.region"() ({
                  %run_scoped3A_402 = tpu.sem_alloc : memref<!tpu.dma_semaphore, #tpu.memory_space<semaphore_mem>>
                  %dma_start3A_403 = tpu.memref_slice %arg2[%mul3A_357, %multiple_of3A_278] : memref<1000x16384xf32, #tpu.memory_space<hbm>> -> memref<256x128xf32, #tpu.memory_space<hbm>>
                  %dma_start3A_404 = tpu.memref_slice %arg2[%mul3A_357, %multiple_of3A_278] : memref<1000x16384xf32, #tpu.memory_space<hbm>> -> memref<256x128xf32, #tpu.memory_space<hbm>>
                  tpu.enqueue_dma source(%dma_start3A_404 : memref<256x128xf32, #tpu.memory_space<hbm>>) target(%arg7 : memref<256x128xf32, #tpu.memory_space<vmem>>) target_semaphore(%run_scoped3A_402 : memref<!tpu.dma_semaphore, #tpu.memory_space<semaphore_mem>>)
                  %dma_wait3A_405 = tpu.memref_slice %arg2[%mul3A_357, %multiple_of3A_278] : memref<1000x16384xf32, #tpu.memory_space<hbm>> -> memref<256x128xf32, #tpu.memory_space<hbm>>
                  %dma_wait3A_406 = tpu.memref_slice %arg2[%mul3A_357, %multiple_of3A_278] : memref<1000x16384xf32, #tpu.memory_space<hbm>> -> memref<256x128xf32, #tpu.memory_space<hbm>>
                  tpu.wait_dma2 semaphore(%run_scoped3A_402 : memref<!tpu.dma_semaphore, #tpu.memory_space<semaphore_mem>>) src(%dma_wait3A_406 : memref<256x128xf32, #tpu.memory_space<hbm>>) dst(%arg7 : memref<256x128xf32, #tpu.memory_space<vmem>>)
                  tpu.yield
                }) : () -> ()
              } else {
              }
              %jit3A_379 = arith.constant 16 : i32
              %eq3A_380 = arith.constant 0 : i32
              %eq3A_381 = arith.cmpi eq, %jit3A_379, %eq3A_380 : i32
              %jit3A_382 = arith.constant 1 : i32
              %select_n3A_383 = arith.select %eq3A_381, %jit3A_382, %jit3A_379 : i32
              %rem3A_384 = arith.remsi %scan3A_330, %select_n3A_383 : i32
              %ne3A_385 = arith.constant 0 : i32
              %ne3A_386 = arith.cmpi ne, %rem3A_384, %ne3A_385 : i32
              %lt3A_387 = arith.constant 0 : i32
              %lt3A_388 = arith.cmpi slt, %rem3A_384, %lt3A_387 : i32
              %lt3A_389 = arith.constant 0 : i32
              %lt3A_390 = arith.cmpi slt, %select_n3A_383, %lt3A_389 : i32
              %ne3A_391 = arith.xori %lt3A_388, %lt3A_390 : i1
              %and3A_392 = arith.andi %ne3A_391, %ne3A_386 : i1
              %add3A_393 = arith.addi %rem3A_384, %select_n3A_383 : i32
              %select_n3A_394 = arith.select %and3A_392, %add3A_393, %rem3A_384 : i32
              %mul3A_395 = arith.constant 16 : i32
              %mul3A_396 = arith.muli %select_n3A_394, %mul3A_395 : i32
              %add3A_397 = vector.broadcast %mul3A_396 : i32 to vector<16xi32>
              %add3A_398 = arith.addi %add3A_397, %iota3A : vector<16xi32>
              %gather3A_399 = tpu.vector_load_idx %arg7[%add3A_398, %broadcast_in_dim3A_280] : memref<256x128xf32, #tpu.memory_space<vmem>>[vector<16xi32>, vector<16xi32>], vector<16xf32>,
              %exp3A_400 = math.exp %gather3A_399 : vector<16xf32>
              %add3A_401 = arith.addf %scan3A_331, %exp3A_400 : vector<16xf32>
              scf.yield %add3A_401 : vector<16xf32>
            }
            %scan3A_288 = arith.constant 48 : i32
            "tpu.region"() ({
              %run_scoped3A_330 = tpu.sem_alloc : memref<!tpu.dma_semaphore, #tpu.memory_space<semaphore_mem>>
              %dma_start3A_331 = arith.constant 0 : i32
              %dma_start3A_332 = arith.constant 0 : i32
              %dma_start3A_333 = tpu.memref_slice %arg7[%dma_start3A_331, %dma_start3A_332] : memref<256x128xf32, #tpu.memory_space<vmem>> -> memref<232x128xf32, #tpu.memory_space<vmem>>
              %dma_start3A_334 = arith.constant 768 : i32
              %dma_start3A_335 = tpu.memref_slice %arg2[%dma_start3A_334, %multiple_of3A_278] : memref<1000x16384xf32, #tpu.memory_space<hbm>> -> memref<232x128xf32, #tpu.memory_space<hbm>>
              %dma_start3A_336 = arith.constant 0 : i32
              %dma_start3A_337 = arith.constant 0 : i32
              %dma_start3A_338 = tpu.memref_slice %arg7[%dma_start3A_336, %dma_start3A_337] : memref<256x128xf32, #tpu.memory_space<vmem>> -> memref<232x128xf32, #tpu.memory_space<vmem>>
              %dma_start3A_339 = arith.constant 768 : i32
              %dma_start3A_340 = tpu.memref_slice %arg2[%dma_start3A_339, %multiple_of3A_278] : memref<1000x16384xf32, #tpu.memory_space<hbm>> -> memref<232x128xf32, #tpu.memory_space<hbm>>
              tpu.enqueue_dma source(%dma_start3A_340 : memref<232x128xf32, #tpu.memory_space<hbm>>) target(%dma_start3A_338 : memref<232x128xf32, #tpu.memory_space<vmem>>) target_semaphore(%run_scoped3A_330 : memref<!tpu.dma_semaphore, #tpu.memory_space<semaphore_mem>>)
              %dma_wait3A_341 = arith.constant 0 : i32
              %dma_wait3A_342 = arith.constant 0 : i32
              %dma_wait3A_343 = tpu.memref_slice %arg7[%dma_wait3A_341, %dma_wait3A_342] : memref<256x128xf32, #tpu.memory_space<vmem>> -> memref<232x128xf32, #tpu.memory_space<vmem>>
              %dma_wait3A_344 = arith.constant 768 : i32
              %dma_wait3A_345 = tpu.memref_slice %arg2[%dma_wait3A_344, %multiple_of3A_278] : memref<1000x16384xf32, #tpu.memory_space<hbm>> -> memref<232x128xf32, #tpu.memory_space<hbm>>
              %dma_wait3A_346 = arith.constant 0 : i32
              %dma_wait3A_347 = arith.constant 0 : i32
              %dma_wait3A_348 = tpu.memref_slice %arg7[%dma_wait3A_346, %dma_wait3A_347] : memref<256x128xf32, #tpu.memory_space<vmem>> -> memref<232x128xf32, #tpu.memory_space<vmem>>
              %dma_wait3A_349 = arith.constant 768 : i32
              %dma_wait3A_350 = tpu.memref_slice %arg2[%dma_wait3A_349, %multiple_of3A_278] : memref<1000x16384xf32, #tpu.memory_space<hbm>> -> memref<232x128xf32, #tpu.memory_space<hbm>>
              tpu.wait_dma2 semaphore(%run_scoped3A_330 : memref<!tpu.dma_semaphore, #tpu.memory_space<semaphore_mem>>) src(%dma_wait3A_350 : memref<232x128xf32, #tpu.memory_space<hbm>>) dst(%dma_wait3A_348 : memref<232x128xf32, #tpu.memory_space<vmem>>)
              tpu.yield
            }) : () -> ()
            %scan3A_289 = arith.constant 0 : i32
            %scan3A_290 = arith.constant 14 : i32
            %scan3A_291 = arith.addi %scan3A_289, %scan3A_290 : i32
            %scan3A_292 = arith.constant 1 : i32
            %scan3A_293 = scf.for %scan3A_330 = %scan3A_289 to %scan3A_291 step %scan3A_292 iter_args(%scan3A_331 = %scan3A_287) -> (vector<16xf32>)  : i32 {
              %mul3A_332 = arith.constant 16 : i32
              %mul3A_333 = arith.muli %scan3A_330, %mul3A_332 : i32
              %add3A_334 = vector.broadcast %mul3A_333 : i32 to vector<16xi32>
              %add3A_335 = arith.addi %add3A_334, %iota3A : vector<16xi32>
              %gather3A_336 = tpu.vector_load_idx %arg7[%add3A_335, %broadcast_in_dim3A_280] : memref<256x128xf32, #tpu.memory_space<vmem>>[vector<16xi32>, vector<16xi32>], vector<16xf32>,
              %exp3A_337 = math.exp %gather3A_336 : vector<16xf32>
              %add3A_338 = arith.addf %scan3A_331, %exp3A_337 : vector<16xf32>
              scf.yield %add3A_338 : vector<16xf32>
            }
            %scan3A_294 = arith.constant 14 : i32
            %add3A_295 = arith.constant 224 : i32
            %add3A_296 = vector.broadcast %add3A_295 : i32 to vector<16xi32>
            %add3A_297 = arith.addi %add3A_296, %iota3A : vector<16xi32>
            %min3A = arith.constant 231 : i32
            %min3A_298 = vector.broadcast %min3A : i32 to vector<16xi32>
            %min3A_299 = arith.minsi %add3A_297, %min3A_298 : vector<16xi32>
            %gather3A_300 = tpu.vector_load_idx %arg7[%min3A_299, %broadcast_in_dim3A_280] : memref<256x128xf32, #tpu.memory_space<vmem>>[vector<16xi32>, vector<16xi32>], vector<16xf32>,
            %lt3A = arith.constant 8 : i32
            %lt3A_301 = vector.broadcast %lt3A : i32 to vector<16xi32>
            %lt3A_302 = arith.cmpi slt, %iota3A, %lt3A_301 : vector<16xi32>
            %exp3A_303 = math.exp %gather3A_300 : vector<16xf32>
            %jit3A_304 = arith.constant 0.000000e+00 : f32
            %broadcast_in_dim3A_305 = vector.broadcast %jit3A_304 : f32 to vector<16xf32>
            %select_n3A_306 = arith.select %lt3A_302, %exp3A_303, %broadcast_in_dim3A_305 : vector<16xi1>, vector<16xf32>
            %add3A_307 = arith.addf %scan3A_293, %select_n3A_306 : vector<16xf32>
            %reduce_sum3A_308 = arith.constant true
            %reduce_sum3A_309 = vector.broadcast %reduce_sum3A_308 : i1 to vector<16xi1>
            %reduce_sum3A_310 = tpu.scan <sum>, %add3A_307 masked %reduce_sum3A_309 : vector<16xf32>, vector<16xi1> -> vector<16xf32>
            %reduce_sum3A_311 = vector.extract %reduce_sum3A_310[15] : f32 from vector<16xf32>
            %get3A_312 = arith.constant 0 : index
            %get3A_313 = tpu.vector_load %arg9[%get3A_312] {strides = array<i32>} : memref<16xf32, #tpu.memory_space<vmem>>, vector<16xf32>,
            %eq3A_314 = vector.broadcast %scan3A_235 : i32 to vector<16xi32>
            %eq3A_315 = arith.cmpi eq, %iota3A, %eq3A_314 : vector<16xi32>
            %jit3A_316 = arith.constant 0.000000e+00 : f32
            %broadcast_in_dim3A_317 = vector.broadcast %jit3A_316 : f32 to vector<16xf32>
            %select_n3A_318 = arith.select %eq3A_315, %get3A_313, %broadcast_in_dim3A_317 : vector<16xi1>, vector<16xf32>
            %reduce_sum3A_319 = arith.constant true
            %reduce_sum3A_320 = vector.broadcast %reduce_sum3A_319 : i1 to vector<16xi1>
            %reduce_sum3A_321 = tpu.scan <sum>, %select_n3A_318 masked %reduce_sum3A_320 : vector<16xf32>, vector<16xi1> -> vector<16xf32>
            %reduce_sum3A_322 = vector.extract %reduce_sum3A_321[15] : f32 from vector<16xf32>
            %eq3A_323 = vector.broadcast %scan3A_235 : i32 to vector<16xi32>
            %eq3A_324 = arith.cmpi eq, %iota3A, %eq3A_323 : vector<16xi32>
            %sub3A_325 = arith.subf %reduce_sum3A_311, %reduce_sum3A_322 : f32
            %broadcast_in_dim3A_326 = vector.broadcast %sub3A_325 : f32 to vector<16xf32>
            %select_n3A_327 = arith.select %eq3A_324, %broadcast_in_dim3A_326, %get3A_313 : vector<16xi1>, vector<16xf32>
            %swap3A_328 = arith.constant 0 : index
            %swap3A_329 = tpu.vector_load %arg9[%swap3A_328] {strides = array<i32>} : memref<16xf32, #tpu.memory_space<vmem>>, vector<16xf32>,
            tpu.vector_store %arg9[%swap3A_328], %select_n3A_327 {strides = array<i32>} : memref<16xf32, #tpu.memory_space<vmem>>, vector<16xf32>,
          } else {
          }
        }
        %scan3A_234 = arith.constant 16 : i32
      } else {
      }
      %get3A_169 = arith.constant 0 : index
      %get3A_170 = tpu.vector_load %arg9[%get3A_169] {strides = array<i32>} : memref<16xf32, #tpu.memory_space<vmem>>, vector<16xf32>,
      %exp3A_171 = math.exp %gather3A : vector<16xf32>
      %add3A_172 = arith.addf %get3A_170, %exp3A_171 : vector<16xf32>
      %bitcast_convert_type3A = tpu.bitcast %add3A_172 : vector<16xf32> -> vector<16xi32>
      %shift_right_arithmetic3A = arith.constant 23 : i32
      %shift_right_arithmetic3A_173 = vector.broadcast %shift_right_arithmetic3A : i32 to vector<16xi32>
      %shift_right_arithmetic3A_174 = arith.shrsi %bitcast_convert_type3A, %shift_right_arithmetic3A_173 : vector<16xi32>
      %and3A_175 = arith.constant 255 : i32
      %and3A_176 = vector.broadcast %and3A_175 : i32 to vector<16xi32>
      %and3A_177 = arith.andi %shift_right_arithmetic3A_174, %and3A_176 : vector<16xi32>
      %sub3A_178 = arith.constant 127 : i32
      %sub3A_179 = vector.broadcast %sub3A_178 : i32 to vector<16xi32>
      %sub3A_180 = arith.subi %and3A_177, %sub3A_179 : vector<16xi32>
      %and3A_181 = arith.constant 8388607 : i32
      %and3A_182 = vector.broadcast %and3A_181 : i32 to vector<16xi32>
      %and3A_183 = arith.andi %bitcast_convert_type3A, %and3A_182 : vector<16xi32>
      %or3A = arith.constant 1065353216 : i32
      %or3A_184 = vector.broadcast %or3A : i32 to vector<16xi32>
      %or3A_185 = arith.ori %and3A_183, %or3A_184 : vector<16xi32>
      %bitcast_convert_type3A_186 = tpu.bitcast %or3A_185 : vector<16xi32> -> vector<16xf32>
      %ge3A = arith.constant 1.41421354 : f32
      %ge3A_187 = vector.broadcast %ge3A : f32 to vector<16xf32>
      %ge3A_188 = arith.cmpf oge, %bitcast_convert_type3A_186, %ge3A_187 : vector<16xf32>
      %mul3A_189 = arith.constant 5.000000e-01 : f32
      %mul3A_190 = vector.broadcast %mul3A_189 : f32 to vector<16xf32>
      %mul3A_191 = arith.mulf %bitcast_convert_type3A_186, %mul3A_190 : vector<16xf32>
      %select_n3A_192 = arith.select %ge3A_188, %mul3A_191, %bitcast_convert_type3A_186 : vector<16xi1>, vector<16xf32>
      %jit3A_193 = arith.constant 1 : i32
      %jit3A_194 = arith.constant 0 : i32
      %broadcast_in_dim3A_195 = vector.broadcast %jit3A_193 : i32 to vector<16xi32>
      %broadcast_in_dim3A_196 = vector.broadcast %jit3A_194 : i32 to vector<16xi32>
      %select_n3A_197 = arith.select %ge3A_188, %broadcast_in_dim3A_195, %broadcast_in_dim3A_196 : vector<16xi1>, vector<16xi32>
      %add3A_198 = arith.addi %sub3A_180, %select_n3A_197 : vector<16xi32>
      %convert_element_type3A_199 = arith.sitofp %add3A_198 : vector<16xi32> to vector<16xf32>
      %sub3A_200 = arith.constant 1.000000e+00 : f32
      %sub3A_201 = vector.broadcast %sub3A_200 : f32 to vector<16xf32>
      %sub3A_202 = arith.subf %select_n3A_192, %sub3A_201 : vector<16xf32>
      %add3A_203 = arith.constant 2.000000e+00 : f32
      %add3A_204 = vector.broadcast %add3A_203 : f32 to vector<16xf32>
      %add3A_205 = arith.addf %add3A_204, %sub3A_202 : vector<16xf32>
      %div3A_206 = arith.divf %sub3A_202, %add3A_205 : vector<16xf32>
      %mul3A_207 = arith.mulf %div3A_206, %div3A_206 : vector<16xf32>
      %mul3A_208 = arith.constant 0.285714298 : f32
      %mul3A_209 = vector.broadcast %mul3A_208 : f32 to vector<16xf32>
      %mul3A_210 = arith.mulf %mul3A_207, %mul3A_209 : vector<16xf32>
      %add3A_211 = arith.constant 4.000000e-01 : f32
      %add3A_212 = vector.broadcast %add3A_211 : f32 to vector<16xf32>
      %add3A_213 = arith.addf %add3A_212, %mul3A_210 : vector<16xf32>
      %mul3A_214 = arith.mulf %mul3A_207, %add3A_213 : vector<16xf32>
      %add3A_215 = arith.constant 0.666666686 : f32
      %add3A_216 = vector.broadcast %add3A_215 : f32 to vector<16xf32>
      %add3A_217 = arith.addf %add3A_216, %mul3A_214 : vector<16xf32>
      %mul3A_218 = arith.mulf %mul3A_207, %add3A_217 : vector<16xf32>
      %add3A_219 = arith.constant 2.000000e+00 : f32
      %add3A_220 = vector.broadcast %add3A_219 : f32 to vector<16xf32>
      %add3A_221 = arith.addf %add3A_220, %mul3A_218 : vector<16xf32>
      %mul3A_222 = arith.mulf %div3A_206, %add3A_221 : vector<16xf32>
      %mul3A_223 = arith.constant 0.693147182 : f32
      %mul3A_224 = vector.broadcast %mul3A_223 : f32 to vector<16xf32>
      %mul3A_225 = arith.mulf %convert_element_type3A_199, %mul3A_224 : vector<16xf32>
      %add3A_226 = arith.addf %mul3A_225, %mul3A_222 : vector<16xf32>
      %sub3A_227 = arith.subf %add3A_226, %gather3A : vector<16xf32>
      %add3A_228 = arith.addf %scan3A_128, %sub3A_227 : vector<16xf32>
      scf.yield %add3A_228 : vector<16xf32>
    }
    %scan3A_53 = arith.constant 16 : i32
    %add3A_54 = arith.constant 256 : i32
    %add3A_55 = arith.addi %mul3A_2, %add3A_54 : i32
    %add3A_56 = arith.constant 0 : i32
    %add3A_57 = arith.addi %add3A_55, %add3A_56 : i32
    %multiple_of3A_58 = tpu.assume_multiple %add3A_57, 128 : i32
    %dma_start3A_59 = arith.constant 0 : i32
    %dma_start3A_60 = arith.constant 0 : i32
    %dma_start3A_61 = tpu.memref_slice %arg6[%dma_start3A_59, %dma_start3A_60] : memref<256x128xf32, #tpu.memory_space<vmem>> -> memref<128x128xf32, #tpu.memory_space<vmem>>
    %dma_start3A_62 = arith.constant 256 : i32
    %dma_start3A_63 = tpu.memref_slice %arg5[%dma_start3A_62] : memref<512xi32, #tpu.memory_space<vmem>> -> memref<128xi32, #tpu.memory_space<vmem>>
    %dma_start3A_64 = arith.constant 0 : i32
    %dma_start3A_65 = tpu.memref_slice %arg2[%dma_start3A_64, %multiple_of3A_58] : memref<1000x16384xf32, #tpu.memory_space<hbm>> -> memref<1000x128xf32, #tpu.memory_space<hbm>>
    %dma_start3A_66 = arith.constant 0 : i32
    %dma_start3A_67 = arith.constant 0 : i32
    %dma_start3A_68 = tpu.memref_slice %dma_start3A_65[%dma_start3A_66, %dma_start3A_67] : memref<1000x128xf32, #tpu.memory_space<hbm>> -> memref<1000x128xf32, #tpu.memory_space<hbm>>
    tpu.enqueue_indirect_dma source(%dma_start3A_68 : memref<1000x128xf32, #tpu.memory_space<hbm>>) target(%dma_start3A_61 : memref<128x128xf32, #tpu.memory_space<vmem>>) offsets(%dma_start3A_63 : memref<128xi32, #tpu.memory_space<vmem>>) semaphore(%arg11 : memref<!tpu.dma_semaphore, #tpu.memory_space<semaphore_mem>>)
    %add3A_69 = arith.constant 128 : i32
    %add3A_70 = arith.addi %add3A_55, %add3A_69 : i32
    %multiple_of3A_71 = tpu.assume_multiple %add3A_70, 128 : i32
    %dma_start3A_72 = arith.constant 128 : i32
    %dma_start3A_73 = arith.constant 0 : i32
    %dma_start3A_74 = tpu.memref_slice %arg6[%dma_start3A_72, %dma_start3A_73] : memref<256x128xf32, #tpu.memory_space<vmem>> -> memref<128x128xf32, #tpu.memory_space<vmem>>
    %dma_start3A_75 = arith.constant 384 : i32
    %dma_start3A_76 = tpu.memref_slice %arg5[%dma_start3A_75] : memref<512xi32, #tpu.memory_space<vmem>> -> memref<128xi32, #tpu.memory_space<vmem>>
    %dma_start3A_77 = arith.constant 0 : i32
    %dma_start3A_78 = tpu.memref_slice %arg2[%dma_start3A_77, %multiple_of3A_71] : memref<1000x16384xf32, #tpu.memory_space<hbm>> -> memref<1000x128xf32, #tpu.memory_space<hbm>>
    %dma_start3A_79 = arith.constant 0 : i32
    %dma_start3A_80 = arith.constant 0 : i32
    %dma_start3A_81 = tpu.memref_slice %dma_start3A_78[%dma_start3A_79, %dma_start3A_80] : memref<1000x128xf32, #tpu.memory_space<hbm>> -> memref<1000x128xf32, #tpu.memory_space<hbm>>
    tpu.enqueue_indirect_dma source(%dma_start3A_81 : memref<1000x128xf32, #tpu.memory_space<hbm>>) target(%dma_start3A_74 : memref<128x128xf32, #tpu.memory_space<vmem>>) offsets(%dma_start3A_76 : memref<128xi32, #tpu.memory_space<vmem>>) semaphore(%arg11 : memref<!tpu.dma_semaphore, #tpu.memory_space<semaphore_mem>>)
    %dma_wait3A_82 = arith.constant 0 : i32
    %dma_wait3A_83 = arith.constant 0 : i32
    %dma_wait3A_84 = tpu.memref_slice %arg6[%dma_wait3A_82, %dma_wait3A_83] : memref<256x128xf32, #tpu.memory_space<vmem>> -> memref<128x128xf32, #tpu.memory_space<vmem>>
    %dma_wait3A_85 = arith.constant 256 : i32
    %dma_wait3A_86 = tpu.memref_slice %arg5[%dma_wait3A_85] : memref<512xi32, #tpu.memory_space<vmem>> -> memref<128xi32, #tpu.memory_space<vmem>>
    %dma_wait3A_87 = arith.constant 0 : i32
    %dma_wait3A_88 = tpu.memref_slice %arg2[%dma_wait3A_87, %multiple_of3A_58] : memref<1000x16384xf32, #tpu.memory_space<hbm>> -> memref<1000x128xf32, #tpu.memory_space<hbm>>
    %dma_wait3A_89 = arith.constant 0 : i32
    %dma_wait3A_90 = arith.constant 0 : i32
    %dma_wait3A_91 = tpu.memref_slice %dma_wait3A_88[%dma_wait3A_89, %dma_wait3A_90] : memref<1000x128xf32, #tpu.memory_space<hbm>> -> memref<1000x128xf32, #tpu.memory_space<hbm>>
    tpu.wait_indirect_dma semaphore(%arg11 : memref<!tpu.dma_semaphore, #tpu.memory_space<semaphore_mem>>) src(%dma_wait3A_91 : memref<1000x128xf32, #tpu.memory_space<hbm>>) dst(%dma_wait3A_84 : memref<128x128xf32, #tpu.memory_space<vmem>>)
    %dma_wait3A_92 = arith.constant 128 : i32
    %dma_wait3A_93 = arith.constant 0 : i32
    %dma_wait3A_94 = tpu.memref_slice %arg6[%dma_wait3A_92, %dma_wait3A_93] : memref<256x128xf32, #tpu.memory_space<vmem>> -> memref<128x128xf32, #tpu.memory_space<vmem>>
    %dma_wait3A_95 = arith.constant 384 : i32
    %dma_wait3A_96 = tpu.memref_slice %arg5[%dma_wait3A_95] : memref<512xi32, #tpu.memory_space<vmem>> -> memref<128xi32, #tpu.memory_space<vmem>>
    %dma_wait3A_97 = arith.constant 0 : i32
    %dma_wait3A_98 = tpu.memref_slice %arg2[%dma_wait3A_97, %multiple_of3A_71] : memref<1000x16384xf32, #tpu.memory_space<hbm>> -> memref<1000x128xf32, #tpu.memory_space<hbm>>
    %dma_wait3A_99 = arith.constant 0 : i32
    %dma_wait3A_100 = arith.constant 0 : i32
    %dma_wait3A_101 = tpu.memref_slice %dma_wait3A_98[%dma_wait3A_99, %dma_wait3A_100] : memref<1000x128xf32, #tpu.memory_space<hbm>> -> memref<1000x128xf32, #tpu.memory_space<hbm>>
    tpu.wait_indirect_dma semaphore(%arg11 : memref<!tpu.dma_semaphore, #tpu.memory_space<semaphore_mem>>) src(%dma_wait3A_101 : memref<1000x128xf32, #tpu.memory_space<hbm>>) dst(%dma_wait3A_94 : memref<128x128xf32, #tpu.memory_space<vmem>>)
    %scan3A_102 = arith.constant 0 : i32
    %scan3A_103 = arith.constant 16 : i32
    %scan3A_104 = arith.addi %scan3A_102, %scan3A_103 : i32
    %scan3A_105 = arith.constant 1 : i32
    %scan3A_106 = scf.for %scan3A_127 = %scan3A_102 to %scan3A_104 step %scan3A_105 iter_args(%scan3A_128 = %scan3A_52) -> (vector<16xf32>)  : i32 {
      %mul3A_129 = arith.constant 16 : i32
      %mul3A_130 = arith.muli %scan3A_127, %mul3A_129 : i32
      %add3A_131 = arith.constant 256 : i32
      %add3A_132 = arith.addi %add3A_131, %mul3A_130 : i32
      %get3A = arith.index_cast %add3A_132 : i32 to index
      %get3A_133 = tpu.vector_load %arg5[%get3A] {strides = array<i32>} : memref<512xi32, #tpu.memory_space<vmem>>, vector<16xi32>,
      %add3A_134 = arith.addi %add3A_55, %mul3A_130 : i32
      %add3A_135 = arith.addi %add3A_55, %mul3A_130 : i32
      %jit3A = arith.constant 128 : i32
      %div3A = arith.divsi %add3A_135, %jit3A : i32
      %sign3A = arith.constant 0 : i32
      %sign3A_136 = arith.cmpi sgt, %add3A_135, %sign3A : i32
      %sign3A_137 = arith.extui %sign3A_136 : i1 to i32
      %sign3A_138 = arith.constant 0 : i32
      %sign3A_139 = arith.cmpi slt, %add3A_135, %sign3A_138 : i32
      %sign3A_140 = arith.extui %sign3A_139 : i1 to i32
      %sign3A_141 = arith.subi %sign3A_137, %sign3A_140 : i32
      %sign3A_142 = arith.constant 0 : i32
      %sign3A_143 = arith.cmpi sgt, %jit3A, %sign3A_142 : i32
      %sign3A_144 = arith.extui %sign3A_143 : i1 to i32
      %sign3A_145 = arith.constant 0 : i32
      %sign3A_146 = arith.cmpi slt, %jit3A, %sign3A_145 : i32
      %sign3A_147 = arith.extui %sign3A_146 : i1 to i32
      %sign3A_148 = arith.subi %sign3A_144, %sign3A_147 : i32
      %ne3A = arith.cmpi ne, %sign3A_141, %sign3A_148 : i32
      %rem3A = arith.remsi %add3A_135, %jit3A : i32
      %ne3A_149 = arith.constant 0 : i32
      %ne3A_150 = arith.cmpi ne, %rem3A, %ne3A_149 : i32
      %and3A = arith.andi %ne3A, %ne3A_150 : i1
      %sub3A = arith.constant 1 : i32
      %sub3A_151 = arith.subi %div3A, %sub3A : i32
      %select_n3A = arith.select %and3A, %sub3A_151, %div3A : i32
      %mul3A_152 = arith.constant 128 : i32
      %mul3A_153 = arith.muli %select_n3A, %mul3A_152 : i32
      %sub3A_154 = arith.subi %add3A_134, %mul3A_153 : i32
      %add3A_155 = vector.broadcast %mul3A_130 : i32 to vector<16xi32>
      %add3A_156 = arith.addi %add3A_155, %iota3A : vector<16xi32>
      %add3A_157 = vector.broadcast %sub3A_154 : i32 to vector<16xi32>
      %add3A_158 = arith.addi %add3A_157, %iota3A : vector<16xi32>
      %gather3A = tpu.vector_load_idx %arg6[%add3A_156, %add3A_158] : memref<256x128xf32, #tpu.memory_space<vmem>>[vector<16xi32>, vector<16xi32>], vector<16xf32>,
      %add3A_159 = arith.constant 256 : i32
      %add3A_160 = arith.addi %add3A_159, %mul3A_130 : i32
      %get3A_161 = arith.index_cast %add3A_160 : i32 to index
      %get3A_162 = tpu.vector_load %arg8[%get3A_161] {strides = array<i32>} : memref<512xf32, #tpu.memory_space<vmem>>, vector<16xf32>,
      %exp3A = math.exp %get3A_162 : vector<16xf32>
      %swap3A_163 = arith.constant 0 : index
      %swap3A_164 = tpu.vector_load %arg9[%swap3A_163] {strides = array<i32>} : memref<16xf32, #tpu.memory_space<vmem>>, vector<16xf32>,
      tpu.vector_store %arg9[%swap3A_163], %exp3A {strides = array<i32>} : memref<16xf32, #tpu.memory_space<vmem>>, vector<16xf32>,
      %eq3A = arith.constant 0 : i32
      %eq3A_165 = vector.broadcast %eq3A : i32 to vector<16xi32>
      %eq3A_166 = arith.cmpi eq, %get3A_133, %eq3A_165 : vector<16xi32>
      %all_reduce_population_count3A = tpu.all_reduce %eq3A_166 {dim = 0 : i64, kind = #tpu.reduction_kind<sum>} : vector<16xi1> -> vector<16xi32>
      %slice3A = vector.extract_strided_slice %all_reduce_population_count3A {offsets = [0], sizes = [1], strides = [1]} : vector<16xi32> to vector<1xi32>
      %squeeze3A = vector.extract %slice3A[0] : i32 from vector<1xi32>
      %gt3A = arith.constant 0 : i32
      %gt3A_167 = arith.cmpi sgt, %squeeze3A, %gt3A : i32
      %convert_element_type3A = arith.extui %gt3A_167 : i1 to i32
      %cond3A = arith.constant 0 : i32
      %cond3A_168 = arith.cmpi ne, %convert_element_type3A, %cond3A : i32
      scf.if %cond3A_168 {
        %scan3A_229 = arith.constant 0 : i32
        %scan3A_230 = arith.constant 0 : i32
        %scan3A_231 = arith.constant 16 : i32
        %scan3A_232 = arith.addi %scan3A_230, %scan3A_231 : i32
        %scan3A_233 = arith.constant 1 : i32
        scf.for %scan3A_235 = %scan3A_230 to %scan3A_232 step %scan3A_233  : i32 {
          %eq3A_236 = vector.broadcast %scan3A_235 : i32 to vector<16xi32>
          %eq3A_237 = arith.cmpi eq, %iota3A, %eq3A_236 : vector<16xi32>
          %jit3A_238 = arith.constant 0 : i32
          %broadcast_in_dim3A_239 = vector.broadcast %jit3A_238 : i32 to vector<16xi32>
          %select_n3A_240 = arith.select %eq3A_237, %get3A_133, %broadcast_in_dim3A_239 : vector<16xi1>, vector<16xi32>
          %reduce_sum3A_241 = arith.constant true
          %reduce_sum3A_242 = vector.broadcast %reduce_sum3A_241 : i1 to vector<16xi1>
          %reduce_sum3A_243 = tpu.scan <sum>, %select_n3A_240 masked %reduce_sum3A_242 : vector<16xi32>, vector<16xi1> -> vector<16xi32>
          %reduce_sum3A_244 = vector.extract %reduce_sum3A_243[15] : i32 from vector<16xi32>
          %eq3A_245 = arith.constant 0 : i32
          %eq3A_246 = arith.cmpi eq, %reduce_sum3A_244, %eq3A_245 : i32
          %convert_element_type3A_247 = arith.extui %eq3A_246 : i1 to i32
          %cond3A_248 = arith.constant 0 : i32
          %cond3A_249 = arith.cmpi ne, %convert_element_type3A_247, %cond3A_248 : i32
          scf.if %cond3A_249 {
            %add3A_250 = arith.addi %add3A_55, %mul3A_130 : i32
            %add3A_251 = arith.addi %add3A_250, %scan3A_235 : i32
            %jit3A_252 = arith.constant 128 : i32
            %div3A_253 = arith.divsi %add3A_251, %jit3A_252 : i32
            %sign3A_254 = arith.constant 0 : i32
            %sign3A_255 = arith.cmpi sgt, %add3A_251, %sign3A_254 : i32
            %sign3A_256 = arith.extui %sign3A_255 : i1 to i32
            %sign3A_257 = arith.constant 0 : i32
            %sign3A_258 = arith.cmpi slt, %add3A_251, %sign3A_257 : i32
            %sign3A_259 = arith.extui %sign3A_258 : i1 to i32
            %sign3A_260 = arith.subi %sign3A_256, %sign3A_259 : i32
            %sign3A_261 = arith.constant 0 : i32
            %sign3A_262 = arith.cmpi sgt, %jit3A_252, %sign3A_261 : i32
            %sign3A_263 = arith.extui %sign3A_262 : i1 to i32
            %sign3A_264 = arith.constant 0 : i32
            %sign3A_265 = arith.cmpi slt, %jit3A_252, %sign3A_264 : i32
            %sign3A_266 = arith.extui %sign3A_265 : i1 to i32
            %sign3A_267 = arith.subi %sign3A_263, %sign3A_266 : i32
            %ne3A_268 = arith.cmpi ne, %sign3A_260, %sign3A_267 : i32
            %rem3A_269 = arith.remsi %add3A_251, %jit3A_252 : i32
            %ne3A_270 = arith.constant 0 : i32
            %ne3A_271 = arith.cmpi ne, %rem3A_269, %ne3A_270 : i32
            %and3A_272 = arith.andi %ne3A_268, %ne3A_271 : i1
            %sub3A_273 = arith.constant 1 : i32
            %sub3A_274 = arith.subi %div3A_253, %sub3A_273 : i32
            %select_n3A_275 = arith.select %and3A_272, %sub3A_274, %div3A_253 : i32
            %mul3A_276 = arith.constant 128 : i32
            %mul3A_277 = arith.muli %select_n3A_275, %mul3A_276 : i32
            %multiple_of3A_278 = tpu.assume_multiple %mul3A_277, 128 : i32
            %sub3A_279 = arith.subi %add3A_251, %multiple_of3A_278 : i32
            %broadcast_in_dim3A_280 = vector.broadcast %sub3A_279 : i32 to vector<16xi32>
            %broadcast_in_dim3A_281 = arith.constant 0.000000e+00 : f32
            %broadcast_in_dim3A_282 = vector.broadcast %broadcast_in_dim3A_281 : f32 to vector<16xf32>
            %scan3A_283 = arith.constant 0 : i32
            %scan3A_284 = arith.constant 48 : i32
            %scan3A_285 = arith.addi %scan3A_283, %scan3A_284 : i32
            %scan3A_286 = arith.constant 1 : i32
            %scan3A_287 = scf.for %scan3A_330 = %scan3A_283 to %scan3A_285 step %scan3A_286 iter_args(%scan3A_331 = %broadcast_in_dim3A_282) -> (vector<16xf32>)  : i32 {
              %jit3A_332 = arith.constant 16 : i32
              %div3A_333 = arith.divsi %scan3A_330, %jit3A_332 : i32
              %sign3A_334 = arith.constant 0 : i32
              %sign3A_335 = arith.cmpi sgt, %scan3A_330, %sign3A_334 : i32
              %sign3A_336 = arith.extui %sign3A_335 : i1 to i32
              %sign3A_337 = arith.constant 0 : i32
              %sign3A_338 = arith.cmpi slt, %scan3A_330, %sign3A_337 : i32
              %sign3A_339 = arith.extui %sign3A_338 : i1 to i32
              %sign3A_340 = arith.subi %sign3A_336, %sign3A_339 : i32
              %sign3A_341 = arith.constant 0 : i32
              %sign3A_342 = arith.cmpi sgt, %jit3A_332, %sign3A_341 : i32
              %sign3A_343 = arith.extui %sign3A_342 : i1 to i32
              %sign3A_344 = arith.constant 0 : i32
              %sign3A_345 = arith.cmpi slt, %jit3A_332, %sign3A_344 : i32
              %sign3A_346 = arith.extui %sign3A_345 : i1 to i32
              %sign3A_347 = arith.subi %sign3A_343, %sign3A_346 : i32
              %ne3A_348 = arith.cmpi ne, %sign3A_340, %sign3A_347 : i32
              %rem3A_349 = arith.remsi %scan3A_330, %jit3A_332 : i32
              %ne3A_350 = arith.constant 0 : i32
              %ne3A_351 = arith.cmpi ne, %rem3A_349, %ne3A_350 : i32
              %and3A_352 = arith.andi %ne3A_348, %ne3A_351 : i1
              %sub3A_353 = arith.constant 1 : i32
              %sub3A_354 = arith.subi %div3A_333, %sub3A_353 : i32
              %select_n3A_355 = arith.select %and3A_352, %sub3A_354, %div3A_333 : i32
              %mul3A_356 = arith.constant 256 : i32
              %mul3A_357 = arith.muli %select_n3A_355, %mul3A_356 : i32
              %jit3A_358 = arith.constant 16 : i32
              %eq3A_359 = arith.constant 0 : i32
              %eq3A_360 = arith.cmpi eq, %jit3A_358, %eq3A_359 : i32
              %jit3A_361 = arith.constant 1 : i32
              %select_n3A_362 = arith.select %eq3A_360, %jit3A_361, %jit3A_358 : i32
              %rem3A_363 = arith.remsi %scan3A_330, %select_n3A_362 : i32
              %ne3A_364 = arith.constant 0 : i32
              %ne3A_365 = arith.cmpi ne, %rem3A_363, %ne3A_364 : i32
              %lt3A_366 = arith.constant 0 : i32
              %lt3A_367 = arith.cmpi slt, %rem3A_363, %lt3A_366 : i32
              %lt3A_368 = arith.constant 0 : i32
              %lt3A_369 = arith.cmpi slt, %select_n3A_362, %lt3A_368 : i32
              %ne3A_370 = arith.xori %lt3A_367, %lt3A_369 : i1
              %and3A_371 = arith.andi %ne3A_370, %ne3A_365 : i1
              %add3A_372 = arith.addi %rem3A_363, %select_n3A_362 : i32
              %select_n3A_373 = arith.select %and3A_371, %add3A_372, %rem3A_363 : i32
              %eq3A_374 = arith.constant 0 : i32
              %eq3A_375 = arith.cmpi eq, %select_n3A_373, %eq3A_374 : i32
              %convert_element_type3A_376 = arith.extui %eq3A_375 : i1 to i32
              %cond3A_377 = arith.constant 0 : i32
              %cond3A_378 = arith.cmpi ne, %convert_element_type3A_376, %cond3A_377 : i32
              scf.if %cond3A_378 {
                "tpu.region"() ({
                  %run_scoped3A_402 = tpu.sem_alloc : memref<!tpu.dma_semaphore, #tpu.memory_space<semaphore_mem>>
                  %dma_start3A_403 = tpu.memref_slice %arg2[%mul3A_357, %multiple_of3A_278] : memref<1000x16384xf32, #tpu.memory_space<hbm>> -> memref<256x128xf32, #tpu.memory_space<hbm>>
                  %dma_start3A_404 = tpu.memref_slice %arg2[%mul3A_357, %multiple_of3A_278] : memref<1000x16384xf32, #tpu.memory_space<hbm>> -> memref<256x128xf32, #tpu.memory_space<hbm>>
                  tpu.enqueue_dma source(%dma_start3A_404 : memref<256x128xf32, #tpu.memory_space<hbm>>) target(%arg7 : memref<256x128xf32, #tpu.memory_space<vmem>>) target_semaphore(%run_scoped3A_402 : memref<!tpu.dma_semaphore, #tpu.memory_space<semaphore_mem>>)
                  %dma_wait3A_405 = tpu.memref_slice %arg2[%mul3A_357, %multiple_of3A_278] : memref<1000x16384xf32, #tpu.memory_space<hbm>> -> memref<256x128xf32, #tpu.memory_space<hbm>>
                  %dma_wait3A_406 = tpu.memref_slice %arg2[%mul3A_357, %multiple_of3A_278] : memref<1000x16384xf32, #tpu.memory_space<hbm>> -> memref<256x128xf32, #tpu.memory_space<hbm>>
                  tpu.wait_dma2 semaphore(%run_scoped3A_402 : memref<!tpu.dma_semaphore, #tpu.memory_space<semaphore_mem>>) src(%dma_wait3A_406 : memref<256x128xf32, #tpu.memory_space<hbm>>) dst(%arg7 : memref<256x128xf32, #tpu.memory_space<vmem>>)
                  tpu.yield
                }) : () -> ()
              } else {
              }
              %jit3A_379 = arith.constant 16 : i32
              %eq3A_380 = arith.constant 0 : i32
              %eq3A_381 = arith.cmpi eq, %jit3A_379, %eq3A_380 : i32
              %jit3A_382 = arith.constant 1 : i32
              %select_n3A_383 = arith.select %eq3A_381, %jit3A_382, %jit3A_379 : i32
              %rem3A_384 = arith.remsi %scan3A_330, %select_n3A_383 : i32
              %ne3A_385 = arith.constant 0 : i32
              %ne3A_386 = arith.cmpi ne, %rem3A_384, %ne3A_385 : i32
              %lt3A_387 = arith.constant 0 : i32
              %lt3A_388 = arith.cmpi slt, %rem3A_384, %lt3A_387 : i32
              %lt3A_389 = arith.constant 0 : i32
              %lt3A_390 = arith.cmpi slt, %select_n3A_383, %lt3A_389 : i32
              %ne3A_391 = arith.xori %lt3A_388, %lt3A_390 : i1
              %and3A_392 = arith.andi %ne3A_391, %ne3A_386 : i1
              %add3A_393 = arith.addi %rem3A_384, %select_n3A_383 : i32
              %select_n3A_394 = arith.select %and3A_392, %add3A_393, %rem3A_384 : i32
              %mul3A_395 = arith.constant 16 : i32
              %mul3A_396 = arith.muli %select_n3A_394, %mul3A_395 : i32
              %add3A_397 = vector.broadcast %mul3A_396 : i32 to vector<16xi32>
              %add3A_398 = arith.addi %add3A_397, %iota3A : vector<16xi32>
              %gather3A_399 = tpu.vector_load_idx %arg7[%add3A_398, %broadcast_in_dim3A_280] : memref<256x128xf32, #tpu.memory_space<vmem>>[vector<16xi32>, vector<16xi32>], vector<16xf32>,
              %exp3A_400 = math.exp %gather3A_399 : vector<16xf32>
              %add3A_401 = arith.addf %scan3A_331, %exp3A_400 : vector<16xf32>
              scf.yield %add3A_401 : vector<16xf32>
            }
            %scan3A_288 = arith.constant 48 : i32
            "tpu.region"() ({
              %run_scoped3A_330 = tpu.sem_alloc : memref<!tpu.dma_semaphore, #tpu.memory_space<semaphore_mem>>
              %dma_start3A_331 = arith.constant 0 : i32
              %dma_start3A_332 = arith.constant 0 : i32
              %dma_start3A_333 = tpu.memref_slice %arg7[%dma_start3A_331, %dma_start3A_332] : memref<256x128xf32, #tpu.memory_space<vmem>> -> memref<232x128xf32, #tpu.memory_space<vmem>>
              %dma_start3A_334 = arith.constant 768 : i32
              %dma_start3A_335 = tpu.memref_slice %arg2[%dma_start3A_334, %multiple_of3A_278] : memref<1000x16384xf32, #tpu.memory_space<hbm>> -> memref<232x128xf32, #tpu.memory_space<hbm>>
              %dma_start3A_336 = arith.constant 0 : i32
              %dma_start3A_337 = arith.constant 0 : i32
              %dma_start3A_338 = tpu.memref_slice %arg7[%dma_start3A_336, %dma_start3A_337] : memref<256x128xf32, #tpu.memory_space<vmem>> -> memref<232x128xf32, #tpu.memory_space<vmem>>
              %dma_start3A_339 = arith.constant 768 : i32
              %dma_start3A_340 = tpu.memref_slice %arg2[%dma_start3A_339, %multiple_of3A_278] : memref<1000x16384xf32, #tpu.memory_space<hbm>> -> memref<232x128xf32, #tpu.memory_space<hbm>>
              tpu.enqueue_dma source(%dma_start3A_340 : memref<232x128xf32, #tpu.memory_space<hbm>>) target(%dma_start3A_338 : memref<232x128xf32, #tpu.memory_space<vmem>>) target_semaphore(%run_scoped3A_330 : memref<!tpu.dma_semaphore, #tpu.memory_space<semaphore_mem>>)
              %dma_wait3A_341 = arith.constant 0 : i32
              %dma_wait3A_342 = arith.constant 0 : i32
              %dma_wait3A_343 = tpu.memref_slice %arg7[%dma_wait3A_341, %dma_wait3A_342] : memref<256x128xf32, #tpu.memory_space<vmem>> -> memref<232x128xf32, #tpu.memory_space<vmem>>
              %dma_wait3A_344 = arith.constant 768 : i32
              %dma_wait3A_345 = tpu.memref_slice %arg2[%dma_wait3A_344, %multiple_of3A_278] : memref<1000x16384xf32, #tpu.memory_space<hbm>> -> memref<232x128xf32, #tpu.memory_space<hbm>>
              %dma_wait3A_346 = arith.constant 0 : i32
              %dma_wait3A_347 = arith.constant 0 : i32
              %dma_wait3A_348 = tpu.memref_slice %arg7[%dma_wait3A_346, %dma_wait3A_347] : memref<256x128xf32, #tpu.memory_space<vmem>> -> memref<232x128xf32, #tpu.memory_space<vmem>>
              %dma_wait3A_349 = arith.constant 768 : i32
              %dma_wait3A_350 = tpu.memref_slice %arg2[%dma_wait3A_349, %multiple_of3A_278] : memref<1000x16384xf32, #tpu.memory_space<hbm>> -> memref<232x128xf32, #tpu.memory_space<hbm>>
              tpu.wait_dma2 semaphore(%run_scoped3A_330 : memref<!tpu.dma_semaphore, #tpu.memory_space<semaphore_mem>>) src(%dma_wait3A_350 : memref<232x128xf32, #tpu.memory_space<hbm>>) dst(%dma_wait3A_348 : memref<232x128xf32, #tpu.memory_space<vmem>>)
              tpu.yield
            }) : () -> ()
            %scan3A_289 = arith.constant 0 : i32
            %scan3A_290 = arith.constant 14 : i32
            %scan3A_291 = arith.addi %scan3A_289, %scan3A_290 : i32
            %scan3A_292 = arith.constant 1 : i32
            %scan3A_293 = scf.for %scan3A_330 = %scan3A_289 to %scan3A_291 step %scan3A_292 iter_args(%scan3A_331 = %scan3A_287) -> (vector<16xf32>)  : i32 {
              %mul3A_332 = arith.constant 16 : i32
              %mul3A_333 = arith.muli %scan3A_330, %mul3A_332 : i32
              %add3A_334 = vector.broadcast %mul3A_333 : i32 to vector<16xi32>
              %add3A_335 = arith.addi %add3A_334, %iota3A : vector<16xi32>
              %gather3A_336 = tpu.vector_load_idx %arg7[%add3A_335, %broadcast_in_dim3A_280] : memref<256x128xf32, #tpu.memory_space<vmem>>[vector<16xi32>, vector<16xi32>], vector<16xf32>,
              %exp3A_337 = math.exp %gather3A_336 : vector<16xf32>
              %add3A_338 = arith.addf %scan3A_331, %exp3A_337 : vector<16xf32>
              scf.yield %add3A_338 : vector<16xf32>
            }
            %scan3A_294 = arith.constant 14 : i32
            %add3A_295 = arith.constant 224 : i32
            %add3A_296 = vector.broadcast %add3A_295 : i32 to vector<16xi32>
            %add3A_297 = arith.addi %add3A_296, %iota3A : vector<16xi32>
            %min3A = arith.constant 231 : i32
            %min3A_298 = vector.broadcast %min3A : i32 to vector<16xi32>
            %min3A_299 = arith.minsi %add3A_297, %min3A_298 : vector<16xi32>
            %gather3A_300 = tpu.vector_load_idx %arg7[%min3A_299, %broadcast_in_dim3A_280] : memref<256x128xf32, #tpu.memory_space<vmem>>[vector<16xi32>, vector<16xi32>], vector<16xf32>,
            %lt3A = arith.constant 8 : i32
            %lt3A_301 = vector.broadcast %lt3A : i32 to vector<16xi32>
            %lt3A_302 = arith.cmpi slt, %iota3A, %lt3A_301 : vector<16xi32>
            %exp3A_303 = math.exp %gather3A_300 : vector<16xf32>
            %jit3A_304 = arith.constant 0.000000e+00 : f32
            %broadcast_in_dim3A_305 = vector.broadcast %jit3A_304 : f32 to vector<16xf32>
            %select_n3A_306 = arith.select %lt3A_302, %exp3A_303, %broadcast_in_dim3A_305 : vector<16xi1>, vector<16xf32>
            %add3A_307 = arith.addf %scan3A_293, %select_n3A_306 : vector<16xf32>
            %reduce_sum3A_308 = arith.constant true
            %reduce_sum3A_309 = vector.broadcast %reduce_sum3A_308 : i1 to vector<16xi1>
            %reduce_sum3A_310 = tpu.scan <sum>, %add3A_307 masked %reduce_sum3A_309 : vector<16xf32>, vector<16xi1> -> vector<16xf32>
            %reduce_sum3A_311 = vector.extract %reduce_sum3A_310[15] : f32 from vector<16xf32>
            %get3A_312 = arith.constant 0 : index
            %get3A_313 = tpu.vector_load %arg9[%get3A_312] {strides = array<i32>} : memref<16xf32, #tpu.memory_space<vmem>>, vector<16xf32>,
            %eq3A_314 = vector.broadcast %scan3A_235 : i32 to vector<16xi32>
            %eq3A_315 = arith.cmpi eq, %iota3A, %eq3A_314 : vector<16xi32>
            %jit3A_316 = arith.constant 0.000000e+00 : f32
            %broadcast_in_dim3A_317 = vector.broadcast %jit3A_316 : f32 to vector<16xf32>
            %select_n3A_318 = arith.select %eq3A_315, %get3A_313, %broadcast_in_dim3A_317 : vector<16xi1>, vector<16xf32>
            %reduce_sum3A_319 = arith.constant true
            %reduce_sum3A_320 = vector.broadcast %reduce_sum3A_319 : i1 to vector<16xi1>
            %reduce_sum3A_321 = tpu.scan <sum>, %select_n3A_318 masked %reduce_sum3A_320 : vector<16xf32>, vector<16xi1> -> vector<16xf32>
            %reduce_sum3A_322 = vector.extract %reduce_sum3A_321[15] : f32 from vector<16xf32>
            %eq3A_323 = vector.broadcast %scan3A_235 : i32 to vector<16xi32>
            %eq3A_324 = arith.cmpi eq, %iota3A, %eq3A_323 : vector<16xi32>
            %sub3A_325 = arith.subf %reduce_sum3A_311, %reduce_sum3A_322 : f32
            %broadcast_in_dim3A_326 = vector.broadcast %sub3A_325 : f32 to vector<16xf32>
            %select_n3A_327 = arith.select %eq3A_324, %broadcast_in_dim3A_326, %get3A_313 : vector<16xi1>, vector<16xf32>
            %swap3A_328 = arith.constant 0 : index
            %swap3A_329 = tpu.vector_load %arg9[%swap3A_328] {strides = array<i32>} : memref<16xf32, #tpu.memory_space<vmem>>, vector<16xf32>,
            tpu.vector_store %arg9[%swap3A_328], %select_n3A_327 {strides = array<i32>} : memref<16xf32, #tpu.memory_space<vmem>>, vector<16xf32>,
          } else {
          }
        }
        %scan3A_234 = arith.constant 16 : i32
      } else {
      }
      %get3A_169 = arith.constant 0 : index
      %get3A_170 = tpu.vector_load %arg9[%get3A_169] {strides = array<i32>} : memref<16xf32, #tpu.memory_space<vmem>>, vector<16xf32>,
      %exp3A_171 = math.exp %gather3A : vector<16xf32>
      %add3A_172 = arith.addf %get3A_170, %exp3A_171 : vector<16xf32>
      %bitcast_convert_type3A = tpu.bitcast %add3A_172 : vector<16xf32> -> vector<16xi32>
      %shift_right_arithmetic3A = arith.constant 23 : i32
      %shift_right_arithmetic3A_173 = vector.broadcast %shift_right_arithmetic3A : i32 to vector<16xi32>
      %shift_right_arithmetic3A_174 = arith.shrsi %bitcast_convert_type3A, %shift_right_arithmetic3A_173 : vector<16xi32>
      %and3A_175 = arith.constant 255 : i32
      %and3A_176 = vector.broadcast %and3A_175 : i32 to vector<16xi32>
      %and3A_177 = arith.andi %shift_right_arithmetic3A_174, %and3A_176 : vector<16xi32>
      %sub3A_178 = arith.constant 127 : i32
      %sub3A_179 = vector.broadcast %sub3A_178 : i32 to vector<16xi32>
      %sub3A_180 = arith.subi %and3A_177, %sub3A_179 : vector<16xi32>
      %and3A_181 = arith.constant 8388607 : i32
      %and3A_182 = vector.broadcast %and3A_181 : i32 to vector<16xi32>
      %and3A_183 = arith.andi %bitcast_convert_type3A, %and3A_182 : vector<16xi32>
      %or3A = arith.constant 1065353216 : i32
      %or3A_184 = vector.broadcast %or3A : i32 to vector<16xi32>
      %or3A_185 = arith.ori %and3A_183, %or3A_184 : vector<16xi32>
      %bitcast_convert_type3A_186 = tpu.bitcast %or3A_185 : vector<16xi32> -> vector<16xf32>
      %ge3A = arith.constant 1.41421354 : f32
      %ge3A_187 = vector.broadcast %ge3A : f32 to vector<16xf32>
      %ge3A_188 = arith.cmpf oge, %bitcast_convert_type3A_186, %ge3A_187 : vector<16xf32>
      %mul3A_189 = arith.constant 5.000000e-01 : f32
      %mul3A_190 = vector.broadcast %mul3A_189 : f32 to vector<16xf32>
      %mul3A_191 = arith.mulf %bitcast_convert_type3A_186, %mul3A_190 : vector<16xf32>
      %select_n3A_192 = arith.select %ge3A_188, %mul3A_191, %bitcast_convert_type3A_186 : vector<16xi1>, vector<16xf32>
      %jit3A_193 = arith.constant 1 : i32
      %jit3A_194 = arith.constant 0 : i32
      %broadcast_in_dim3A_195 = vector.broadcast %jit3A_193 : i32 to vector<16xi32>
      %broadcast_in_dim3A_196 = vector.broadcast %jit3A_194 : i32 to vector<16xi32>
      %select_n3A_197 = arith.select %ge3A_188, %broadcast_in_dim3A_195, %broadcast_in_dim3A_196 : vector<16xi1>, vector<16xi32>
      %add3A_198 = arith.addi %sub3A_180, %select_n3A_197 : vector<16xi32>
      %convert_element_type3A_199 = arith.sitofp %add3A_198 : vector<16xi32> to vector<16xf32>
      %sub3A_200 = arith.constant 1.000000e+00 : f32
      %sub3A_201 = vector.broadcast %sub3A_200 : f32 to vector<16xf32>
      %sub3A_202 = arith.subf %select_n3A_192, %sub3A_201 : vector<16xf32>
      %add3A_203 = arith.constant 2.000000e+00 : f32
      %add3A_204 = vector.broadcast %add3A_203 : f32 to vector<16xf32>
      %add3A_205 = arith.addf %add3A_204, %sub3A_202 : vector<16xf32>
      %div3A_206 = arith.divf %sub3A_202, %add3A_205 : vector<16xf32>
      %mul3A_207 = arith.mulf %div3A_206, %div3A_206 : vector<16xf32>
      %mul3A_208 = arith.constant 0.285714298 : f32
      %mul3A_209 = vector.broadcast %mul3A_208 : f32 to vector<16xf32>
      %mul3A_210 = arith.mulf %mul3A_207, %mul3A_209 : vector<16xf32>
      %add3A_211 = arith.constant 4.000000e-01 : f32
      %add3A_212 = vector.broadcast %add3A_211 : f32 to vector<16xf32>
      %add3A_213 = arith.addf %add3A_212, %mul3A_210 : vector<16xf32>
      %mul3A_214 = arith.mulf %mul3A_207, %add3A_213 : vector<16xf32>
      %add3A_215 = arith.constant 0.666666686 : f32
      %add3A_216 = vector.broadcast %add3A_215 : f32 to vector<16xf32>
      %add3A_217 = arith.addf %add3A_216, %mul3A_214 : vector<16xf32>
      %mul3A_218 = arith.mulf %mul3A_207, %add3A_217 : vector<16xf32>
      %add3A_219 = arith.constant 2.000000e+00 : f32
      %add3A_220 = vector.broadcast %add3A_219 : f32 to vector<16xf32>
      %add3A_221 = arith.addf %add3A_220, %mul3A_218 : vector<16xf32>
      %mul3A_222 = arith.mulf %div3A_206, %add3A_221 : vector<16xf32>
      %mul3A_223 = arith.constant 0.693147182 : f32
      %mul3A_224 = vector.broadcast %mul3A_223 : f32 to vector<16xf32>
      %mul3A_225 = arith.mulf %convert_element_type3A_199, %mul3A_224 : vector<16xf32>
      %add3A_226 = arith.addf %mul3A_225, %mul3A_222 : vector<16xf32>
      %sub3A_227 = arith.subf %add3A_226, %gather3A : vector<16xf32>
      %add3A_228 = arith.addf %scan3A_128, %sub3A_227 : vector<16xf32>
      scf.yield %add3A_228 : vector<16xf32>
    }
    %scan3A_107 = arith.constant 16 : i32
    %reduce_sum3A = arith.constant true
    %reduce_sum3A_108 = vector.broadcast %reduce_sum3A : i1 to vector<16xi1>
    %reduce_sum3A_109 = tpu.scan <sum>, %scan3A_106 masked %reduce_sum3A_108 : vector<16xf32>, vector<16xi1> -> vector<16xf32>
    %reduce_sum3A_110 = vector.extract %reduce_sum3A_109[15] : f32 from vector<16xf32>
    %broadcast_in_dim3A_111 = vector.broadcast %reduce_sum3A_110 : f32 to vector<16xf32>
    %swap3A = arith.constant 0 : index
    %swap3A_112 = tpu.vector_load %arg10[%swap3A] {strides = array<i32>} : memref<128xf32, #tpu.memory_space<vmem>>, vector<16xf32>,
    tpu.vector_store %arg10[%swap3A], %broadcast_in_dim3A_111 {strides = array<i32>} : memref<128xf32, #tpu.memory_space<vmem>>, vector<16xf32>,
    %swap3A_113 = arith.constant 16 : index
    %swap3A_114 = tpu.vector_load %arg10[%swap3A_113] {strides = array<i32>} : memref<128xf32, #tpu.memory_space<vmem>>, vector<16xf32>,
    tpu.vector_store %arg10[%swap3A_113], %broadcast_in_dim3A_111 {strides = array<i32>} : memref<128xf32, #tpu.memory_space<vmem>>, vector<16xf32>,
    %swap3A_115 = arith.constant 32 : index
    %swap3A_116 = tpu.vector_load %arg10[%swap3A_115] {strides = array<i32>} : memref<128xf32, #tpu.memory_space<vmem>>, vector<16xf32>,
    tpu.vector_store %arg10[%swap3A_115], %broadcast_in_dim3A_111 {strides = array<i32>} : memref<128xf32, #tpu.memory_space<vmem>>, vector<16xf32>,
    %swap3A_117 = arith.constant 48 : index
    %swap3A_118 = tpu.vector_load %arg10[%swap3A_117] {strides = array<i32>} : memref<128xf32, #tpu.memory_space<vmem>>, vector<16xf32>,
    tpu.vector_store %arg10[%swap3A_117], %broadcast_in_dim3A_111 {strides = array<i32>} : memref<128xf32, #tpu.memory_space<vmem>>, vector<16xf32>,
    %swap3A_119 = arith.constant 64 : index
    %swap3A_120 = tpu.vector_load %arg10[%swap3A_119] {strides = array<i32>} : memref<128xf32, #tpu.memory_space<vmem>>, vector<16xf32>,
    tpu.vector_store %arg10[%swap3A_119], %broadcast_in_dim3A_111 {strides = array<i32>} : memref<128xf32, #tpu.memory_space<vmem>>, vector<16xf32>,
    %swap3A_121 = arith.constant 80 : index
    %swap3A_122 = tpu.vector_load %arg10[%swap3A_121] {strides = array<i32>} : memref<128xf32, #tpu.memory_space<vmem>>, vector<16xf32>,
    tpu.vector_store %arg10[%swap3A_121], %broadcast_in_dim3A_111 {strides = array<i32>} : memref<128xf32, #tpu.memory_space<vmem>>, vector<16xf32>,
    %swap3A_123 = arith.constant 96 : index
    %swap3A_124 = tpu.vector_load %arg10[%swap3A_123] {strides = array<i32>} : memref<128xf32, #tpu.memory_space<vmem>>, vector<16xf32>,
    tpu.vector_store %arg10[%swap3A_123], %broadcast_in_dim3A_111 {strides = array<i32>} : memref<128xf32, #tpu.memory_space<vmem>>, vector<16xf32>,
    %swap3A_125 = arith.constant 112 : index
    %swap3A_126 = tpu.vector_load %arg10[%swap3A_125] {strides = array<i32>} : memref<128xf32, #tpu.memory_space<vmem>>, vector<16xf32>,
    tpu.vector_store %arg10[%swap3A_125], %broadcast_in_dim3A_111 {strides = array<i32>} : memref<128xf32, #tpu.memory_space<vmem>>, vector<16xf32>,
    "tpu.region"() ({
      %run_scoped3A_127 = tpu.sem_alloc : memref<!tpu.dma_semaphore, #tpu.memory_space<semaphore_mem>>
      %dma_start3A_128 = arith.constant 0 : i32
      %dma_start3A_129 = tpu.memref_slice %arg4[%add3A, %dma_start3A_128] : memref<32x128xf32, #tpu.memory_space<hbm>> -> memref<1x128xf32, #tpu.memory_space<hbm>>
      %dma_start3A_130 = tpu.memref_squeeze %dma_start3A_129 : memref<1x128xf32, #tpu.memory_space<hbm>> -> memref<128xf32, #tpu.memory_space<hbm>>
      %dma_start3A_131 = arith.constant 0 : i32
      %dma_start3A_132 = tpu.memref_slice %arg4[%add3A, %dma_start3A_131] : memref<32x128xf32, #tpu.memory_space<hbm>> -> memref<1x128xf32, #tpu.memory_space<hbm>>
      %dma_start3A_133 = tpu.memref_squeeze %dma_start3A_132 : memref<1x128xf32, #tpu.memory_space<hbm>> -> memref<128xf32, #tpu.memory_space<hbm>>
      tpu.enqueue_dma source(%arg10 : memref<128xf32, #tpu.memory_space<vmem>>) target(%dma_start3A_133 : memref<128xf32, #tpu.memory_space<hbm>>) target_semaphore(%run_scoped3A_127 : memref<!tpu.dma_semaphore, #tpu.memory_space<semaphore_mem>>)
      %dma_wait3A_134 = arith.constant 0 : i32
      %dma_wait3A_135 = tpu.memref_slice %arg4[%add3A, %dma_wait3A_134] : memref<32x128xf32, #tpu.memory_space<hbm>> -> memref<1x128xf32, #tpu.memory_space<hbm>>
      %dma_wait3A_136 = tpu.memref_squeeze %dma_wait3A_135 : memref<1x128xf32, #tpu.memory_space<hbm>> -> memref<128xf32, #tpu.memory_space<hbm>>
      %dma_wait3A_137 = arith.constant 0 : i32
      %dma_wait3A_138 = tpu.memref_slice %arg4[%add3A, %dma_wait3A_137] : memref<32x128xf32, #tpu.memory_space<hbm>> -> memref<1x128xf32, #tpu.memory_space<hbm>>
      %dma_wait3A_139 = tpu.memref_squeeze %dma_wait3A_138 : memref<1x128xf32, #tpu.memory_space<hbm>> -> memref<128xf32, #tpu.memory_space<hbm>>
      tpu.wait_dma2 semaphore(%run_scoped3A_127 : memref<!tpu.dma_semaphore, #tpu.memory_space<semaphore_mem>>) src(%arg10 : memref<128xf32, #tpu.memory_space<vmem>>) dst(%dma_wait3A_139 : memref<128xf32, #tpu.memory_space<hbm>>)
      tpu.yield
    }) : () -> ()
    return
  }
}

module attributes {stable_mosaic.version = 14 : i64} {
  func.func @_fin_body(%arg0: memref<32x128xf32, #tpu.memory_space<vmem>>, %arg1: memref<1x1xf32, #tpu.memory_space<smem>>) attributes {dimension_semantics = [], scalar_prefetch = 0 : i64, scratch_operands = 0 : i64, tpu.core_type = #tpu.core_type<tc>} {
    %get3A = arith.constant 0 : index
    %get3A_0 = arith.constant 0 : index
    %get3A_1 = vector.load %arg0[%get3A, %get3A_0] : memref<32x128xf32, #tpu.memory_space<vmem>>, vector<32x128xf32>
    %iota3A = tpu.iota {dimensions = array<i32: 1>} : vector<32x128xi32>
    %eq3A = arith.constant 0 : i32
    %eq3A_2 = vector.broadcast %eq3A : i32 to vector<32x128xi32>
    %eq3A_3 = arith.cmpi eq, %iota3A, %eq3A_2 : vector<32x128xi32>
    %jit3A = arith.constant 0.000000e+00 : f32
    %broadcast_in_dim3A = vector.broadcast %jit3A : f32 to vector<32x128xf32>
    %select_n3A = arith.select %eq3A_3, %get3A_1, %broadcast_in_dim3A : vector<32x128xi1>, vector<32x128xf32>
    %reduce_sum3A = vector.shape_cast %select_n3A : vector<32x128xf32> to vector<1x32x128xf32>
    %reduce_sum3A_4 = arith.constant dense<0.000000e+00> : vector<1xf32>
    %reduce_sum3A_5 = vector.multi_reduction <add>, %reduce_sum3A, %reduce_sum3A_4 [1, 2] : vector<1x32x128xf32> to vector<1xf32>
    %reduce_sum3A_6 = vector.shape_cast %reduce_sum3A_5 : vector<1xf32> to vector<1x1x1xf32>
    %reduce_sum3A_7 = vector.extract %reduce_sum3A_6[0, 0, 0] : f32 from vector<1x1x1xf32>
    %div3A = arith.constant 1.638400e+04 : f32
    %div3A_8 = arith.divf %reduce_sum3A_7, %div3A : f32
    %swap3A = arith.constant 0 : index
    %swap3A_9 = arith.constant 0 : index
    %swap3A_10 = memref.load %arg1[%swap3A, %swap3A_9] : memref<1x1xf32, #tpu.memory_space<smem>>
    memref.store %div3A_8, %arg1[%swap3A, %swap3A_9] : memref<1x1xf32, #tpu.memory_space<smem>>
    return
  }
}

</mosaic_0001>

<sc_bundles>
// kernel: kernel.4.cloned.1.call-start
scs
__scs_entry_jumppad:
0x0: {  	(pc) =	sbr.rel $0x88, $3  }
0x1: {  	(tag) =	ssettag $0x0;
	lr =	simm.s32 $0x1  }
0x2: {  	[smem:$0x3F9F] =	sst lr;
	_ =	strace $0xD0000000  }
0x3: {  	_ = 	snop  }
0x4: {  	_ = 	snop  }
0x5: {  	_ = 	snop  }
0x6: {  	_ = 	snop  }
0x7: {  	_ = 	snop  }
__scs_overlays_trampoline_lowered:
0x8: {  	[smem:$0x3FAE] =	sst s0  }
0x9: {  	[smem:$0x3FAF] =	sst s1  }
0xa: {  	[smem:$0x3FB0] =	sst s2  }
0xb: {  	[smem:$0x3FB1] =	sst s3  }
0xc: {  	[smem:$0x3FB2] =	sst s4  }
0xd: {  	[smem:$0x3FB3] =	sst s5  }
0xe: {  	[smem:$0x3FB4] =	sst s6  }
0xf: {  	[smem:$0x3FB5] =	sst s7  }
0x10: {  	[smem:$0x3FB6] =	sst s8  }
0x11: {  	[smem:$0x3FB7] =	sst s9;
	s0 =	simm.s32 @!p0 $0x0  }
0x12: {  	s1 =	sld [smem:$0x3F9D];
	s0 =	simm.s32 @p0 $0x1  }
0x13: {  	[smem:$0x3FB8] =	sst s0;
	s0 =	simm.s32 @!p1 $0x0  }
0x14: {  	s2 =	sld [smem:$0x3F9C];
	s0 =	simm.s32 @p1 $0x1  }
0x15: {  	[smem:$0x3FB9] =	sst s0;
	s0 =	simm.s32 @!p2 $0x0  }
0x16: {  	s3 =	sld [smem:$0x3FDB];
	s0 =	simm.s32 @p2 $0x1  }
0x17: {  	s4 =	simm.s32 $0x1BF5;
	[smem:$0x3FBB] =	sst s0  }
0x18: {  	s0 =	sld [smem:$0x3F9E];
	_ =	swait.ge [sflag:s4], $0x0  }
0x19: {  	s7 =	sld [smem:$0x3F9F]  }
0x1a: {  	s8 =	sadd.s32 $0xFFFFE003, lr  }
0x1b: {  	s9 =	sadd.s32 $0xFFFFFEF7, lr;
	s5 =	simm.s32 $0xFFFFFFFF;
	p2 =	slt.u32 s8, $0xFFFFF086  }
0x1c: {  	p1 =	slt.u32 s9, $0xF7A;
	s5 =	simm.s32 @!p2 $0x0  }
0x1d: {  	s5 =	simm.s32 @p1 $0x1;
	p0 =	seq.s32 s7, s2  }
0x1e: {  	s7 =	smul.u32 @!p0 $0xF7A, s2;
	p2 =	seq.s32 @!p0 s5, $0x0  }
0x1f: {  	s9 =	smul.u32 $0xF7A, s1;
	s8 =	simm.s32 @!p0 $0x1BF5;
	p2 =	por !p2, p0  }
0x20: {  	[sflag:s8] =	ssyncset.s32 @!p0 $0xFFFFF086;
	s6 =	sadd.s32 @!p0 s3, s7;
	s7 =	simm.s32 @!p0 $0x108  }
0x21: {  	s3 =	sadd.s32 s3, s9;
	s6 =	sadd.s32 @!p0 $0x88, s6;
	s7 =	simm.s32 @p2 $0x1082  }
0x22: {  	[simem:s7], [sflag:s8] =	dma.local @!p0 [hbm:s6], $0xF7A  }
0x23: {  	s9 =	sor.u32 $0xD0000000, s2;
	s6 =	simm.s32 $0x108;
	_ =	swait.ge @!p0 [sflag:s8], $0x0  }
0x24: {  	s3 =	sadd.s32 $0x88, s3;
	s6 =	simm.s32 @!p1 $0x1082;
	[sflag:s4] =	ssyncset.s32 $0xFFFFF086  }
0x25: {  	[simem:s6], [sflag:s4] =	dma.local [hbm:s3], $0xF7A  }
0x26: {  	[smem:$0x3F9F] =	sst s1;
	(tag) =	ssettag s2;
	_ =	strace s9  }
0x27: {  	s1 =	sld [smem:$0x3FAF]  }
0x28: {  	s2 =	sld [smem:$0x3FB0]  }
0x29: {  	s4 =	sld [smem:$0x3FB2]  }
0x2a: {  	p0 =	seq.s32 s5, $0x0;
	s5 =	sld [smem:$0x3FB3]  }
0x2b: {  	s6 =	sld [smem:$0x3FB4]  }
0x2c: {  	s7 =	sld [smem:$0x3FB5]  }
0x2d: {  	s3 =	simm.s32 $0x108;
	s8 =	sld [smem:$0x3FB6]  }
0x2e: {  	s3 =	simm.s32 @!p0 $0x1082;
	s9 =	sld [smem:$0x3FB7]  }
0x2f: {  	lr =	sadd.s32 s0, s3;
	s0 =	sld [smem:$0x3FAE]  }
0x30: {  	s3 =	sld [smem:$0x3FB1]  }
0x31: {  	[smem:$0x3FBA] =	sst s10  }
0x32: {  	s10 =	sld [smem:$0x3FB8];
	_ =	sdelay $0x3  }
0x33: {  	p0 =	seq.s32 s10, $0x1;
	s10 =	sld [smem:$0x3FBA];
	_ =	sdelay $0x3  }
0x34: {  	[smem:$0x3FBA] =	sst s10  }
0x35: {  	s10 =	sld [smem:$0x3FB9];
	_ =	sdelay $0x3  }
0x36: {  	p1 =	seq.s32 s10, $0x1;
	s10 =	sld [smem:$0x3FBA];
	_ =	sdelay $0x3  }
0x37: {  	[smem:$0x3FBA] =	sst s10  }
0x38: {  	s10 =	sld [smem:$0x3FBB]  }
0x39: {  	_ = 	snop;
	(pc) =	sbr.ind lr, $3  }
0x3a: {  	_ = 	snop  }
0x3b: {  	_ = 	snop  }
0x3c: {  	p2 =	seq.s32 s10, $0x1;
	s10 =	sld [smem:$0x3FBA]  }
0x3d: {  	_ =	shalt  }
0x3e: {  	_ =	shalt  }
0x3f: {  	_ =	shalt  }
0x40: {  	_ =	shalt  }
0x41: {  	_ =	shalt  }
0x42: {  	_ =	shalt  }
0x43: {  	_ =	shalt  }
0x44: {  	_ =	shalt  }
0x45: {  	_ =	shalt  }
0x46: {  	_ =	shalt  }
0x47: {  	_ =	shalt  }
0x48: {  	_ =	shalt  }
0x49: {  	_ =	shalt  }
0x4a: {  	_ =	shalt  }
0x4b: {  	_ =	shalt  }
0x4c: {  	_ =	shalt  }
0x4d: {  	_ =	shalt  }
0x4e: {  	_ =	shalt  }
0x4f: {  	_ =	shalt  }
0x50: {  	_ =	shalt  }
0x51: {  	_ =	shalt  }
0x52: {  	_ =	shalt  }
0x53: {  	_ =	shalt  }
0x54: {  	_ =	shalt  }
0x55: {  	_ =	shalt  }
0x56: {  	_ =	shalt  }
0x57: {  	_ =	shalt  }
0x58: {  	_ =	shalt  }
0x59: {  	_ =	shalt  }
0x5a: {  	_ =	shalt  }
0x5b: {  	_ =	shalt  }
0x5c: {  	_ =	shalt  }
0x5d: {  	_ =	shalt  }
0x5e: {  	_ =	shalt  }
0x5f: {  	_ =	shalt  }
0x60: {  	_ =	shalt  }
0x61: {  	_ =	shalt  }
0x62: {  	_ =	shalt  }
0x63: {  	_ =	shalt  }
0x64: {  	_ =	shalt  }
0x65: {  	_ =	shalt  }
0x66: {  	_ =	shalt  }
0x67: {  	_ =	shalt  }
0x68: {  	_ =	shalt  }
0x69: {  	_ =	shalt  }
0x6a: {  	_ =	shalt  }
0x6b: {  	_ =	shalt  }
0x6c: {  	_ =	shalt  }
0x6d: {  	_ =	shalt  }
0x6e: {  	_ =	shalt  }
0x6f: {  	_ =	shalt  }
0x70: {  	_ =	shalt  }
0x71: {  	_ =	shalt  }
0x72: {  	_ =	shalt  }
0x73: {  	_ =	shalt  }
0x74: {  	_ =	shalt  }
0x75: {  	_ =	shalt  }
0x76: {  	_ =	shalt  }
0x77: {  	_ =	shalt  }
0x78: {  	_ =	shalt  }
0x79: {  	_ =	shalt  }
0x7a: {  	_ =	shalt  }
0x7b: {  	_ =	shalt  }
0x7c: {  	_ =	shalt  }
0x7d: {  	_ =	shalt  }
0x7e: {  	_ =	shalt  }
0x7f: {  	_ =	shalt  }
0x80: {  	_ =	shalt  }
0x81: {  	_ =	shalt  }
0x82: {  	_ =	shalt  }
0x83: {  	_ =	shalt  }
0x84: {  	_ =	shalt  }
0x85: {  	_ =	shalt  }
0x86: {  	_ =	shalt  }
0x87: {  	_ =	shalt  }
.Lfunc_end0:
.L_simem_size_0:
called_computation_lowered:
.L_overlay_start_0:
0x88: {  	s2 =	sld [smem:$0x3FD9]  }
0x89: {  	s3 =	sld [smem:$0x3FFE];
	_ =	sdelay $0x1  }
0x8a: {  	s1 =	srdreg.scid  }
0x8b: {  	s0 =	sand.u32 $0x1, s1  }
0x8c: {  	s17 =	sshll.u32 s0, $0xA;
	s2 =	sadd.s32 s3, s2  }
0x8d: {  	s2 =	sadd.s32 s2, s17  }
0x8e: {  	[smem:$0x3FC6] =	sst s2  }
0x8f: {  	_ = 	snop  }
0x90: {  	s2 =	sld [smem:$0x3FC9]  }
0x91: {  	s18 =	sld [smem:$0x3FC8];
	(tm) =	ssettm $0x1  }
0x92: {  	s4 =	sld [smem:$0x3FFB];
	_ =	sdelay $0x3  }
0x93: {  	_ =	strace s4  }
0x94: {  	s4 =	sld [smem:$0x3FFC];
	_ =	sdelay $0x3  }
0x95: {  	_ =	strace s4  }
0x96: {  	s4 =	sld [smem:$0x3FFD];
	_ =	sdelay $0x3  }
0x97: {  	_ =	strace s4  }
0x98: {  	_ =	strace $0x8FFFFFFF  }
0x99: {  	s19 =	sld [smem:$0x3FDB];
	_ =	sdelay $0x1  }
0x9a: {  	s5 =	simm.s32 $_scs_section_size  }
0x9b: {  	s6 =	simm.s32 $_size__tile_overlayer_lowered;
	s7 =	simm.s32 $_tile_overlayer_lowered  }
0x9c: {  	s22 =	simm.s32 $0x1BFF;
	s21 =	sshll.u32 s7, $0x1;
	s4 =	sadd.s32 s5, s19  }
0x9d: {  	s8 =	simm.s32 $0x0;
	s20 =	sshll.u32 s6, $0x1;
	s6 =	sadd.s32 s21, s4  }
0x9e: {  	[timem:s8], [sflag:s22] =	dma.local [hbm:s6], s20  }
0x9f: {  	_ =	swait.ge [sflag:s22], s20  }
0xa0: {  	s5 =	ssub.s32 $0x0, s20;
	[sflag:s22] =	ssyncset.done $0x0  }
0xa1: {  	[sflag:s22] =	ssyncadd.s32 s5;
	_ =	sdelay $0x1  }
0xa2: {  	s23 =	simm.s32 $0x1B8B  }
0xa3: {  	_ =	swait.ge [sflag:s23], $0x1  }
0xa4: {  	[sflag:s23] =	ssyncset.done $0x0  }
0xa5: {  	s25 =	simm.s32 $0x1B8E;
	s24 =	sld [smem:$0x3FFE];
	[sflag:s23] =	ssyncadd.s32 $0xFFFFFFFF  }
0xa6: {  	s26 =	simm.s32 $execute0_lowered;
	[smem:$0x3FD2] =	sst s25  }
0xa7: {  	s6 =	sshll.u32 s26, $0x1;
	_ =	strace $0x80000046;
	[dreg:$0x1] =	wrdreg $0xFFFFFFFF  }
0xa8: {  	s28 =	simm.s32 $_size_execute0_lowered;
	s4 =	sadd.s32 s4, s6;
	[dreg:$0x0] =	wrdreg $0x0  }
0xa9: {  	s6 =	sshll.u32 s28, $0x1;
	[dreg:$0x2] =	wrdreg s4  }
0xaa: {  	[dreg:$0x3] =	wrdreg s6  }
0xab: {  	[dreg:$0x4] =	wrdreg $0xC0  }
0xac: {  	_ =	task [dreg:s8], $0x5FFFF  }
0xad: {  	[dreg:$0x1] =	wrdreg $0xFFFFFFFF  }
0xae: {  	[dreg:$0x0] =	wrdreg $0x60  }
0xaf: {  	[dreg:$0x2] =	wrdreg s2  }
0xb0: {  	[dreg:$0x3] =	wrdreg s18  }
0xb1: {  	[dreg:$0x4] =	wrdreg s24  }
0xb2: {  	[dreg:$0x5] =	wrdreg $0x9  }
0xb3: {  	_ =	task.clear_ibuf [dreg:s8], $0x6FFFF;
	_ =	strace $0x90000046  }
0xb4: {  	s29 =	simm.s32 $0x9;
	_ =	strace $0x80000048  }
0xb5: {  	_ =	swait.ge [sflag:s29], $0x1  }
0xb6: {  	[sflag:s29] =	ssyncadd.s32 $0xFFFFFFFF  }
0xb7: {  	_ =	strace $0x90000048  }
0xb8: {  	_ =	sfence  }
0xb9: {  	s30 =	sld [smem:$0x0];
	_ =	sdelay $0x2  }
0xba: {  	s31 =	sshll.u32 s1, $0xD;
	s1 =	sshrl.u32 s1, $0x2  }
0xbb: {  	s3 =	sand.u32 $0x4000, s31;
	s1 =	sadd.s32 s1, s30  }
0xbc: {  	s0 =	sor.u32 s3, s0;
	s1 =	sshll.u32 s1, $0x11  }
0xbd: {  	s0 =	sor.u32 s1, s0  }
0xbe: {  	s0 =	sadd.s32 $0x8F2B, s0  }
0xbf: {  	[sflag:s0] =	ssyncadd.remote.s32 $0x1  }
0xc0: {  	_ =	sfence.sel $0xFFFF  }
0xc1: {  	[dreg:$0x0] =	wrdreg $0xFFFFFFFF;
	(pc) =	sbr.abs _section_cstart, $3  }
0xc2: {  	[dreg:$0x1] =	wrdreg $0xFFFFFFFF  }
0xc3: {  	_ =	task.clear_ibuf [dreg:s8], $0x2FFFF;
	_ =	strace $0x9FFFFFFF  }
0xc4: {  	(tm) =	ssettm $0x7FFFFFFF  }
0xc5: {  	_ =	shalt  }
tec
execute0_lowered:
.L_overlay_start_1:
0x0: {  	(tag) =	ssettag $0x1  }
0x1: {  	s1 =	rddreg [dreg:$0x0]  }
0x2: {  	s0 =	rddreg [dreg:$0x1]  }
0x3: {  	s2 =	rddreg [dreg:$0x2]  }
0x4: {  	s4 =	srdreg.scid;
	s10 =	stileid.u32  }
0x5: {  	s3 =	simm.s32 $0x0;
	s15 =	simm.s32 $0x2;
	s17 =	simm.s32 $0x400  }
0x6: {  	s19 =	simm.s32 $0x200;
	s14 =	simm.s32 $0x7980;
	s16 =	simm.s32 $0x7A80  }
0x7: {  	v0 =	vimm.s32 $0x7;
	v1 =	vimm.s32 $0x0;
	v2 =	vlaneseq.u32;
	s18 =	simm.s32 $0x8180;
	s20 =	simm.s32 $0x1;
	s21 =	simm.s32 $0x8200  }
0x8: {  	vm0 =	vmmov $0x1;
	v4 =	vimm.s32 $0x1;
	v5 =	vimm.s32 $0x2;
	s22 =	simm.s32 $0x20000;
	s6 =	sand.u32 $0x1, s4;
	s28 =	sshll.u32 s10, $0x1  }
0x9: {  	v6 =	vimm.s32 $0x3;
	v7 =	vimm.s32 $0x4;
	v8 =	vimm.s32 $0x5;
	[smem:$0x7FF] =	sst s3;
	s30 =	sshll.u32 s10, $0xD;
	s5 =	sor.u32 s6, s28  }
0xa: {  	v9 =	vimm.s32 $0x6;
	v10 =	vimm.s32 $0x8;
	v11 =	vimm.s32 $0x9;
	_ =	strace $0x80000047;
	s7 =	ssub.s32 $0x2, s6;
	s6 =	sshll.u32 s6, $0xC  }
0xb: {  	v13 =	vimm.s32 $0x7380;
	vm1 =	vcmask $0x300;
	v12 =	vimm.s32 $0xA;
	s4 =	sshll.u32 s5, $0x4;
	s8 =	sshrl.u32 s7, $0x1;
	s29 =	sshll.u32 s5, $0x6  }
0xc: {  	v3 =	vmul.u32 $0x8, v2;
	v14 =	vsel vm1, $0x7000, v13;
	vm1 =	vcmask $0x704;
	s2 =	sadd.s32 s4, s2;
	s4 =	sshll.u32 s5, $0x9;
	s12 =	ssub.s32 s7, s8  }
0xd: {  	v13 =	vimm.s32 $0xB;
	v15 =	vsel vm1, $0x7080, v14;
	vm1 =	vcmask $0xB08;
	s0 =	sadd.s32 s0, s29;
	s8 =	sadd.s32 $0x180000, s1;
	s5 =	sadd.s32 s1, s4  }
.Ltmp0:
0xe: {  	v14 =	vimm.s32 $0xC;
	v16 =	vsel vm1, $0x7100, v15;
	vm1 =	vcmask $0xF0C;
	[dreg:$0x4] =	wrdreg s0;
	s9 =	sor.u32 $0x100, s4;
	(pc) =	sbr.rel .LBB2_1-.Ltmp0, $4  }
0xf: {  	v15 =	vimm.s32 $0xD;
	v17 =	vsel vm1, $0x7180, v16;
	vm1 =	vcmask $0x1310;
	s0 =	sor.u32 s6, s30;
	s2 =	sadd.s32 $0x600, s2;
	s31 =	smax.u32 s12, $0x1  }
0x10: {  	v16 =	vimm.s32 $0xE;
	v18 =	vsel vm1, $0x7200, v17;
	vm1 =	vcmask $0x1714;
	s12 =	simm.s32 $0x0;
	s7 =	sadd.s32 $0x80, s5;
	[dreg:$0x5] =	wrdreg s2  }
0x11: {  	v17 =	vimm.s32 $0xF;
	s10 =	sadd.s32 s1, s9;
	[dreg:$0x6] =	wrdreg s31;
	s0 =	sor.u32 $0x800, s0;
	v19 =	vsel vm1, $0x7280, v18;
	vm1 =	vcmask $0x1B18  }
0x12: {  	s11 =	sadd.s32 $0x180, s5;
	s2 =	simm.s32 $0x7A00;
	v18 =	vmul.u32 $0x80, v2;
	[dreg:$0x7] =	wrdreg s0;
	v19 =	vsel vm1, $0x7300, v19;
	vm1 =	vmmov $0xff  }
.LBB2_23:
0x13: {  	(xrf2) =	vadd.scan.msk.f32 $0xffff, v20;
	_ =	sdelay $0x9  }
0x14: {  	v20, _, _ =	vpop (xrf2)  }
0x15: {  	v20 =	vbroadcast v20, $0xF;
	_ =	sdelay $0x1  }
0x16: {  	[tilespmem:$0x10480] =	vst v20  }
0x17: {  	[tilespmem:$0x10490] =	vst v20  }
0x18: {  	[tilespmem:$0x104A0] =	vst v20  }
0x19: {  	[tilespmem:$0x104B0] =	vst v20  }
0x1a: {  	[tilespmem:$0x104C0] =	vst v20  }
0x1b: {  	[tilespmem:$0x104D0] =	vst v20  }
0x1c: {  	[tilespmem:$0x104E0] =	vst v20  }
0x1d: {  	s0 =	rddreg [dreg:$0x5];
	s6 =	simm.s32 $0x10480;
	[tilespmem:$0x104F0] =	vst v20  }
0x1e: {  	[hbm4b:s0+s3] =	stream.linear.scatter [tilespmem:s6], [sflag:$0x2], $0x80, $0x38;
	[tilespmem:$0x10500] =	vst v63  }
0x1f: {  	_ =	swait.ge [sflag:s15], $0x80  }
0x20: {  	s12 =	sadd.s32 $0x1, s12;
	s31 =	rddreg [dreg:$0x6]  }
0x21: {  	p0 =	sne.s32 s12, s31  }
.Ltmp1:
0x22: {  	_ = 	snop;
	(pc) =	sbr.rel @!p0 .LBB2_24-.Ltmp1, $3  }
0x23: {  	_ =	sdelay $0x1  }
0x24: {  	[sflag:s15] =	ssyncset.done $0x0  }
0x25: {  	[sflag:s15] =	ssyncadd.s32 $0xFFFFFF80  }
.LBB2_1:
0x26: {  	s0 =	rddreg [dreg:$0x4]  }
0x27: {  	[tilespmem:s3], [sflag:$0x2] =	stream.linear.gather [hbm4b:s0+s3], $0x200, $0x38;
	[tilespmem:$0x10500] =	vst v63  }
0x28: {  	_ =	swait.ge [sflag:s15], $0x200  }
0x29: {  	[sflag:s15] =	ssyncset.done $0x0  }
0x2a: {  	s31 =	simm.s32 $0x80;
	s6 =	simm.s32 $0x10200;
	[sflag:s15] =	ssyncadd.s32 $0xFFFFFE00  }
0x2b: {  	[tilespmem:s6], [sflag:$0x2] =	stream.strided.gather [hbm4b:s5+s31], $0x200, s17, s31, $0x38;
	[tilespmem:$0x10500] =	vst v63  }
0x2c: {  	_ =	swait.ge [sflag:s15], $0x200  }
0x2d: {  	[sflag:s15] =	ssyncset.done $0x0  }
0x2e: {  	[sflag:s15] =	ssyncadd.s32 $0xFFFFFE00  }
0x2f: {  	v20 =	vld [tilespmem:$0x0];
	_ =	sdelay $0x4  }
0x30: {  	v21 =	vshll.u32 v20, $0x7  }
0x31: {  	v20 =	vand.u32 $0x7, v20;
	v21 =	vand.u32 $0xFFFFFC00, v21  }
0x32: {  	v20 =	vor.u32 v20, v21  }
0x33: {  	v21 =	vperm.xlane v20, v1;
	_ =	sdelay $0x1  }
0x34: {  	v22 =	vperm.xlane v20, v4;
	v21 =	vadd.s32 v3, v21;
	_ =	sdelay $0x1  }
0x35: {  	v23 =	vperm.xlane v20, v5;
	v22 =	vadd.s32 v3, v22;
	_ =	sdelay $0x1  }
0x36: {  	v24 =	vperm.xlane v20, v6;
	v23 =	vadd.s32 v3, v23  }
0x37: {  	[tilespmem:s19], [sflag:$0x1] =	stream.indirect_vreg.gather [hbm4b:s5+s3], $0x80, v21, vm0, $0xb8;
	[tilespmem:$0x10500] =	vst v63  }
0x38: {  	s6 =	simm.s32 $0x280;
	v53 =	vperm.xlane v20, v7;
	v21 =	vadd.s32 v3, v24  }
0x39: {  	[tilespmem:s6], [sflag:$0x1] =	stream.indirect_vreg.gather [hbm4b:s5+s3], $0x80, v22, vm0, $0xb8;
	[tilespmem:$0x10500] =	vst v63  }
0x3a: {  	s13 =	simm.s32 $0x300;
	v54 =	vperm.xlane v20, v8;
	v22 =	vadd.s32 v3, v53  }
0x3b: {  	[tilespmem:s13], [sflag:$0x1] =	stream.indirect_vreg.gather [hbm4b:s5+s3], $0x80, v23, vm0, $0xb8;
	[tilespmem:$0x10500] =	vst v63  }
0x3c: {  	s23 =	simm.s32 $0x380;
	v55 =	vperm.xlane v20, v9;
	v23 =	vadd.s32 v3, v54  }
0x3d: {  	[tilespmem:s23], [sflag:$0x1] =	stream.indirect_vreg.gather [hbm4b:s5+s3], $0x80, v21, vm0, $0xb8;
	[tilespmem:$0x10500] =	vst v63  }
0x3e: {  	v56 =	vperm.xlane v20, v0;
	v21 =	vadd.s32 v3, v55  }
0x3f: {  	[tilespmem:s17], [sflag:$0x1] =	stream.indirect_vreg.gather [hbm4b:s5+s3], $0x80, v22, vm0, $0xb8;
	[tilespmem:$0x10500] =	vst v63  }
0x40: {  	s24 =	simm.s32 $0x480;
	v57 =	vperm.xlane v20, v10;
	v22 =	vadd.s32 v3, v56  }
0x41: {  	[tilespmem:s24], [sflag:$0x1] =	stream.indirect_vreg.gather [hbm4b:s5+s3], $0x80, v23, vm0, $0xb8;
	[tilespmem:$0x10500] =	vst v63  }
0x42: {  	s25 =	simm.s32 $0x500;
	v58 =	vperm.xlane v20, v11;
	v23 =	vadd.s32 v3, v57  }
0x43: {  	[tilespmem:s25], [sflag:$0x1] =	stream.indirect_vreg.gather [hbm4b:s5+s3], $0x80, v21, vm0, $0xb8;
	[tilespmem:$0x10500] =	vst v63  }
0x44: {  	s26 =	simm.s32 $0x580;
	v59 =	vperm.xlane v20, v12;
	v21 =	vadd.s32 v3, v58  }
0x45: {  	[tilespmem:s26], [sflag:$0x1] =	stream.indirect_vreg.gather [hbm4b:s5+s3], $0x80, v22, vm0, $0xb8;
	[tilespmem:$0x10500] =	vst v63  }
0x46: {  	s28 =	simm.s32 $0x600;
	v60 =	vperm.xlane v20, v13;
	v22 =	vadd.s32 v3, v59  }
0x47: {  	[tilespmem:s28], [sflag:$0x1] =	stream.indirect_vreg.gather [hbm4b:s5+s3], $0x80, v23, vm0, $0xb8;
	[tilespmem:$0x10500] =	vst v63  }
0x48: {  	s29 =	simm.s32 $0x680;
	v61 =	vperm.xlane v20, v14;
	v23 =	vadd.s32 v3, v60  }
0x49: {  	[tilespmem:s29], [sflag:$0x1] =	stream.indirect_vreg.gather [hbm4b:s5+s3], $0x80, v21, vm0, $0xb8;
	[tilespmem:$0x10500] =	vst v63  }
0x4a: {  	s30 =	simm.s32 $0x700;
	v62 =	vperm.xlane v20, v15;
	v21 =	vadd.s32 v3, v61  }
0x4b: {  	[tilespmem:s30], [sflag:$0x1] =	stream.indirect_vreg.gather [hbm4b:s5+s3], $0x80, v22, vm0, $0xb8;
	[tilespmem:$0x10500] =	vst v63  }
0x4c: {  	s31 =	simm.s32 $0x780;
	v63 =	vperm.xlane v20, v16;
	v22 =	vadd.s32 v3, v62  }
0x4d: {  	[tilespmem:s31], [sflag:$0x1] =	stream.indirect_vreg.gather [hbm4b:s5+s3], $0x80, v23, vm0, $0xb8;
	[tilespmem:$0x10500] =	vst v63  }
0x4e: {  	v20 =	vperm.xlane v20, v17;
	s6 =	simm.s32 $0x800;
	v23 =	vadd.s32 v3, v63  }
0x4f: {  	[tilespmem:s6], [sflag:$0x1] =	stream.indirect_vreg.gather [hbm4b:s5+s3], $0x80, v21, vm0, $0xb8;
	[tilespmem:$0x10500] =	vst v63  }
0x50: {  	v20 =	vadd.s32 v3, v20;
	s13 =	simm.s32 $0x880  }
0x51: {  	[tilespmem:s13], [sflag:$0x1] =	stream.indirect_vreg.gather [hbm4b:s5+s3], $0x80, v22, vm0, $0xb8;
	[tilespmem:$0x10500] =	vst v63  }
0x52: {  	s23 =	simm.s32 $0x900  }
0x53: {  	[tilespmem:s23], [sflag:$0x1] =	stream.indirect_vreg.gather [hbm4b:s5+s3], $0x80, v23, vm0, $0xb8;
	[tilespmem:$0x10500] =	vst v63  }
0x54: {  	s24 =	simm.s32 $0x980  }
0x55: {  	[tilespmem:s24], [sflag:$0x1] =	stream.indirect_vreg.gather [hbm4b:s5+s3], $0x80, v20, vm0, $0xb8;
	[tilespmem:$0x10500] =	vst v63  }
0x56: {  	v20 =	vld [tilespmem:$0x10];
	_ =	sdelay $0x4  }
0x57: {  	v21 =	vshll.u32 v20, $0x7  }
0x58: {  	v20 =	vand.u32 $0x7, v20;
	v21 =	vand.u32 $0xFFFFFC00, v21  }
0x59: {  	v20 =	vor.u32 v20, v21  }
0x5a: {  	v21 =	vperm.xlane v20, v1;
	_ =	sdelay $0x1  }
0x5b: {  	v22 =	vperm.xlane v20, v4;
	v21 =	vadd.s32 v3, v21;
	_ =	sdelay $0x1  }
0x5c: {  	v23 =	vperm.xlane v20, v5;
	v22 =	vadd.s32 v3, v22;
	_ =	sdelay $0x1  }
0x5d: {  	s25 =	simm.s32 $0xA00;
	v28 =	vperm.xlane v20, v6;
	v23 =	vadd.s32 v3, v23  }
0x5e: {  	[tilespmem:s25], [sflag:$0x1] =	stream.indirect_vreg.gather [hbm4b:s5+s3], $0x80, v21, vm0, $0xb8;
	[tilespmem:$0x10500] =	vst v63  }
0x5f: {  	s26 =	simm.s32 $0xA80;
	v29 =	vperm.xlane v20, v7;
	v21 =	vadd.s32 v3, v28  }
0x60: {  	[tilespmem:s26], [sflag:$0x1] =	stream.indirect_vreg.gather [hbm4b:s5+s3], $0x80, v22, vm0, $0xb8;
	[tilespmem:$0x10500] =	vst v63  }
0x61: {  	s28 =	simm.s32 $0xB00;
	v30 =	vperm.xlane v20, v8;
	v22 =	vadd.s32 v3, v29  }
0x62: {  	[tilespmem:s28], [sflag:$0x1] =	stream.indirect_vreg.gather [hbm4b:s5+s3], $0x80, v23, vm0, $0xb8;
	[tilespmem:$0x10500] =	vst v63  }
0x63: {  	s29 =	simm.s32 $0xB80;
	v31 =	vperm.xlane v20, v9;
	v23 =	vadd.s32 v3, v30  }
0x64: {  	[tilespmem:s29], [sflag:$0x1] =	stream.indirect_vreg.gather [hbm4b:s5+s3], $0x80, v21, vm0, $0xb8;
	[tilespmem:$0x10500] =	vst v63  }
0x65: {  	s30 =	simm.s32 $0xC00;
	v32 =	vperm.xlane v20, v0;
	v21 =	vadd.s32 v3, v31  }
0x66: {  	[tilespmem:s30], [sflag:$0x1] =	stream.indirect_vreg.gather [hbm4b:s5+s3], $0x80, v22, vm0, $0xb8;
	[tilespmem:$0x10500] =	vst v63  }
0x67: {  	s31 =	simm.s32 $0xC80;
	v33 =	vperm.xlane v20, v10;
	v22 =	vadd.s32 v3, v32  }
0x68: {  	[tilespmem:s31], [sflag:$0x1] =	stream.indirect_vreg.gather [hbm4b:s5+s3], $0x80, v23, vm0, $0xb8;
	[tilespmem:$0x10500] =	vst v63  }
0x69: {  	s6 =	simm.s32 $0xD00;
	v34 =	vperm.xlane v20, v11;
	v23 =	vadd.s32 v3, v33  }
0x6a: {  	[tilespmem:s6], [sflag:$0x1] =	stream.indirect_vreg.gather [hbm4b:s5+s3], $0x80, v21, vm0, $0xb8;
	[tilespmem:$0x10500] =	vst v63  }
0x6b: {  	s13 =	simm.s32 $0xD80;
	v35 =	vperm.xlane v20, v12;
	v21 =	vadd.s32 v3, v34  }
0x6c: {  	[tilespmem:s13], [sflag:$0x1] =	stream.indirect_vreg.gather [hbm4b:s5+s3], $0x80, v22, vm0, $0xb8;
	[tilespmem:$0x10500] =	vst v63  }
0x6d: {  	s23 =	simm.s32 $0xE00;
	v36 =	vperm.xlane v20, v13;
	v22 =	vadd.s32 v3, v35  }
0x6e: {  	[tilespmem:s23], [sflag:$0x1] =	stream.indirect_vreg.gather [hbm4b:s5+s3], $0x80, v23, vm0, $0xb8;
	[tilespmem:$0x10500] =	vst v63  }
0x6f: {  	s24 =	simm.s32 $0xE80;
	v37 =	vperm.xlane v20, v14;
	v23 =	vadd.s32 v3, v36  }
0x70: {  	[tilespmem:s24], [sflag:$0x1] =	stream.indirect_vreg.gather [hbm4b:s5+s3], $0x80, v21, vm0, $0xb8;
	[tilespmem:$0x10500] =	vst v63  }
0x71: {  	v38 =	vperm.xlane v20, v15;
	s25 =	simm.s32 $0xF00;
	v21 =	vadd.s32 v3, v37  }
0x72: {  	[tilespmem:s25], [sflag:$0x1] =	stream.indirect_vreg.gather [hbm4b:s5+s3], $0x80, v22, vm0, $0xb8;
	[tilespmem:$0x10500] =	vst v63  }
0x73: {  	v39 =	vperm.xlane v20, v16;
	s26 =	simm.s32 $0xF80;
	v22 =	vadd.s32 v3, v38  }
0x74: {  	[tilespmem:s26], [sflag:$0x1] =	stream.indirect_vreg.gather [hbm4b:s5+s3], $0x80, v23, vm0, $0xb8;
	[tilespmem:$0x10500] =	vst v63  }
0x75: {  	v20 =	vperm.xlane v20, v17;
	s28 =	simm.s32 $0x1000;
	v23 =	vadd.s32 v3, v39  }
0x76: {  	[tilespmem:s28], [sflag:$0x1] =	stream.indirect_vreg.gather [hbm4b:s5+s3], $0x80, v21, vm0, $0xb8;
	[tilespmem:$0x10500] =	vst v63  }
0x77: {  	v20 =	vadd.s32 v3, v20;
	s29 =	simm.s32 $0x1080  }
0x78: {  	[tilespmem:s29], [sflag:$0x1] =	stream.indirect_vreg.gather [hbm4b:s5+s3], $0x80, v22, vm0, $0xb8;
	[tilespmem:$0x10500] =	vst v63  }
0x79: {  	s30 =	simm.s32 $0x1100  }
0x7a: {  	[tilespmem:s30], [sflag:$0x1] =	stream.indirect_vreg.gather [hbm4b:s5+s3], $0x80, v23, vm0, $0xb8;
	[tilespmem:$0x10500] =	vst v63  }
0x7b: {  	s31 =	simm.s32 $0x1180  }
0x7c: {  	[tilespmem:s31], [sflag:$0x1] =	stream.indirect_vreg.gather [hbm4b:s5+s3], $0x80, v20, vm0, $0xb8;
	[tilespmem:$0x10500] =	vst v63  }
0x7d: {  	v20 =	vld [tilespmem:$0x20];
	_ =	sdelay $0x4  }
0x7e: {  	v21 =	vshll.u32 v20, $0x7  }
0x7f: {  	v20 =	vand.u32 $0x7, v20;
	v21 =	vand.u32 $0xFFFFFC00, v21  }
0x80: {  	v20 =	vor.u32 v20, v21  }
0x81: {  	v21 =	vperm.xlane v20, v1;
	_ =	sdelay $0x1  }
0x82: {  	v22 =	vperm.xlane v20, v4;
	v21 =	vadd.s32 v3, v21;
	_ =	sdelay $0x1  }
0x83: {  	v23 =	vperm.xlane v20, v5;
	v22 =	vadd.s32 v3, v22;
	_ =	sdelay $0x1  }
0x84: {  	s6 =	simm.s32 $0x1200;
	v40 =	vperm.xlane v20, v6;
	v23 =	vadd.s32 v3, v23  }
0x85: {  	[tilespmem:s6], [sflag:$0x1] =	stream.indirect_vreg.gather [hbm4b:s5+s3], $0x80, v21, vm0, $0xb8;
	[tilespmem:$0x10500] =	vst v63  }
0x86: {  	s13 =	simm.s32 $0x1280;
	v41 =	vperm.xlane v20, v7;
	v21 =	vadd.s32 v3, v40  }
0x87: {  	[tilespmem:s13], [sflag:$0x1] =	stream.indirect_vreg.gather [hbm4b:s5+s3], $0x80, v22, vm0, $0xb8;
	[tilespmem:$0x10500] =	vst v63  }
0x88: {  	s23 =	simm.s32 $0x1300;
	v42 =	vperm.xlane v20, v8;
	v22 =	vadd.s32 v3, v41  }
0x89: {  	[tilespmem:s23], [sflag:$0x1] =	stream.indirect_vreg.gather [hbm4b:s5+s3], $0x80, v23, vm0, $0xb8;
	[tilespmem:$0x10500] =	vst v63  }
0x8a: {  	s24 =	simm.s32 $0x1380;
	v43 =	vperm.xlane v20, v9;
	v23 =	vadd.s32 v3, v42  }
0x8b: {  	[tilespmem:s24], [sflag:$0x1] =	stream.indirect_vreg.gather [hbm4b:s5+s3], $0x80, v21, vm0, $0xb8;
	[tilespmem:$0x10500] =	vst v63  }
0x8c: {  	s25 =	simm.s32 $0x1400;
	v44 =	vperm.xlane v20, v0;
	v21 =	vadd.s32 v3, v43  }
0x8d: {  	[tilespmem:s25], [sflag:$0x1] =	stream.indirect_vreg.gather [hbm4b:s5+s3], $0x80, v22, vm0, $0xb8;
	[tilespmem:$0x10500] =	vst v63  }
0x8e: {  	s26 =	simm.s32 $0x1480;
	v45 =	vperm.xlane v20, v10;
	v22 =	vadd.s32 v3, v44  }
0x8f: {  	[tilespmem:s26], [sflag:$0x1] =	stream.indirect_vreg.gather [hbm4b:s5+s3], $0x80, v23, vm0, $0xb8;
	[tilespmem:$0x10500] =	vst v63  }
0x90: {  	s28 =	simm.s32 $0x1500;
	v46 =	vperm.xlane v20, v11;
	v23 =	vadd.s32 v3, v45  }
0x91: {  	[tilespmem:s28], [sflag:$0x1] =	stream.indirect_vreg.gather [hbm4b:s5+s3], $0x80, v21, vm0, $0xb8;
	[tilespmem:$0x10500] =	vst v63  }
0x92: {  	s29 =	simm.s32 $0x1580;
	v47 =	vperm.xlane v20, v12;
	v21 =	vadd.s32 v3, v46  }
0x93: {  	[tilespmem:s29], [sflag:$0x1] =	stream.indirect_vreg.gather [hbm4b:s5+s3], $0x80, v22, vm0, $0xb8;
	[tilespmem:$0x10500] =	vst v63  }
0x94: {  	s30 =	simm.s32 $0x1600;
	v48 =	vperm.xlane v20, v13;
	v22 =	vadd.s32 v3, v47  }
0x95: {  	[tilespmem:s30], [sflag:$0x1] =	stream.indirect_vreg.gather [hbm4b:s5+s3], $0x80, v23, vm0, $0xb8;
	[tilespmem:$0x10500] =	vst v63  }
0x96: {  	s31 =	simm.s32 $0x1680;
	v49 =	vperm.xlane v20, v14;
	v23 =	vadd.s32 v3, v48  }
0x97: {  	[tilespmem:s31], [sflag:$0x1] =	stream.indirect_vreg.gather [hbm4b:s5+s3], $0x80, v21, vm0, $0xb8;
	[tilespmem:$0x10500] =	vst v63  }
0x98: {  	v50 =	vperm.xlane v20, v15;
	s6 =	simm.s32 $0x1700;
	v21 =	vadd.s32 v3, v49  }
0x99: {  	[tilespmem:s6], [sflag:$0x1] =	stream.indirect_vreg.gather [hbm4b:s5+s3], $0x80, v22, vm0, $0xb8;
	[tilespmem:$0x10500] =	vst v63  }
0x9a: {  	v51 =	vperm.xlane v20, v16;
	s13 =	simm.s32 $0x1780;
	v22 =	vadd.s32 v3, v50  }
0x9b: {  	[tilespmem:s13], [sflag:$0x1] =	stream.indirect_vreg.gather [hbm4b:s5+s3], $0x80, v23, vm0, $0xb8;
	[tilespmem:$0x10500] =	vst v63  }
0x9c: {  	v20 =	vperm.xlane v20, v17;
	s23 =	simm.s32 $0x1800;
	v23 =	vadd.s32 v3, v51  }
0x9d: {  	[tilespmem:s23], [sflag:$0x1] =	stream.indirect_vreg.gather [hbm4b:s5+s3], $0x80, v21, vm0, $0xb8;
	[tilespmem:$0x10500] =	vst v63  }
0x9e: {  	v20 =	vadd.s32 v3, v20;
	s24 =	simm.s32 $0x1880  }
0x9f: {  	[tilespmem:s24], [sflag:$0x1] =	stream.indirect_vreg.gather [hbm4b:s5+s3], $0x80, v22, vm0, $0xb8;
	[tilespmem:$0x10500] =	vst v63  }
0xa0: {  	s25 =	simm.s32 $0x1900  }
0xa1: {  	[tilespmem:s25], [sflag:$0x1] =	stream.indirect_vreg.gather [hbm4b:s5+s3], $0x80, v23, vm0, $0xb8;
	[tilespmem:$0x10500] =	vst v63  }
0xa2: {  	s26 =	simm.s32 $0x1980  }
0xa3: {  	[tilespmem:s26], [sflag:$0x1] =	stream.indirect_vreg.gather [hbm4b:s5+s3], $0x80, v20, vm0, $0xb8;
	[tilespmem:$0x10500] =	vst v63  }
0xa4: {  	v20 =	vld [tilespmem:$0x30];
	_ =	sdelay $0x4  }
0xa5: {  	v21 =	vshll.u32 v20, $0x7  }
0xa6: {  	v20 =	vand.u32 $0x7, v20;
	v21 =	vand.u32 $0xFFFFFC00, v21  }
0xa7: {  	v20 =	vor.u32 v20, v21  }
0xa8: {  	v21 =	vperm.xlane v20, v1;
	_ =	sdelay $0x1  }
0xa9: {  	v22 =	vperm.xlane v20, v4;
	v21 =	vadd.s32 v3, v21;
	_ =	sdelay $0x1  }
0xaa: {  	v23 =	vperm.xlane v20, v5;
	v22 =	vadd.s32 v3, v22;
	_ =	sdelay $0x1  }
0xab: {  	s28 =	simm.s32 $0x1A00;
	v52 =	vperm.xlane v20, v6;
	v23 =	vadd.s32 v3, v23  }
0xac: {  	[tilespmem:s28], [sflag:$0x1] =	stream.indirect_vreg.gather [hbm4b:s5+s3], $0x80, v21, vm0, $0xb8;
	[tilespmem:$0x10500] =	vst v63  }
0xad: {  	s29 =	simm.s32 $0x1A80;
	v53 =	vperm.xlane v20, v7;
	v21 =	vadd.s32 v3, v52  }
0xae: {  	[tilespmem:s29], [sflag:$0x1] =	stream.indirect_vreg.gather [hbm4b:s5+s3], $0x80, v22, vm0, $0xb8;
	[tilespmem:$0x10500] =	vst v63  }
0xaf: {  	s30 =	simm.s32 $0x1B00;
	v54 =	vperm.xlane v20, v8;
	v22 =	vadd.s32 v3, v53  }
0xb0: {  	[tilespmem:s30], [sflag:$0x1] =	stream.indirect_vreg.gather [hbm4b:s5+s3], $0x80, v23, vm0, $0xb8;
	[tilespmem:$0x10500] =	vst v63  }
0xb1: {  	s31 =	simm.s32 $0x1B80;
	v55 =	vperm.xlane v20, v9;
	v23 =	vadd.s32 v3, v54  }
0xb2: {  	[tilespmem:s31], [sflag:$0x1] =	stream.indirect_vreg.gather [hbm4b:s5+s3], $0x80, v21, vm0, $0xb8;
	[tilespmem:$0x10500] =	vst v63  }
0xb3: {  	s6 =	simm.s32 $0x1C00;
	v56 =	vperm.xlane v20, v0;
	v21 =	vadd.s32 v3, v55  }
0xb4: {  	[tilespmem:s6], [sflag:$0x1] =	stream.indirect_vreg.gather [hbm4b:s5+s3], $0x80, v22, vm0, $0xb8;
	[tilespmem:$0x10500] =	vst v63  }
0xb5: {  	s13 =	simm.s32 $0x1C80;
	v57 =	vperm.xlane v20, v10;
	v22 =	vadd.s32 v3, v56  }
0xb6: {  	[tilespmem:s13], [sflag:$0x1] =	stream.indirect_vreg.gather [hbm4b:s5+s3], $0x80, v23, vm0, $0xb8;
	[tilespmem:$0x10500] =	vst v63  }
0xb7: {  	s23 =	simm.s32 $0x1D00;
	v58 =	vperm.xlane v20, v11;
	v23 =	vadd.s32 v3, v57  }
0xb8: {  	[tilespmem:s23], [sflag:$0x1] =	stream.indirect_vreg.gather [hbm4b:s5+s3], $0x80, v21, vm0, $0xb8;
	[tilespmem:$0x10500] =	vst v63  }
0xb9: {  	s24 =	simm.s32 $0x1D80;
	v59 =	vperm.xlane v20, v12;
	v21 =	vadd.s32 v3, v58  }
0xba: {  	[tilespmem:s24], [sflag:$0x1] =	stream.indirect_vreg.gather [hbm4b:s5+s3], $0x80, v22, vm0, $0xb8;
	[tilespmem:$0x10500] =	vst v63  }
0xbb: {  	s25 =	simm.s32 $0x1E00;
	v60 =	vperm.xlane v20, v13;
	v22 =	vadd.s32 v3, v59  }
0xbc: {  	[tilespmem:s25], [sflag:$0x1] =	stream.indirect_vreg.gather [hbm4b:s5+s3], $0x80, v23, vm0, $0xb8;
	[tilespmem:$0x10500] =	vst v63  }
0xbd: {  	s26 =	simm.s32 $0x1E80;
	v61 =	vperm.xlane v20, v14;
	v23 =	vadd.s32 v3, v60  }
0xbe: {  	[tilespmem:s26], [sflag:$0x1] =	stream.indirect_vreg.gather [hbm4b:s5+s3], $0x80, v21, vm0, $0xb8;
	[tilespmem:$0x10500] =	vst v63  }
0xbf: {  	v62 =	vperm.xlane v20, v15;
	s28 =	simm.s32 $0x1F00;
	v21 =	vadd.s32 v3, v61  }
0xc0: {  	[tilespmem:s28], [sflag:$0x1] =	stream.indirect_vreg.gather [hbm4b:s5+s3], $0x80, v22, vm0, $0xb8;
	[tilespmem:$0x10500] =	vst v63  }
0xc1: {  	v63 =	vperm.xlane v20, v16;
	s29 =	simm.s32 $0x1F80;
	v22 =	vadd.s32 v3, v62  }
0xc2: {  	[tilespmem:s29], [sflag:$0x1] =	stream.indirect_vreg.gather [hbm4b:s5+s3], $0x80, v23, vm0, $0xb8;
	[tilespmem:$0x10500] =	vst v63  }
0xc3: {  	v20 =	vperm.xlane v20, v17;
	s30 =	simm.s32 $0x2000;
	v23 =	vadd.s32 v3, v63  }
0xc4: {  	[tilespmem:s30], [sflag:$0x1] =	stream.indirect_vreg.gather [hbm4b:s5+s3], $0x80, v21, vm0, $0xb8;
	[tilespmem:$0x10500] =	vst v63  }
0xc5: {  	v20 =	vadd.s32 v3, v20;
	s31 =	simm.s32 $0x2080  }
0xc6: {  	[tilespmem:s31], [sflag:$0x1] =	stream.indirect_vreg.gather [hbm4b:s5+s3], $0x80, v22, vm0, $0xb8;
	[tilespmem:$0x10500] =	vst v63  }
0xc7: {  	s6 =	simm.s32 $0x2100  }
0xc8: {  	[tilespmem:s6], [sflag:$0x1] =	stream.indirect_vreg.gather [hbm4b:s5+s3], $0x80, v23, vm0, $0xb8;
	[tilespmem:$0x10500] =	vst v63  }
0xc9: {  	s13 =	simm.s32 $0x2180  }
0xca: {  	[tilespmem:s13], [sflag:$0x1] =	stream.indirect_vreg.gather [hbm4b:s5+s3], $0x80, v20, vm0, $0xb8;
	[tilespmem:$0x10500] =	vst v63  }
0xcb: {  	v20 =	vld [tilespmem:$0x40];
	_ =	sdelay $0x4  }
0xcc: {  	v21 =	vshll.u32 v20, $0x7  }
0xcd: {  	v20 =	vand.u32 $0x7, v20;
	v21 =	vand.u32 $0xFFFFFC00, v21  }
0xce: {  	v20 =	vor.u32 v20, v21  }
0xcf: {  	v21 =	vperm.xlane v20, v1;
	_ =	sdelay $0x1  }
0xd0: {  	v22 =	vperm.xlane v20, v4;
	v21 =	vadd.s32 v3, v21;
	_ =	sdelay $0x1  }
0xd1: {  	v23 =	vperm.xlane v20, v5;
	v22 =	vadd.s32 v3, v22;
	_ =	sdelay $0x1  }
0xd2: {  	s23 =	simm.s32 $0x2200;
	v28 =	vperm.xlane v20, v6;
	v23 =	vadd.s32 v3, v23  }
0xd3: {  	[tilespmem:s23], [sflag:$0x1] =	stream.indirect_vreg.gather [hbm4b:s5+s3], $0x80, v21, vm0, $0xb8;
	[tilespmem:$0x10500] =	vst v63  }
0xd4: {  	s24 =	simm.s32 $0x2280;
	v29 =	vperm.xlane v20, v7;
	v21 =	vadd.s32 v3, v28  }
0xd5: {  	[tilespmem:s24], [sflag:$0x1] =	stream.indirect_vreg.gather [hbm4b:s5+s3], $0x80, v22, vm0, $0xb8;
	[tilespmem:$0x10500] =	vst v63  }
0xd6: {  	s25 =	simm.s32 $0x2300;
	v30 =	vperm.xlane v20, v8;
	v22 =	vadd.s32 v3, v29  }
0xd7: {  	[tilespmem:s25], [sflag:$0x1] =	stream.indirect_vreg.gather [hbm4b:s5+s3], $0x80, v23, vm0, $0xb8;
	[tilespmem:$0x10500] =	vst v63  }
0xd8: {  	s26 =	simm.s32 $0x2380;
	v31 =	vperm.xlane v20, v9;
	v23 =	vadd.s32 v3, v30  }
0xd9: {  	[tilespmem:s26], [sflag:$0x1] =	stream.indirect_vreg.gather [hbm4b:s5+s3], $0x80, v21, vm0, $0xb8;
	[tilespmem:$0x10500] =	vst v63  }
0xda: {  	s28 =	simm.s32 $0x2400;
	v32 =	vperm.xlane v20, v0;
	v21 =	vadd.s32 v3, v31  }
0xdb: {  	[tilespmem:s28], [sflag:$0x1] =	stream.indirect_vreg.gather [hbm4b:s5+s3], $0x80, v22, vm0, $0xb8;
	[tilespmem:$0x10500] =	vst v63  }
0xdc: {  	s29 =	simm.s32 $0x2480;
	v33 =	vperm.xlane v20, v10;
	v22 =	vadd.s32 v3, v32  }
0xdd: {  	[tilespmem:s29], [sflag:$0x1] =	stream.indirect_vreg.gather [hbm4b:s5+s3], $0x80, v23, vm0, $0xb8;
	[tilespmem:$0x10500] =	vst v63  }
0xde: {  	s30 =	simm.s32 $0x2500;
	v34 =	vperm.xlane v20, v11;
	v23 =	vadd.s32 v3, v33  }
0xdf: {  	[tilespmem:s30], [sflag:$0x1] =	stream.indirect_vreg.gather [hbm4b:s5+s3], $0x80, v21, vm0, $0xb8;
	[tilespmem:$0x10500] =	vst v63  }
0xe0: {  	s31 =	simm.s32 $0x2580;
	v35 =	vperm.xlane v20, v12;
	v21 =	vadd.s32 v3, v34  }
0xe1: {  	[tilespmem:s31], [sflag:$0x1] =	stream.indirect_vreg.gather [hbm4b:s5+s3], $0x80, v22, vm0, $0xb8;
	[tilespmem:$0x10500] =	vst v63  }
0xe2: {  	s6 =	simm.s32 $0x2600;
	v36 =	vperm.xlane v20, v13;
	v22 =	vadd.s32 v3, v35  }
0xe3: {  	[tilespmem:s6], [sflag:$0x1] =	stream.indirect_vreg.gather [hbm4b:s5+s3], $0x80, v23, vm0, $0xb8;
	[tilespmem:$0x10500] =	vst v63  }
0xe4: {  	s13 =	simm.s32 $0x2680;
	v37 =	vperm.xlane v20, v14;
	v23 =	vadd.s32 v3, v36  }
0xe5: {  	[tilespmem:s13], [sflag:$0x1] =	stream.indirect_vreg.gather [hbm4b:s5+s3], $0x80, v21, vm0, $0xb8;
	[tilespmem:$0x10500] =	vst v63  }
0xe6: {  	v38 =	vperm.xlane v20, v15;
	s23 =	simm.s32 $0x2700;
	v21 =	vadd.s32 v3, v37  }
0xe7: {  	[tilespmem:s23], [sflag:$0x1] =	stream.indirect_vreg.gather [hbm4b:s5+s3], $0x80, v22, vm0, $0xb8;
	[tilespmem:$0x10500] =	vst v63  }
0xe8: {  	v39 =	vperm.xlane v20, v16;
	s24 =	simm.s32 $0x2780;
	v22 =	vadd.s32 v3, v38  }
0xe9: {  	[tilespmem:s24], [sflag:$0x1] =	stream.indirect_vreg.gather [hbm4b:s5+s3], $0x80, v23, vm0, $0xb8;
	[tilespmem:$0x10500] =	vst v63  }
0xea: {  	v20 =	vperm.xlane v20, v17;
	s25 =	simm.s32 $0x2800;
	v23 =	vadd.s32 v3, v39  }
0xeb: {  	[tilespmem:s25], [sflag:$0x1] =	stream.indirect_vreg.gather [hbm4b:s5+s3], $0x80, v21, vm0, $0xb8;
	[tilespmem:$0x10500] =	vst v63  }
0xec: {  	v20 =	vadd.s32 v3, v20;
	s26 =	simm.s32 $0x2880  }
0xed: {  	[tilespmem:s26], [sflag:$0x1] =	stream.indirect_vreg.gather [hbm4b:s5+s3], $0x80, v22, vm0, $0xb8;
	[tilespmem:$0x10500] =	vst v63  }
0xee: {  	s28 =	simm.s32 $0x2900  }
0xef: {  	[tilespmem:s28], [sflag:$0x1] =	stream.indirect_vreg.gather [hbm4b:s5+s3], $0x80, v23, vm0, $0xb8;
	[tilespmem:$0x10500] =	vst v63  }
0xf0: {  	s29 =	simm.s32 $0x2980  }
0xf1: {  	[tilespmem:s29], [sflag:$0x1] =	stream.indirect_vreg.gather [hbm4b:s5+s3], $0x80, v20, vm0, $0xb8;
	[tilespmem:$0x10500] =	vst v63  }
0xf2: {  	v20 =	vld [tilespmem:$0x50];
	_ =	sdelay $0x4  }
0xf3: {  	v21 =	vshll.u32 v20, $0x7  }
0xf4: {  	v20 =	vand.u32 $0x7, v20;
	v21 =	vand.u32 $0xFFFFFC00, v21  }
0xf5: {  	v20 =	vor.u32 v20, v21  }
0xf6: {  	v21 =	vperm.xlane v20, v1;
	_ =	sdelay $0x1  }
0xf7: {  	v22 =	vperm.xlane v20, v4;
	v21 =	vadd.s32 v3, v21;
	_ =	sdelay $0x1  }
0xf8: {  	v23 =	vperm.xlane v20, v5;
	v22 =	vadd.s32 v3, v22;
	_ =	sdelay $0x1  }
0xf9: {  	s30 =	simm.s32 $0x2A00;
	v40 =	vperm.xlane v20, v6;
	v23 =	vadd.s32 v3, v23  }
0xfa: {  	[tilespmem:s30], [sflag:$0x1] =	stream.indirect_vreg.gather [hbm4b:s5+s3], $0x80, v21, vm0, $0xb8;
	[tilespmem:$0x10500] =	vst v63  }
0xfb: {  	s31 =	simm.s32 $0x2A80;
	v41 =	vperm.xlane v20, v7;
	v21 =	vadd.s32 v3, v40  }
0xfc: {  	[tilespmem:s31], [sflag:$0x1] =	stream.indirect_vreg.gather [hbm4b:s5+s3], $0x80, v22, vm0, $0xb8;
	[tilespmem:$0x10500] =	vst v63  }
0xfd: {  	s6 =	simm.s32 $0x2B00;
	v42 =	vperm.xlane v20, v8;
	v22 =	vadd.s32 v3, v41  }
0xfe: {  	[tilespmem:s6], [sflag:$0x1] =	stream.indirect_vreg.gather [hbm4b:s5+s3], $0x80, v23, vm0, $0xb8;
	[tilespmem:$0x10500] =	vst v63  }
0xff: {  	s13 =	simm.s32 $0x2B80;
	v43 =	vperm.xlane v20, v9;
	v23 =	vadd.s32 v3, v42  }
0x100: {  	[tilespmem:s13], [sflag:$0x1] =	stream.indirect_vreg.gather [hbm4b:s5+s3], $0x80, v21, vm0, $0xb8;
	[tilespmem:$0x10500] =	vst v63  }
0x101: {  	s23 =	simm.s32 $0x2C00;
	v44 =	vperm.xlane v20, v0;
	v21 =	vadd.s32 v3, v43  }
0x102: {  	[tilespmem:s23], [sflag:$0x1] =	stream.indirect_vreg.gather [hbm4b:s5+s3], $0x80, v22, vm0, $0xb8;
	[tilespmem:$0x10500] =	vst v63  }
0x103: {  	s24 =	simm.s32 $0x2C80;
	v45 =	vperm.xlane v20, v10;
	v22 =	vadd.s32 v3, v44  }
0x104: {  	[tilespmem:s24], [sflag:$0x1] =	stream.indirect_vreg.gather [hbm4b:s5+s3], $0x80, v23, vm0, $0xb8;
	[tilespmem:$0x10500] =	vst v63  }
0x105: {  	s25 =	simm.s32 $0x2D00;
	v46 =	vperm.xlane v20, v11;
	v23 =	vadd.s32 v3, v45  }
0x106: {  	[tilespmem:s25], [sflag:$0x1] =	stream.indirect_vreg.gather [hbm4b:s5+s3], $0x80, v21, vm0, $0xb8;
	[tilespmem:$0x10500] =	vst v63  }
0x107: {  	s26 =	simm.s32 $0x2D80;
	v47 =	vperm.xlane v20, v12;
	v21 =	vadd.s32 v3, v46  }
0x108: {  	[tilespmem:s26], [sflag:$0x1] =	stream.indirect_vreg.gather [hbm4b:s5+s3], $0x80, v22, vm0, $0xb8;
	[tilespmem:$0x10500] =	vst v63  }
0x109: {  	s28 =	simm.s32 $0x2E00;
	v48 =	vperm.xlane v20, v13;
	v22 =	vadd.s32 v3, v47  }
0x10a: {  	[tilespmem:s28], [sflag:$0x1] =	stream.indirect_vreg.gather [hbm4b:s5+s3], $0x80, v23, vm0, $0xb8;
	[tilespmem:$0x10500] =	vst v63  }
0x10b: {  	s29 =	simm.s32 $0x2E80;
	v49 =	vperm.xlane v20, v14;
	v23 =	vadd.s32 v3, v48  }
0x10c: {  	[tilespmem:s29], [sflag:$0x1] =	stream.indirect_vreg.gather [hbm4b:s5+s3], $0x80, v21, vm0, $0xb8;
	[tilespmem:$0x10500] =	vst v63  }
0x10d: {  	v50 =	vperm.xlane v20, v15;
	s30 =	simm.s32 $0x2F00;
	v21 =	vadd.s32 v3, v49  }
0x10e: {  	[tilespmem:s30], [sflag:$0x1] =	stream.indirect_vreg.gather [hbm4b:s5+s3], $0x80, v22, vm0, $0xb8;
	[tilespmem:$0x10500] =	vst v63  }
0x10f: {  	v51 =	vperm.xlane v20, v16;
	s31 =	simm.s32 $0x2F80;
	v22 =	vadd.s32 v3, v50  }
0x110: {  	[tilespmem:s31], [sflag:$0x1] =	stream.indirect_vreg.gather [hbm4b:s5+s3], $0x80, v23, vm0, $0xb8;
	[tilespmem:$0x10500] =	vst v63  }
0x111: {  	v20 =	vperm.xlane v20, v17;
	s6 =	simm.s32 $0x3000;
	v23 =	vadd.s32 v3, v51  }
0x112: {  	[tilespmem:s6], [sflag:$0x1] =	stream.indirect_vreg.gather [hbm4b:s5+s3], $0x80, v21, vm0, $0xb8;
	[tilespmem:$0x10500] =	vst v63  }
0x113: {  	v20 =	vadd.s32 v3, v20;
	s13 =	simm.s32 $0x3080  }
0x114: {  	[tilespmem:s13], [sflag:$0x1] =	stream.indirect_vreg.gather [hbm4b:s5+s3], $0x80, v22, vm0, $0xb8;
	[tilespmem:$0x10500] =	vst v63  }
0x115: {  	s23 =	simm.s32 $0x3100  }
0x116: {  	[tilespmem:s23], [sflag:$0x1] =	stream.indirect_vreg.gather [hbm4b:s5+s3], $0x80, v23, vm0, $0xb8;
	[tilespmem:$0x10500] =	vst v63  }
0x117: {  	s24 =	simm.s32 $0x3180  }
0x118: {  	[tilespmem:s24], [sflag:$0x1] =	stream.indirect_vreg.gather [hbm4b:s5+s3], $0x80, v20, vm0, $0xb8;
	[tilespmem:$0x10500] =	vst v63  }
0x119: {  	v20 =	vld [tilespmem:$0x60];
	_ =	sdelay $0x4  }
0x11a: {  	v21 =	vshll.u32 v20, $0x7  }
0x11b: {  	v20 =	vand.u32 $0x7, v20;
	v21 =	vand.u32 $0xFFFFFC00, v21  }
0x11c: {  	v20 =	vor.u32 v20, v21  }
0x11d: {  	v21 =	vperm.xlane v20, v1;
	_ =	sdelay $0x1  }
0x11e: {  	v22 =	vperm.xlane v20, v4;
	v21 =	vadd.s32 v3, v21;
	_ =	sdelay $0x1  }
0x11f: {  	v23 =	vperm.xlane v20, v5;
	v22 =	vadd.s32 v3, v22;
	_ =	sdelay $0x1  }
0x120: {  	s25 =	simm.s32 $0x3200;
	v52 =	vperm.xlane v20, v6;
	v23 =	vadd.s32 v3, v23  }
0x121: {  	[tilespmem:s25], [sflag:$0x1] =	stream.indirect_vreg.gather [hbm4b:s5+s3], $0x80, v21, vm0, $0xb8;
	[tilespmem:$0x10500] =	vst v63  }
0x122: {  	s26 =	simm.s32 $0x3280;
	v53 =	vperm.xlane v20, v7;
	v21 =	vadd.s32 v3, v52  }
0x123: {  	[tilespmem:s26], [sflag:$0x1] =	stream.indirect_vreg.gather [hbm4b:s5+s3], $0x80, v22, vm0, $0xb8;
	[tilespmem:$0x10500] =	vst v63  }
0x124: {  	s28 =	simm.s32 $0x3300;
	v54 =	vperm.xlane v20, v8;
	v22 =	vadd.s32 v3, v53  }
0x125: {  	[tilespmem:s28], [sflag:$0x1] =	stream.indirect_vreg.gather [hbm4b:s5+s3], $0x80, v23, vm0, $0xb8;
	[tilespmem:$0x10500] =	vst v63  }
0x126: {  	s29 =	simm.s32 $0x3380;
	v55 =	vperm.xlane v20, v9;
	v23 =	vadd.s32 v3, v54  }
0x127: {  	[tilespmem:s29], [sflag:$0x1] =	stream.indirect_vreg.gather [hbm4b:s5+s3], $0x80, v21, vm0, $0xb8;
	[tilespmem:$0x10500] =	vst v63  }
0x128: {  	s30 =	simm.s32 $0x3400;
	v56 =	vperm.xlane v20, v0;
	v21 =	vadd.s32 v3, v55  }
0x129: {  	[tilespmem:s30], [sflag:$0x1] =	stream.indirect_vreg.gather [hbm4b:s5+s3], $0x80, v22, vm0, $0xb8;
	[tilespmem:$0x10500] =	vst v63  }
0x12a: {  	s31 =	simm.s32 $0x3480;
	v57 =	vperm.xlane v20, v10;
	v22 =	vadd.s32 v3, v56  }
0x12b: {  	[tilespmem:s31], [sflag:$0x1] =	stream.indirect_vreg.gather [hbm4b:s5+s3], $0x80, v23, vm0, $0xb8;
	[tilespmem:$0x10500] =	vst v63  }
0x12c: {  	s6 =	simm.s32 $0x3500;
	v58 =	vperm.xlane v20, v11;
	v23 =	vadd.s32 v3, v57  }
0x12d: {  	[tilespmem:s6], [sflag:$0x1] =	stream.indirect_vreg.gather [hbm4b:s5+s3], $0x80, v21, vm0, $0xb8;
	[tilespmem:$0x10500] =	vst v63  }
0x12e: {  	s13 =	simm.s32 $0x3580;
	v59 =	vperm.xlane v20, v12;
	v21 =	vadd.s32 v3, v58  }
0x12f: {  	[tilespmem:s13], [sflag:$0x1] =	stream.indirect_vreg.gather [hbm4b:s5+s3], $0x80, v22, vm0, $0xb8;
	[tilespmem:$0x10500] =	vst v63  }
0x130: {  	s23 =	simm.s32 $0x3600;
	v60 =	vperm.xlane v20, v13;
	v22 =	vadd.s32 v3, v59  }
0x131: {  	[tilespmem:s23], [sflag:$0x1] =	stream.indirect_vreg.gather [hbm4b:s5+s3], $0x80, v23, vm0, $0xb8;
	[tilespmem:$0x10500] =	vst v63  }
0x132: {  	s24 =	simm.s32 $0x3680;
	v61 =	vperm.xlane v20, v14;
	v23 =	vadd.s32 v3, v60  }
0x133: {  	[tilespmem:s24], [sflag:$0x1] =	stream.indirect_vreg.gather [hbm4b:s5+s3], $0x80, v21, vm0, $0xb8;
	[tilespmem:$0x10500] =	vst v63  }
0x134: {  	v62 =	vperm.xlane v20, v15;
	s25 =	simm.s32 $0x3700;
	v21 =	vadd.s32 v3, v61  }
0x135: {  	[tilespmem:s25], [sflag:$0x1] =	stream.indirect_vreg.gather [hbm4b:s5+s3], $0x80, v22, vm0, $0xb8;
	[tilespmem:$0x10500] =	vst v63  }
0x136: {  	v63 =	vperm.xlane v20, v16;
	s26 =	simm.s32 $0x3780;
	v22 =	vadd.s32 v3, v62  }
0x137: {  	[tilespmem:s26], [sflag:$0x1] =	stream.indirect_vreg.gather [hbm4b:s5+s3], $0x80, v23, vm0, $0xb8;
	[tilespmem:$0x10500] =	vst v63  }
0x138: {  	v20 =	vperm.xlane v20, v17;
	s28 =	simm.s32 $0x3800;
	v23 =	vadd.s32 v3, v63  }
0x139: {  	[tilespmem:s28], [sflag:$0x1] =	stream.indirect_vreg.gather [hbm4b:s5+s3], $0x80, v21, vm0, $0xb8;
	[tilespmem:$0x10500] =	vst v63  }
0x13a: {  	v20 =	vadd.s32 v3, v20;
	s29 =	simm.s32 $0x3880  }
0x13b: {  	[tilespmem:s29], [sflag:$0x1] =	stream.indirect_vreg.gather [hbm4b:s5+s3], $0x80, v22, vm0, $0xb8;
	[tilespmem:$0x10500] =	vst v63  }
0x13c: {  	s30 =	simm.s32 $0x3900  }
0x13d: {  	[tilespmem:s30], [sflag:$0x1] =	stream.indirect_vreg.gather [hbm4b:s5+s3], $0x80, v23, vm0, $0xb8;
	[tilespmem:$0x10500] =	vst v63  }
0x13e: {  	s31 =	simm.s32 $0x3980  }
0x13f: {  	[tilespmem:s31], [sflag:$0x1] =	stream.indirect_vreg.gather [hbm4b:s5+s3], $0x80, v20, vm0, $0xb8;
	[tilespmem:$0x10500] =	vst v63  }
0x140: {  	v20 =	vld [tilespmem:$0x70];
	_ =	sdelay $0x4  }
0x141: {  	v21 =	vshll.u32 v20, $0x7  }
0x142: {  	v20 =	vand.u32 $0x7, v20;
	v21 =	vand.u32 $0xFFFFFC00, v21  }
0x143: {  	v20 =	vor.u32 v20, v21  }
0x144: {  	v21 =	vperm.xlane v20, v1;
	_ =	sdelay $0x1  }
0x145: {  	v22 =	vperm.xlane v20, v4;
	v21 =	vadd.s32 v3, v21;
	_ =	sdelay $0x1  }
0x146: {  	v23 =	vperm.xlane v20, v5;
	v22 =	vadd.s32 v3, v22;
	_ =	sdelay $0x1  }
0x147: {  	s6 =	simm.s32 $0x3A00;
	v28 =	vperm.xlane v20, v6;
	v23 =	vadd.s32 v3, v23  }
0x148: {  	[tilespmem:s6], [sflag:$0x1] =	stream.indirect_vreg.gather [hbm4b:s5+s3], $0x80, v21, vm0, $0xb8;
	[tilespmem:$0x10500] =	vst v63  }
0x149: {  	s13 =	simm.s32 $0x3A80;
	v29 =	vperm.xlane v20, v7;
	v21 =	vadd.s32 v3, v28  }
0x14a: {  	[tilespmem:s13], [sflag:$0x1] =	stream.indirect_vreg.gather [hbm4b:s5+s3], $0x80, v22, vm0, $0xb8;
	[tilespmem:$0x10500] =	vst v63  }
0x14b: {  	s23 =	simm.s32 $0x3B00;
	v30 =	vperm.xlane v20, v8;
	v22 =	vadd.s32 v3, v29  }
0x14c: {  	[tilespmem:s23], [sflag:$0x1] =	stream.indirect_vreg.gather [hbm4b:s5+s3], $0x80, v23, vm0, $0xb8;
	[tilespmem:$0x10500] =	vst v63  }
0x14d: {  	s24 =	simm.s32 $0x3B80;
	v31 =	vperm.xlane v20, v9;
	v23 =	vadd.s32 v3, v30  }
0x14e: {  	[tilespmem:s24], [sflag:$0x1] =	stream.indirect_vreg.gather [hbm4b:s5+s3], $0x80, v21, vm0, $0xb8;
	[tilespmem:$0x10500] =	vst v63  }
0x14f: {  	s25 =	simm.s32 $0x3C00;
	v32 =	vperm.xlane v20, v0;
	v21 =	vadd.s32 v3, v31  }
0x150: {  	[tilespmem:s25], [sflag:$0x1] =	stream.indirect_vreg.gather [hbm4b:s5+s3], $0x80, v22, vm0, $0xb8;
	[tilespmem:$0x10500] =	vst v63  }
0x151: {  	s26 =	simm.s32 $0x3C80;
	v33 =	vperm.xlane v20, v10;
	v22 =	vadd.s32 v3, v32  }
0x152: {  	[tilespmem:s26], [sflag:$0x1] =	stream.indirect_vreg.gather [hbm4b:s5+s3], $0x80, v23, vm0, $0xb8;
	[tilespmem:$0x10500] =	vst v63  }
0x153: {  	s28 =	simm.s32 $0x3D00;
	v34 =	vperm.xlane v20, v11;
	v23 =	vadd.s32 v3, v33  }
0x154: {  	[tilespmem:s28], [sflag:$0x1] =	stream.indirect_vreg.gather [hbm4b:s5+s3], $0x80, v21, vm0, $0xb8;
	[tilespmem:$0x10500] =	vst v63  }
0x155: {  	s29 =	simm.s32 $0x3D80;
	v35 =	vperm.xlane v20, v12;
	v21 =	vadd.s32 v3, v34  }
0x156: {  	[tilespmem:s29], [sflag:$0x1] =	stream.indirect_vreg.gather [hbm4b:s5+s3], $0x80, v22, vm0, $0xb8;
	[tilespmem:$0x10500] =	vst v63  }
0x157: {  	s30 =	simm.s32 $0x3E00;
	v36 =	vperm.xlane v20, v13;
	v22 =	vadd.s32 v3, v35  }
0x158: {  	[tilespmem:s30], [sflag:$0x1] =	stream.indirect_vreg.gather [hbm4b:s5+s3], $0x80, v23, vm0, $0xb8;
	[tilespmem:$0x10500] =	vst v63  }
0x159: {  	s31 =	simm.s32 $0x3E80;
	v37 =	vperm.xlane v20, v14;
	v23 =	vadd.s32 v3, v36  }
0x15a: {  	[tilespmem:s31], [sflag:$0x1] =	stream.indirect_vreg.gather [hbm4b:s5+s3], $0x80, v21, vm0, $0xb8;
	[tilespmem:$0x10500] =	vst v63  }
0x15b: {  	v38 =	vperm.xlane v20, v15;
	s6 =	simm.s32 $0x3F00;
	v21 =	vadd.s32 v3, v37  }
0x15c: {  	[tilespmem:s6], [sflag:$0x1] =	stream.indirect_vreg.gather [hbm4b:s5+s3], $0x80, v22, vm0, $0xb8;
	[tilespmem:$0x10500] =	vst v63  }
0x15d: {  	v39 =	vperm.xlane v20, v16;
	s13 =	simm.s32 $0x3F80;
	v22 =	vadd.s32 v3, v38  }
0x15e: {  	[tilespmem:s13], [sflag:$0x1] =	stream.indirect_vreg.gather [hbm4b:s5+s3], $0x80, v23, vm0, $0xb8;
	[tilespmem:$0x10500] =	vst v63  }
0x15f: {  	v20 =	vperm.xlane v20, v17;
	s23 =	simm.s32 $0x4000;
	v23 =	vadd.s32 v3, v39  }
0x160: {  	[tilespmem:s23], [sflag:$0x1] =	stream.indirect_vreg.gather [hbm4b:s5+s3], $0x80, v21, vm0, $0xb8;
	[tilespmem:$0x10500] =	vst v63  }
0x161: {  	v20 =	vadd.s32 v3, v20;
	s24 =	simm.s32 $0x4080  }
0x162: {  	[tilespmem:s24], [sflag:$0x1] =	stream.indirect_vreg.gather [hbm4b:s5+s3], $0x80, v22, vm0, $0xb8;
	[tilespmem:$0x10500] =	vst v63  }
0x163: {  	s25 =	simm.s32 $0x4100  }
0x164: {  	[tilespmem:s25], [sflag:$0x1] =	stream.indirect_vreg.gather [hbm4b:s5+s3], $0x80, v23, vm0, $0xb8;
	[tilespmem:$0x10500] =	vst v63  }
0x165: {  	s26 =	simm.s32 $0x4180  }
0x166: {  	[tilespmem:s26], [sflag:$0x1] =	stream.indirect_vreg.gather [hbm4b:s5+s3], $0x80, v20, vm0, $0xb8;
	[tilespmem:$0x10500] =	vst v63  }
0x167: {  	v20 =	vld [tilespmem:$0x80];
	_ =	sdelay $0x4  }
0x168: {  	v21 =	vshll.u32 v20, $0x7  }
0x169: {  	v20 =	vand.u32 $0x7, v20;
	v21 =	vand.u32 $0xFFFFFC00, v21  }
0x16a: {  	v20 =	vor.u32 v20, v21  }
0x16b: {  	v21 =	vperm.xlane v20, v1;
	_ =	sdelay $0x1  }
0x16c: {  	v22 =	vperm.xlane v20, v4;
	v21 =	vadd.s32 v3, v21;
	_ =	sdelay $0x1  }
0x16d: {  	v23 =	vperm.xlane v20, v5;
	v22 =	vadd.s32 v3, v22;
	_ =	sdelay $0x1  }
0x16e: {  	s28 =	simm.s32 $0x4200;
	v40 =	vperm.xlane v20, v6;
	v23 =	vadd.s32 v3, v23  }
0x16f: {  	[tilespmem:s28], [sflag:$0x1] =	stream.indirect_vreg.gather [hbm4b:s7+s3], $0x80, v21, vm0, $0xb8;
	[tilespmem:$0x10500] =	vst v63  }
0x170: {  	s29 =	simm.s32 $0x4280;
	v41 =	vperm.xlane v20, v7;
	v21 =	vadd.s32 v3, v40  }
0x171: {  	[tilespmem:s29], [sflag:$0x1] =	stream.indirect_vreg.gather [hbm4b:s7+s3], $0x80, v22, vm0, $0xb8;
	[tilespmem:$0x10500] =	vst v63  }
0x172: {  	s30 =	simm.s32 $0x4300;
	v42 =	vperm.xlane v20, v8;
	v22 =	vadd.s32 v3, v41  }
0x173: {  	[tilespmem:s30], [sflag:$0x1] =	stream.indirect_vreg.gather [hbm4b:s7+s3], $0x80, v23, vm0, $0xb8;
	[tilespmem:$0x10500] =	vst v63  }
0x174: {  	s31 =	simm.s32 $0x4380;
	v43 =	vperm.xlane v20, v9;
	v23 =	vadd.s32 v3, v42  }
0x175: {  	[tilespmem:s31], [sflag:$0x1] =	stream.indirect_vreg.gather [hbm4b:s7+s3], $0x80, v21, vm0, $0xb8;
	[tilespmem:$0x10500] =	vst v63  }
0x176: {  	s6 =	simm.s32 $0x4400;
	v44 =	vperm.xlane v20, v0;
	v21 =	vadd.s32 v3, v43  }
0x177: {  	[tilespmem:s6], [sflag:$0x1] =	stream.indirect_vreg.gather [hbm4b:s7+s3], $0x80, v22, vm0, $0xb8;
	[tilespmem:$0x10500] =	vst v63  }
0x178: {  	s13 =	simm.s32 $0x4480;
	v45 =	vperm.xlane v20, v10;
	v22 =	vadd.s32 v3, v44  }
0x179: {  	[tilespmem:s13], [sflag:$0x1] =	stream.indirect_vreg.gather [hbm4b:s7+s3], $0x80, v23, vm0, $0xb8;
	[tilespmem:$0x10500] =	vst v63  }
0x17a: {  	s23 =	simm.s32 $0x4500;
	v46 =	vperm.xlane v20, v11;
	v23 =	vadd.s32 v3, v45  }
0x17b: {  	[tilespmem:s23], [sflag:$0x1] =	stream.indirect_vreg.gather [hbm4b:s7+s3], $0x80, v21, vm0, $0xb8;
	[tilespmem:$0x10500] =	vst v63  }
0x17c: {  	s24 =	simm.s32 $0x4580;
	v47 =	vperm.xlane v20, v12;
	v21 =	vadd.s32 v3, v46  }
0x17d: {  	[tilespmem:s24], [sflag:$0x1] =	stream.indirect_vreg.gather [hbm4b:s7+s3], $0x80, v22, vm0, $0xb8;
	[tilespmem:$0x10500] =	vst v63  }
0x17e: {  	s25 =	simm.s32 $0x4600;
	v48 =	vperm.xlane v20, v13;
	v22 =	vadd.s32 v3, v47  }
0x17f: {  	[tilespmem:s25], [sflag:$0x1] =	stream.indirect_vreg.gather [hbm4b:s7+s3], $0x80, v23, vm0, $0xb8;
	[tilespmem:$0x10500] =	vst v63  }
0x180: {  	s26 =	simm.s32 $0x4680;
	v49 =	vperm.xlane v20, v14;
	v23 =	vadd.s32 v3, v48  }
0x181: {  	[tilespmem:s26], [sflag:$0x1] =	stream.indirect_vreg.gather [hbm4b:s7+s3], $0x80, v21, vm0, $0xb8;
	[tilespmem:$0x10500] =	vst v63  }
0x182: {  	v50 =	vperm.xlane v20, v15;
	s28 =	simm.s32 $0x4700;
	v21 =	vadd.s32 v3, v49  }
0x183: {  	[tilespmem:s28], [sflag:$0x1] =	stream.indirect_vreg.gather [hbm4b:s7+s3], $0x80, v22, vm0, $0xb8;
	[tilespmem:$0x10500] =	vst v63  }
0x184: {  	v51 =	vperm.xlane v20, v16;
	s29 =	simm.s32 $0x4780;
	v22 =	vadd.s32 v3, v50  }
0x185: {  	[tilespmem:s29], [sflag:$0x1] =	stream.indirect_vreg.gather [hbm4b:s7+s3], $0x80, v23, vm0, $0xb8;
	[tilespmem:$0x10500] =	vst v63  }
0x186: {  	v20 =	vperm.xlane v20, v17;
	s30 =	simm.s32 $0x4800;
	v23 =	vadd.s32 v3, v51  }
0x187: {  	[tilespmem:s30], [sflag:$0x1] =	stream.indirect_vreg.gather [hbm4b:s7+s3], $0x80, v21, vm0, $0xb8;
	[tilespmem:$0x10500] =	vst v63  }
0x188: {  	v20 =	vadd.s32 v3, v20;
	s31 =	simm.s32 $0x4880  }
0x189: {  	[tilespmem:s31], [sflag:$0x1] =	stream.indirect_vreg.gather [hbm4b:s7+s3], $0x80, v22, vm0, $0xb8;
	[tilespmem:$0x10500] =	vst v63  }
0x18a: {  	s6 =	simm.s32 $0x4900  }
0x18b: {  	[tilespmem:s6], [sflag:$0x1] =	stream.indirect_vreg.gather [hbm4b:s7+s3], $0x80, v23, vm0, $0xb8;
	[tilespmem:$0x10500] =	vst v63  }
0x18c: {  	s13 =	simm.s32 $0x4980  }
0x18d: {  	[tilespmem:s13], [sflag:$0x1] =	stream.indirect_vreg.gather [hbm4b:s7+s3], $0x80, v20, vm0, $0xb8;
	[tilespmem:$0x10500] =	vst v63  }
0x18e: {  	v20 =	vld [tilespmem:$0x90];
	_ =	sdelay $0x4  }
0x18f: {  	v21 =	vshll.u32 v20, $0x7  }
0x190: {  	v20 =	vand.u32 $0x7, v20;
	v21 =	vand.u32 $0xFFFFFC00, v21  }
0x191: {  	v20 =	vor.u32 v20, v21  }
0x192: {  	v21 =	vperm.xlane v20, v1;
	_ =	sdelay $0x1  }
0x193: {  	v22 =	vperm.xlane v20, v4;
	v21 =	vadd.s32 v3, v21;
	_ =	sdelay $0x1  }
0x194: {  	v23 =	vperm.xlane v20, v5;
	v22 =	vadd.s32 v3, v22;
	_ =	sdelay $0x1  }
0x195: {  	s23 =	simm.s32 $0x4A00;
	v52 =	vperm.xlane v20, v6;
	v23 =	vadd.s32 v3, v23  }
0x196: {  	[tilespmem:s23], [sflag:$0x1] =	stream.indirect_vreg.gather [hbm4b:s7+s3], $0x80, v21, vm0, $0xb8;
	[tilespmem:$0x10500] =	vst v63  }
0x197: {  	s24 =	simm.s32 $0x4A80;
	v53 =	vperm.xlane v20, v7;
	v21 =	vadd.s32 v3, v52  }
0x198: {  	[tilespmem:s24], [sflag:$0x1] =	stream.indirect_vreg.gather [hbm4b:s7+s3], $0x80, v22, vm0, $0xb8;
	[tilespmem:$0x10500] =	vst v63  }
0x199: {  	s25 =	simm.s32 $0x4B00;
	v54 =	vperm.xlane v20, v8;
	v22 =	vadd.s32 v3, v53  }
0x19a: {  	[tilespmem:s25], [sflag:$0x1] =	stream.indirect_vreg.gather [hbm4b:s7+s3], $0x80, v23, vm0, $0xb8;
	[tilespmem:$0x10500] =	vst v63  }
0x19b: {  	s26 =	simm.s32 $0x4B80;
	v55 =	vperm.xlane v20, v9;
	v23 =	vadd.s32 v3, v54  }
0x19c: {  	[tilespmem:s26], [sflag:$0x1] =	stream.indirect_vreg.gather [hbm4b:s7+s3], $0x80, v21, vm0, $0xb8;
	[tilespmem:$0x10500] =	vst v63  }
0x19d: {  	s28 =	simm.s32 $0x4C00;
	v56 =	vperm.xlane v20, v0;
	v21 =	vadd.s32 v3, v55  }
0x19e: {  	[tilespmem:s28], [sflag:$0x1] =	stream.indirect_vreg.gather [hbm4b:s7+s3], $0x80, v22, vm0, $0xb8;
	[tilespmem:$0x10500] =	vst v63  }
0x19f: {  	s29 =	simm.s32 $0x4C80;
	v57 =	vperm.xlane v20, v10;
	v22 =	vadd.s32 v3, v56  }
0x1a0: {  	[tilespmem:s29], [sflag:$0x1] =	stream.indirect_vreg.gather [hbm4b:s7+s3], $0x80, v23, vm0, $0xb8;
	[tilespmem:$0x10500] =	vst v63  }
0x1a1: {  	s30 =	simm.s32 $0x4D00;
	v58 =	vperm.xlane v20, v11;
	v23 =	vadd.s32 v3, v57  }
0x1a2: {  	[tilespmem:s30], [sflag:$0x1] =	stream.indirect_vreg.gather [hbm4b:s7+s3], $0x80, v21, vm0, $0xb8;
	[tilespmem:$0x10500] =	vst v63  }
0x1a3: {  	s31 =	simm.s32 $0x4D80;
	v59 =	vperm.xlane v20, v12;
	v21 =	vadd.s32 v3, v58  }
0x1a4: {  	[tilespmem:s31], [sflag:$0x1] =	stream.indirect_vreg.gather [hbm4b:s7+s3], $0x80, v22, vm0, $0xb8;
	[tilespmem:$0x10500] =	vst v63  }
0x1a5: {  	s6 =	simm.s32 $0x4E00;
	v60 =	vperm.xlane v20, v13;
	v22 =	vadd.s32 v3, v59  }
0x1a6: {  	[tilespmem:s6], [sflag:$0x1] =	stream.indirect_vreg.gather [hbm4b:s7+s3], $0x80, v23, vm0, $0xb8;
	[tilespmem:$0x10500] =	vst v63  }
0x1a7: {  	s13 =	simm.s32 $0x4E80;
	v61 =	vperm.xlane v20, v14;
	v23 =	vadd.s32 v3, v60  }
0x1a8: {  	[tilespmem:s13], [sflag:$0x1] =	stream.indirect_vreg.gather [hbm4b:s7+s3], $0x80, v21, vm0, $0xb8;
	[tilespmem:$0x10500] =	vst v63  }
0x1a9: {  	v62 =	vperm.xlane v20, v15;
	s23 =	simm.s32 $0x4F00;
	v21 =	vadd.s32 v3, v61  }
0x1aa: {  	[tilespmem:s23], [sflag:$0x1] =	stream.indirect_vreg.gather [hbm4b:s7+s3], $0x80, v22, vm0, $0xb8;
	[tilespmem:$0x10500] =	vst v63  }
0x1ab: {  	v63 =	vperm.xlane v20, v16;
	s24 =	simm.s32 $0x4F80;
	v22 =	vadd.s32 v3, v62  }
0x1ac: {  	[tilespmem:s24], [sflag:$0x1] =	stream.indirect_vreg.gather [hbm4b:s7+s3], $0x80, v23, vm0, $0xb8;
	[tilespmem:$0x10500] =	vst v63  }
0x1ad: {  	v20 =	vperm.xlane v20, v17;
	s25 =	simm.s32 $0x5000;
	v23 =	vadd.s32 v3, v63  }
0x1ae: {  	[tilespmem:s25], [sflag:$0x1] =	stream.indirect_vreg.gather [hbm4b:s7+s3], $0x80, v21, vm0, $0xb8;
	[tilespmem:$0x10500] =	vst v63  }
0x1af: {  	v20 =	vadd.s32 v3, v20;
	s26 =	simm.s32 $0x5080  }
0x1b0: {  	[tilespmem:s26], [sflag:$0x1] =	stream.indirect_vreg.gather [hbm4b:s7+s3], $0x80, v22, vm0, $0xb8;
	[tilespmem:$0x10500] =	vst v63  }
0x1b1: {  	s28 =	simm.s32 $0x5100  }
0x1b2: {  	[tilespmem:s28], [sflag:$0x1] =	stream.indirect_vreg.gather [hbm4b:s7+s3], $0x80, v23, vm0, $0xb8;
	[tilespmem:$0x10500] =	vst v63  }
0x1b3: {  	s29 =	simm.s32 $0x5180  }
0x1b4: {  	[tilespmem:s29], [sflag:$0x1] =	stream.indirect_vreg.gather [hbm4b:s7+s3], $0x80, v20, vm0, $0xb8;
	[tilespmem:$0x10500] =	vst v63  }
0x1b5: {  	v20 =	vld [tilespmem:$0xA0];
	_ =	sdelay $0x4  }
0x1b6: {  	v21 =	vshll.u32 v20, $0x7  }
0x1b7: {  	v20 =	vand.u32 $0x7, v20;
	v21 =	vand.u32 $0xFFFFFC00, v21  }
0x1b8: {  	v20 =	vor.u32 v20, v21  }
0x1b9: {  	v21 =	vperm.xlane v20, v1;
	_ =	sdelay $0x1  }
0x1ba: {  	v22 =	vperm.xlane v20, v4;
	v21 =	vadd.s32 v3, v21;
	_ =	sdelay $0x1  }
0x1bb: {  	v23 =	vperm.xlane v20, v5;
	v22 =	vadd.s32 v3, v22;
	_ =	sdelay $0x1  }
0x1bc: {  	s30 =	simm.s32 $0x5200;
	v28 =	vperm.xlane v20, v6;
	v23 =	vadd.s32 v3, v23  }
0x1bd: {  	[tilespmem:s30], [sflag:$0x1] =	stream.indirect_vreg.gather [hbm4b:s7+s3], $0x80, v21, vm0, $0xb8;
	[tilespmem:$0x10500] =	vst v63  }
0x1be: {  	s31 =	simm.s32 $0x5280;
	v29 =	vperm.xlane v20, v7;
	v21 =	vadd.s32 v3, v28  }
0x1bf: {  	[tilespmem:s31], [sflag:$0x1] =	stream.indirect_vreg.gather [hbm4b:s7+s3], $0x80, v22, vm0, $0xb8;
	[tilespmem:$0x10500] =	vst v63  }
0x1c0: {  	s6 =	simm.s32 $0x5300;
	v30 =	vperm.xlane v20, v8;
	v22 =	vadd.s32 v3, v29  }
0x1c1: {  	[tilespmem:s6], [sflag:$0x1] =	stream.indirect_vreg.gather [hbm4b:s7+s3], $0x80, v23, vm0, $0xb8;
	[tilespmem:$0x10500] =	vst v63  }
0x1c2: {  	s13 =	simm.s32 $0x5380;
	v31 =	vperm.xlane v20, v9;
	v23 =	vadd.s32 v3, v30  }
0x1c3: {  	[tilespmem:s13], [sflag:$0x1] =	stream.indirect_vreg.gather [hbm4b:s7+s3], $0x80, v21, vm0, $0xb8;
	[tilespmem:$0x10500] =	vst v63  }
0x1c4: {  	s23 =	simm.s32 $0x5400;
	v32 =	vperm.xlane v20, v0;
	v21 =	vadd.s32 v3, v31  }
0x1c5: {  	[tilespmem:s23], [sflag:$0x1] =	stream.indirect_vreg.gather [hbm4b:s7+s3], $0x80, v22, vm0, $0xb8;
	[tilespmem:$0x10500] =	vst v63  }
0x1c6: {  	s24 =	simm.s32 $0x5480;
	v33 =	vperm.xlane v20, v10;
	v22 =	vadd.s32 v3, v32  }
0x1c7: {  	[tilespmem:s24], [sflag:$0x1] =	stream.indirect_vreg.gather [hbm4b:s7+s3], $0x80, v23, vm0, $0xb8;
	[tilespmem:$0x10500] =	vst v63  }
0x1c8: {  	s25 =	simm.s32 $0x5500;
	v34 =	vperm.xlane v20, v11;
	v23 =	vadd.s32 v3, v33  }
0x1c9: {  	[tilespmem:s25], [sflag:$0x1] =	stream.indirect_vreg.gather [hbm4b:s7+s3], $0x80, v21, vm0, $0xb8;
	[tilespmem:$0x10500] =	vst v63  }
0x1ca: {  	s26 =	simm.s32 $0x5580;
	v35 =	vperm.xlane v20, v12;
	v21 =	vadd.s32 v3, v34  }
0x1cb: {  	[tilespmem:s26], [sflag:$0x1] =	stream.indirect_vreg.gather [hbm4b:s7+s3], $0x80, v22, vm0, $0xb8;
	[tilespmem:$0x10500] =	vst v63  }
0x1cc: {  	s28 =	simm.s32 $0x5600;
	v36 =	vperm.xlane v20, v13;
	v22 =	vadd.s32 v3, v35  }
0x1cd: {  	[tilespmem:s28], [sflag:$0x1] =	stream.indirect_vreg.gather [hbm4b:s7+s3], $0x80, v23, vm0, $0xb8;
	[tilespmem:$0x10500] =	vst v63  }
0x1ce: {  	s29 =	simm.s32 $0x5680;
	v37 =	vperm.xlane v20, v14;
	v23 =	vadd.s32 v3, v36  }
0x1cf: {  	[tilespmem:s29], [sflag:$0x1] =	stream.indirect_vreg.gather [hbm4b:s7+s3], $0x80, v21, vm0, $0xb8;
	[tilespmem:$0x10500] =	vst v63  }
0x1d0: {  	v38 =	vperm.xlane v20, v15;
	s30 =	simm.s32 $0x5700;
	v21 =	vadd.s32 v3, v37  }
0x1d1: {  	[tilespmem:s30], [sflag:$0x1] =	stream.indirect_vreg.gather [hbm4b:s7+s3], $0x80, v22, vm0, $0xb8;
	[tilespmem:$0x10500] =	vst v63  }
0x1d2: {  	v39 =	vperm.xlane v20, v16;
	s31 =	simm.s32 $0x5780;
	v22 =	vadd.s32 v3, v38  }
0x1d3: {  	[tilespmem:s31], [sflag:$0x1] =	stream.indirect_vreg.gather [hbm4b:s7+s3], $0x80, v23, vm0, $0xb8;
	[tilespmem:$0x10500] =	vst v63  }
0x1d4: {  	v20 =	vperm.xlane v20, v17;
	s6 =	simm.s32 $0x5800;
	v23 =	vadd.s32 v3, v39  }
0x1d5: {  	[tilespmem:s6], [sflag:$0x1] =	stream.indirect_vreg.gather [hbm4b:s7+s3], $0x80, v21, vm0, $0xb8;
	[tilespmem:$0x10500] =	vst v63  }
0x1d6: {  	v20 =	vadd.s32 v3, v20;
	s13 =	simm.s32 $0x5880  }
0x1d7: {  	[tilespmem:s13], [sflag:$0x1] =	stream.indirect_vreg.gather [hbm4b:s7+s3], $0x80, v22, vm0, $0xb8;
	[tilespmem:$0x10500] =	vst v63  }
0x1d8: {  	s23 =	simm.s32 $0x5900  }
0x1d9: {  	[tilespmem:s23], [sflag:$0x1] =	stream.indirect_vreg.gather [hbm4b:s7+s3], $0x80, v23, vm0, $0xb8;
	[tilespmem:$0x10500] =	vst v63  }
0x1da: {  	s24 =	simm.s32 $0x5980  }
0x1db: {  	[tilespmem:s24], [sflag:$0x1] =	stream.indirect_vreg.gather [hbm4b:s7+s3], $0x80, v20, vm0, $0xb8;
	[tilespmem:$0x10500] =	vst v63  }
0x1dc: {  	v20 =	vld [tilespmem:$0xB0];
	_ =	sdelay $0x4  }
0x1dd: {  	v21 =	vshll.u32 v20, $0x7  }
0x1de: {  	v20 =	vand.u32 $0x7, v20;
	v21 =	vand.u32 $0xFFFFFC00, v21  }
0x1df: {  	v20 =	vor.u32 v20, v21  }
0x1e0: {  	v21 =	vperm.xlane v20, v1;
	_ =	sdelay $0x1  }
0x1e1: {  	v22 =	vperm.xlane v20, v4;
	v21 =	vadd.s32 v3, v21;
	_ =	sdelay $0x1  }
0x1e2: {  	v23 =	vperm.xlane v20, v5;
	v22 =	vadd.s32 v3, v22;
	_ =	sdelay $0x1  }
0x1e3: {  	s25 =	simm.s32 $0x5A00;
	v40 =	vperm.xlane v20, v6;
	v23 =	vadd.s32 v3, v23  }
0x1e4: {  	[tilespmem:s25], [sflag:$0x1] =	stream.indirect_vreg.gather [hbm4b:s7+s3], $0x80, v21, vm0, $0xb8;
	[tilespmem:$0x10500] =	vst v63  }
0x1e5: {  	s26 =	simm.s32 $0x5A80;
	v41 =	vperm.xlane v20, v7;
	v21 =	vadd.s32 v3, v40  }
0x1e6: {  	[tilespmem:s26], [sflag:$0x1] =	stream.indirect_vreg.gather [hbm4b:s7+s3], $0x80, v22, vm0, $0xb8;
	[tilespmem:$0x10500] =	vst v63  }
0x1e7: {  	s28 =	simm.s32 $0x5B00;
	v42 =	vperm.xlane v20, v8;
	v22 =	vadd.s32 v3, v41  }
0x1e8: {  	[tilespmem:s28], [sflag:$0x1] =	stream.indirect_vreg.gather [hbm4b:s7+s3], $0x80, v23, vm0, $0xb8;
	[tilespmem:$0x10500] =	vst v63  }
0x1e9: {  	s29 =	simm.s32 $0x5B80;
	v43 =	vperm.xlane v20, v9;
	v23 =	vadd.s32 v3, v42  }
0x1ea: {  	[tilespmem:s29], [sflag:$0x1] =	stream.indirect_vreg.gather [hbm4b:s7+s3], $0x80, v21, vm0, $0xb8;
	[tilespmem:$0x10500] =	vst v63  }
0x1eb: {  	s30 =	simm.s32 $0x5C00;
	v44 =	vperm.xlane v20, v0;
	v21 =	vadd.s32 v3, v43  }
0x1ec: {  	[tilespmem:s30], [sflag:$0x1] =	stream.indirect_vreg.gather [hbm4b:s7+s3], $0x80, v22, vm0, $0xb8;
	[tilespmem:$0x10500] =	vst v63  }
0x1ed: {  	s31 =	simm.s32 $0x5C80;
	v45 =	vperm.xlane v20, v10;
	v22 =	vadd.s32 v3, v44  }
0x1ee: {  	[tilespmem:s31], [sflag:$0x1] =	stream.indirect_vreg.gather [hbm4b:s7+s3], $0x80, v23, vm0, $0xb8;
	[tilespmem:$0x10500] =	vst v63  }
0x1ef: {  	s6 =	simm.s32 $0x5D00;
	v46 =	vperm.xlane v20, v11;
	v23 =	vadd.s32 v3, v45  }
0x1f0: {  	[tilespmem:s6], [sflag:$0x1] =	stream.indirect_vreg.gather [hbm4b:s7+s3], $0x80, v21, vm0, $0xb8;
	[tilespmem:$0x10500] =	vst v63  }
0x1f1: {  	s13 =	simm.s32 $0x5D80;
	v47 =	vperm.xlane v20, v12;
	v21 =	vadd.s32 v3, v46  }
0x1f2: {  	[tilespmem:s13], [sflag:$0x1] =	stream.indirect_vreg.gather [hbm4b:s7+s3], $0x80, v22, vm0, $0xb8;
	[tilespmem:$0x10500] =	vst v63  }
0x1f3: {  	s23 =	simm.s32 $0x5E00;
	v48 =	vperm.xlane v20, v13;
	v22 =	vadd.s32 v3, v47  }
0x1f4: {  	[tilespmem:s23], [sflag:$0x1] =	stream.indirect_vreg.gather [hbm4b:s7+s3], $0x80, v23, vm0, $0xb8;
	[tilespmem:$0x10500] =	vst v63  }
0x1f5: {  	s24 =	simm.s32 $0x5E80;
	v49 =	vperm.xlane v20, v14;
	v23 =	vadd.s32 v3, v48  }
0x1f6: {  	[tilespmem:s24], [sflag:$0x1] =	stream.indirect_vreg.gather [hbm4b:s7+s3], $0x80, v21, vm0, $0xb8;
	[tilespmem:$0x10500] =	vst v63  }
0x1f7: {  	v50 =	vperm.xlane v20, v15;
	s25 =	simm.s32 $0x5F00;
	v21 =	vadd.s32 v3, v49  }
0x1f8: {  	[tilespmem:s25], [sflag:$0x1] =	stream.indirect_vreg.gather [hbm4b:s7+s3], $0x80, v22, vm0, $0xb8;
	[tilespmem:$0x10500] =	vst v63  }
0x1f9: {  	v51 =	vperm.xlane v20, v16;
	s26 =	simm.s32 $0x5F80;
	v22 =	vadd.s32 v3, v50  }
0x1fa: {  	[tilespmem:s26], [sflag:$0x1] =	stream.indirect_vreg.gather [hbm4b:s7+s3], $0x80, v23, vm0, $0xb8;
	[tilespmem:$0x10500] =	vst v63  }
0x1fb: {  	v20 =	vperm.xlane v20, v17;
	s28 =	simm.s32 $0x6000;
	v23 =	vadd.s32 v3, v51  }
0x1fc: {  	[tilespmem:s28], [sflag:$0x1] =	stream.indirect_vreg.gather [hbm4b:s7+s3], $0x80, v21, vm0, $0xb8;
	[tilespmem:$0x10500] =	vst v63  }
0x1fd: {  	v20 =	vadd.s32 v3, v20;
	s29 =	simm.s32 $0x6080  }
0x1fe: {  	[tilespmem:s29], [sflag:$0x1] =	stream.indirect_vreg.gather [hbm4b:s7+s3], $0x80, v22, vm0, $0xb8;
	[tilespmem:$0x10500] =	vst v63  }
0x1ff: {  	s30 =	simm.s32 $0x6100  }
0x200: {  	[tilespmem:s30], [sflag:$0x1] =	stream.indirect_vreg.gather [hbm4b:s7+s3], $0x80, v23, vm0, $0xb8;
	[tilespmem:$0x10500] =	vst v63  }
0x201: {  	s31 =	simm.s32 $0x6180  }
0x202: {  	[tilespmem:s31], [sflag:$0x1] =	stream.indirect_vreg.gather [hbm4b:s7+s3], $0x80, v20, vm0, $0xb8;
	[tilespmem:$0x10500] =	vst v63  }
0x203: {  	v20 =	vld [tilespmem:$0xC0];
	_ =	sdelay $0x4  }
0x204: {  	v21 =	vshll.u32 v20, $0x7  }
0x205: {  	v20 =	vand.u32 $0x7, v20;
	v21 =	vand.u32 $0xFFFFFC00, v21  }
0x206: {  	v20 =	vor.u32 v20, v21  }
0x207: {  	v21 =	vperm.xlane v20, v1;
	_ =	sdelay $0x1  }
0x208: {  	v22 =	vperm.xlane v20, v4;
	v21 =	vadd.s32 v3, v21;
	_ =	sdelay $0x1  }
0x209: {  	v23 =	vperm.xlane v20, v5;
	v22 =	vadd.s32 v3, v22;
	_ =	sdelay $0x1  }
0x20a: {  	s6 =	simm.s32 $0x6200;
	v52 =	vperm.xlane v20, v6;
	v23 =	vadd.s32 v3, v23  }
0x20b: {  	[tilespmem:s6], [sflag:$0x1] =	stream.indirect_vreg.gather [hbm4b:s7+s3], $0x80, v21, vm0, $0xb8;
	[tilespmem:$0x10500] =	vst v63  }
0x20c: {  	s13 =	simm.s32 $0x6280;
	v53 =	vperm.xlane v20, v7;
	v21 =	vadd.s32 v3, v52  }
0x20d: {  	[tilespmem:s13], [sflag:$0x1] =	stream.indirect_vreg.gather [hbm4b:s7+s3], $0x80, v22, vm0, $0xb8;
	[tilespmem:$0x10500] =	vst v63  }
0x20e: {  	s23 =	simm.s32 $0x6300;
	v54 =	vperm.xlane v20, v8;
	v22 =	vadd.s32 v3, v53  }
0x20f: {  	[tilespmem:s23], [sflag:$0x1] =	stream.indirect_vreg.gather [hbm4b:s7+s3], $0x80, v23, vm0, $0xb8;
	[tilespmem:$0x10500] =	vst v63  }
0x210: {  	s24 =	simm.s32 $0x6380;
	v55 =	vperm.xlane v20, v9;
	v23 =	vadd.s32 v3, v54  }
0x211: {  	[tilespmem:s24], [sflag:$0x1] =	stream.indirect_vreg.gather [hbm4b:s7+s3], $0x80, v21, vm0, $0xb8;
	[tilespmem:$0x10500] =	vst v63  }
0x212: {  	s25 =	simm.s32 $0x6400;
	v56 =	vperm.xlane v20, v0;
	v21 =	vadd.s32 v3, v55  }
0x213: {  	[tilespmem:s25], [sflag:$0x1] =	stream.indirect_vreg.gather [hbm4b:s7+s3], $0x80, v22, vm0, $0xb8;
	[tilespmem:$0x10500] =	vst v63  }
0x214: {  	s26 =	simm.s32 $0x6480;
	v57 =	vperm.xlane v20, v10;
	v22 =	vadd.s32 v3, v56  }
0x215: {  	[tilespmem:s26], [sflag:$0x1] =	stream.indirect_vreg.gather [hbm4b:s7+s3], $0x80, v23, vm0, $0xb8;
	[tilespmem:$0x10500] =	vst v63  }
0x216: {  	s28 =	simm.s32 $0x6500;
	v58 =	vperm.xlane v20, v11;
	v23 =	vadd.s32 v3, v57  }
0x217: {  	[tilespmem:s28], [sflag:$0x1] =	stream.indirect_vreg.gather [hbm4b:s7+s3], $0x80, v21, vm0, $0xb8;
	[tilespmem:$0x10500] =	vst v63  }
0x218: {  	s29 =	simm.s32 $0x6580;
	v59 =	vperm.xlane v20, v12;
	v21 =	vadd.s32 v3, v58  }
0x219: {  	[tilespmem:s29], [sflag:$0x1] =	stream.indirect_vreg.gather [hbm4b:s7+s3], $0x80, v22, vm0, $0xb8;
	[tilespmem:$0x10500] =	vst v63  }
0x21a: {  	s30 =	simm.s32 $0x6600;
	v60 =	vperm.xlane v20, v13;
	v22 =	vadd.s32 v3, v59  }
0x21b: {  	[tilespmem:s30], [sflag:$0x1] =	stream.indirect_vreg.gather [hbm4b:s7+s3], $0x80, v23, vm0, $0xb8;
	[tilespmem:$0x10500] =	vst v63  }
0x21c: {  	s31 =	simm.s32 $0x6680;
	v61 =	vperm.xlane v20, v14;
	v23 =	vadd.s32 v3, v60  }
0x21d: {  	[tilespmem:s31], [sflag:$0x1] =	stream.indirect_vreg.gather [hbm4b:s7+s3], $0x80, v21, vm0, $0xb8;
	[tilespmem:$0x10500] =	vst v63  }
0x21e: {  	v62 =	vperm.xlane v20, v15;
	s6 =	simm.s32 $0x6700;
	v21 =	vadd.s32 v3, v61  }
0x21f: {  	[tilespmem:s6], [sflag:$0x1] =	stream.indirect_vreg.gather [hbm4b:s7+s3], $0x80, v22, vm0, $0xb8;
	[tilespmem:$0x10500] =	vst v63  }
0x220: {  	v63 =	vperm.xlane v20, v16;
	s13 =	simm.s32 $0x6780;
	v22 =	vadd.s32 v3, v62  }
0x221: {  	[tilespmem:s13], [sflag:$0x1] =	stream.indirect_vreg.gather [hbm4b:s7+s3], $0x80, v23, vm0, $0xb8;
	[tilespmem:$0x10500] =	vst v63  }
0x222: {  	v20 =	vperm.xlane v20, v17;
	s23 =	simm.s32 $0x6800;
	v23 =	vadd.s32 v3, v63  }
0x223: {  	[tilespmem:s23], [sflag:$0x1] =	stream.indirect_vreg.gather [hbm4b:s7+s3], $0x80, v21, vm0, $0xb8;
	[tilespmem:$0x10500] =	vst v63  }
0x224: {  	v20 =	vadd.s32 v3, v20;
	s24 =	simm.s32 $0x6880  }
0x225: {  	[tilespmem:s24], [sflag:$0x1] =	stream.indirect_vreg.gather [hbm4b:s7+s3], $0x80, v22, vm0, $0xb8;
	[tilespmem:$0x10500] =	vst v63  }
0x226: {  	s25 =	simm.s32 $0x6900  }
0x227: {  	[tilespmem:s25], [sflag:$0x1] =	stream.indirect_vreg.gather [hbm4b:s7+s3], $0x80, v23, vm0, $0xb8;
	[tilespmem:$0x10500] =	vst v63  }
0x228: {  	s26 =	simm.s32 $0x6980  }
0x229: {  	[tilespmem:s26], [sflag:$0x1] =	stream.indirect_vreg.gather [hbm4b:s7+s3], $0x80, v20, vm0, $0xb8;
	[tilespmem:$0x10500] =	vst v63  }
0x22a: {  	v20 =	vld [tilespmem:$0xD0];
	_ =	sdelay $0x4  }
0x22b: {  	v21 =	vshll.u32 v20, $0x7  }
0x22c: {  	v20 =	vand.u32 $0x7, v20;
	v21 =	vand.u32 $0xFFFFFC00, v21  }
0x22d: {  	v20 =	vor.u32 v20, v21  }
0x22e: {  	v21 =	vperm.xlane v20, v1;
	_ =	sdelay $0x1  }
0x22f: {  	v22 =	vperm.xlane v20, v4;
	v21 =	vadd.s32 v3, v21;
	_ =	sdelay $0x1  }
0x230: {  	v23 =	vperm.xlane v20, v5;
	v22 =	vadd.s32 v3, v22;
	_ =	sdelay $0x1  }
0x231: {  	s28 =	simm.s32 $0x6A00;
	v28 =	vperm.xlane v20, v6;
	v23 =	vadd.s32 v3, v23  }
0x232: {  	[tilespmem:s28], [sflag:$0x1] =	stream.indirect_vreg.gather [hbm4b:s7+s3], $0x80, v21, vm0, $0xb8;
	[tilespmem:$0x10500] =	vst v63  }
0x233: {  	s29 =	simm.s32 $0x6A80;
	v29 =	vperm.xlane v20, v7;
	v21 =	vadd.s32 v3, v28  }
0x234: {  	[tilespmem:s29], [sflag:$0x1] =	stream.indirect_vreg.gather [hbm4b:s7+s3], $0x80, v22, vm0, $0xb8;
	[tilespmem:$0x10500] =	vst v63  }
0x235: {  	s30 =	simm.s32 $0x6B00;
	v30 =	vperm.xlane v20, v8;
	v22 =	vadd.s32 v3, v29  }
0x236: {  	[tilespmem:s30], [sflag:$0x1] =	stream.indirect_vreg.gather [hbm4b:s7+s3], $0x80, v23, vm0, $0xb8;
	[tilespmem:$0x10500] =	vst v63  }
0x237: {  	s31 =	simm.s32 $0x6B80;
	v31 =	vperm.xlane v20, v9;
	v23 =	vadd.s32 v3, v30  }
0x238: {  	[tilespmem:s31], [sflag:$0x1] =	stream.indirect_vreg.gather [hbm4b:s7+s3], $0x80, v21, vm0, $0xb8;
	[tilespmem:$0x10500] =	vst v63  }
0x239: {  	s6 =	simm.s32 $0x6C00;
	v32 =	vperm.xlane v20, v0;
	v21 =	vadd.s32 v3, v31  }
0x23a: {  	[tilespmem:s6], [sflag:$0x1] =	stream.indirect_vreg.gather [hbm4b:s7+s3], $0x80, v22, vm0, $0xb8;
	[tilespmem:$0x10500] =	vst v63  }
0x23b: {  	s13 =	simm.s32 $0x6C80;
	v33 =	vperm.xlane v20, v10;
	v22 =	vadd.s32 v3, v32  }
0x23c: {  	[tilespmem:s13], [sflag:$0x1] =	stream.indirect_vreg.gather [hbm4b:s7+s3], $0x80, v23, vm0, $0xb8;
	[tilespmem:$0x10500] =	vst v63  }
0x23d: {  	s23 =	simm.s32 $0x6D00;
	v34 =	vperm.xlane v20, v11;
	v23 =	vadd.s32 v3, v33  }
0x23e: {  	[tilespmem:s23], [sflag:$0x1] =	stream.indirect_vreg.gather [hbm4b:s7+s3], $0x80, v21, vm0, $0xb8;
	[tilespmem:$0x10500] =	vst v63  }
0x23f: {  	s24 =	simm.s32 $0x6D80;
	v35 =	vperm.xlane v20, v12;
	v21 =	vadd.s32 v3, v34  }
0x240: {  	[tilespmem:s24], [sflag:$0x1] =	stream.indirect_vreg.gather [hbm4b:s7+s3], $0x80, v22, vm0, $0xb8;
	[tilespmem:$0x10500] =	vst v63  }
0x241: {  	s25 =	simm.s32 $0x6E00;
	v36 =	vperm.xlane v20, v13;
	v22 =	vadd.s32 v3, v35  }
0x242: {  	[tilespmem:s25], [sflag:$0x1] =	stream.indirect_vreg.gather [hbm4b:s7+s3], $0x80, v23, vm0, $0xb8;
	[tilespmem:$0x10500] =	vst v63  }
0x243: {  	s26 =	simm.s32 $0x6E80;
	v37 =	vperm.xlane v20, v14;
	v23 =	vadd.s32 v3, v36  }
0x244: {  	[tilespmem:s26], [sflag:$0x1] =	stream.indirect_vreg.gather [hbm4b:s7+s3], $0x80, v21, vm0, $0xb8;
	[tilespmem:$0x10500] =	vst v63  }
0x245: {  	v38 =	vperm.xlane v20, v15;
	s28 =	simm.s32 $0x6F00;
	v21 =	vadd.s32 v3, v37  }
0x246: {  	[tilespmem:s28], [sflag:$0x1] =	stream.indirect_vreg.gather [hbm4b:s7+s3], $0x80, v22, vm0, $0xb8;
	[tilespmem:$0x10500] =	vst v63  }
0x247: {  	v39 =	vperm.xlane v20, v16;
	s29 =	simm.s32 $0x6F80;
	v22 =	vadd.s32 v3, v38  }
0x248: {  	[tilespmem:s29], [sflag:$0x1] =	stream.indirect_vreg.gather [hbm4b:s7+s3], $0x80, v23, vm0, $0xb8;
	[tilespmem:$0x10500] =	vst v63  }
0x249: {  	v20 =	vperm.xlane v20, v17;
	s30 =	simm.s32 $0x7000;
	v23 =	vadd.s32 v3, v39  }
0x24a: {  	[tilespmem:s30], [sflag:$0x1] =	stream.indirect_vreg.gather [hbm4b:s7+s3], $0x80, v21, vm0, $0xb8;
	[tilespmem:$0x10500] =	vst v63  }
0x24b: {  	v20 =	vadd.s32 v3, v20;
	s31 =	simm.s32 $0x7080  }
0x24c: {  	[tilespmem:s31], [sflag:$0x1] =	stream.indirect_vreg.gather [hbm4b:s7+s3], $0x80, v22, vm0, $0xb8;
	[tilespmem:$0x10500] =	vst v63  }
0x24d: {  	s6 =	simm.s32 $0x7100  }
0x24e: {  	[tilespmem:s6], [sflag:$0x1] =	stream.indirect_vreg.gather [hbm4b:s7+s3], $0x80, v23, vm0, $0xb8;
	[tilespmem:$0x10500] =	vst v63  }
0x24f: {  	s13 =	simm.s32 $0x7180  }
0x250: {  	[tilespmem:s13], [sflag:$0x1] =	stream.indirect_vreg.gather [hbm4b:s7+s3], $0x80, v20, vm0, $0xb8;
	[tilespmem:$0x10500] =	vst v63  }
0x251: {  	v20 =	vld [tilespmem:$0xE0];
	_ =	sdelay $0x4  }
0x252: {  	v21 =	vshll.u32 v20, $0x7  }
0x253: {  	v20 =	vand.u32 $0x7, v20;
	v21 =	vand.u32 $0xFFFFFC00, v21  }
0x254: {  	v20 =	vor.u32 v20, v21  }
0x255: {  	v21 =	vperm.xlane v20, v1;
	_ =	sdelay $0x1  }
0x256: {  	v22 =	vperm.xlane v20, v4;
	v21 =	vadd.s32 v3, v21;
	_ =	sdelay $0x1  }
0x257: {  	v23 =	vperm.xlane v20, v5;
	v22 =	vadd.s32 v3, v22;
	_ =	sdelay $0x1  }
0x258: {  	s23 =	simm.s32 $0x7200;
	v40 =	vperm.xlane v20, v6;
	v23 =	vadd.s32 v3, v23  }
0x259: {  	[tilespmem:s23], [sflag:$0x1] =	stream.indirect_vreg.gather [hbm4b:s7+s3], $0x80, v21, vm0, $0xb8;
	[tilespmem:$0x10500] =	vst v63  }
0x25a: {  	s24 =	simm.s32 $0x7280;
	v41 =	vperm.xlane v20, v7;
	v21 =	vadd.s32 v3, v40  }
0x25b: {  	[tilespmem:s24], [sflag:$0x1] =	stream.indirect_vreg.gather [hbm4b:s7+s3], $0x80, v22, vm0, $0xb8;
	[tilespmem:$0x10500] =	vst v63  }
0x25c: {  	s25 =	simm.s32 $0x7300;
	v42 =	vperm.xlane v20, v8;
	v22 =	vadd.s32 v3, v41  }
0x25d: {  	[tilespmem:s25], [sflag:$0x1] =	stream.indirect_vreg.gather [hbm4b:s7+s3], $0x80, v23, vm0, $0xb8;
	[tilespmem:$0x10500] =	vst v63  }
0x25e: {  	s26 =	simm.s32 $0x7380;
	v43 =	vperm.xlane v20, v9;
	v23 =	vadd.s32 v3, v42  }
0x25f: {  	[tilespmem:s26], [sflag:$0x1] =	stream.indirect_vreg.gather [hbm4b:s7+s3], $0x80, v21, vm0, $0xb8;
	[tilespmem:$0x10500] =	vst v63  }
0x260: {  	s28 =	simm.s32 $0x7400;
	v44 =	vperm.xlane v20, v0;
	v21 =	vadd.s32 v3, v43  }
0x261: {  	[tilespmem:s28], [sflag:$0x1] =	stream.indirect_vreg.gather [hbm4b:s7+s3], $0x80, v22, vm0, $0xb8;
	[tilespmem:$0x10500] =	vst v63  }
0x262: {  	s29 =	simm.s32 $0x7480;
	v45 =	vperm.xlane v20, v10;
	v22 =	vadd.s32 v3, v44  }
0x263: {  	[tilespmem:s29], [sflag:$0x1] =	stream.indirect_vreg.gather [hbm4b:s7+s3], $0x80, v23, vm0, $0xb8;
	[tilespmem:$0x10500] =	vst v63  }
0x264: {  	s30 =	simm.s32 $0x7500;
	v46 =	vperm.xlane v20, v11;
	v23 =	vadd.s32 v3, v45  }
0x265: {  	[tilespmem:s30], [sflag:$0x1] =	stream.indirect_vreg.gather [hbm4b:s7+s3], $0x80, v21, vm0, $0xb8;
	[tilespmem:$0x10500] =	vst v63  }
0x266: {  	s31 =	simm.s32 $0x7580;
	v47 =	vperm.xlane v20, v12;
	v21 =	vadd.s32 v3, v46  }
0x267: {  	[tilespmem:s31], [sflag:$0x1] =	stream.indirect_vreg.gather [hbm4b:s7+s3], $0x80, v22, vm0, $0xb8;
	[tilespmem:$0x10500] =	vst v63  }
0x268: {  	s6 =	simm.s32 $0x7600;
	v48 =	vperm.xlane v20, v13;
	v22 =	vadd.s32 v3, v47  }
0x269: {  	[tilespmem:s6], [sflag:$0x1] =	stream.indirect_vreg.gather [hbm4b:s7+s3], $0x80, v23, vm0, $0xb8;
	[tilespmem:$0x10500] =	vst v63  }
0x26a: {  	s13 =	simm.s32 $0x7680;
	v49 =	vperm.xlane v20, v14;
	v23 =	vadd.s32 v3, v48  }
0x26b: {  	[tilespmem:s13], [sflag:$0x1] =	stream.indirect_vreg.gather [hbm4b:s7+s3], $0x80, v21, vm0, $0xb8;
	[tilespmem:$0x10500] =	vst v63  }
0x26c: {  	v50 =	vperm.xlane v20, v15;
	s23 =	simm.s32 $0x7700;
	v21 =	vadd.s32 v3, v49  }
0x26d: {  	[tilespmem:s23], [sflag:$0x1] =	stream.indirect_vreg.gather [hbm4b:s7+s3], $0x80, v22, vm0, $0xb8;
	[tilespmem:$0x10500] =	vst v63  }
0x26e: {  	v51 =	vperm.xlane v20, v16;
	s24 =	simm.s32 $0x7780;
	v22 =	vadd.s32 v3, v50  }
0x26f: {  	[tilespmem:s24], [sflag:$0x1] =	stream.indirect_vreg.gather [hbm4b:s7+s3], $0x80, v23, vm0, $0xb8;
	[tilespmem:$0x10500] =	vst v63  }
0x270: {  	v20 =	vperm.xlane v20, v17;
	s25 =	simm.s32 $0x7800;
	v23 =	vadd.s32 v3, v51  }
0x271: {  	[tilespmem:s25], [sflag:$0x1] =	stream.indirect_vreg.gather [hbm4b:s7+s3], $0x80, v21, vm0, $0xb8;
	[tilespmem:$0x10500] =	vst v63  }
0x272: {  	v20 =	vadd.s32 v3, v20;
	s26 =	simm.s32 $0x7880  }
0x273: {  	[tilespmem:s26], [sflag:$0x1] =	stream.indirect_vreg.gather [hbm4b:s7+s3], $0x80, v22, vm0, $0xb8;
	[tilespmem:$0x10500] =	vst v63  }
0x274: {  	s28 =	simm.s32 $0x7900  }
0x275: {  	[tilespmem:s28], [sflag:$0x1] =	stream.indirect_vreg.gather [hbm4b:s7+s3], $0x80, v23, vm0, $0xb8;
	[tilespmem:$0x10500] =	vst v63  }
0x276: {  	_ = 	snop  }
0x277: {  	[tilespmem:s14], [sflag:$0x1] =	stream.indirect_vreg.gather [hbm4b:s7+s3], $0x80, v20, vm0, $0xb8;
	[tilespmem:$0x10500] =	vst v63  }
0x278: {  	v20 =	vld [tilespmem:$0xF0];
	_ =	sdelay $0x4  }
0x279: {  	v21 =	vshll.u32 v20, $0x7  }
0x27a: {  	v20 =	vand.u32 $0x7, v20;
	v21 =	vand.u32 $0xFFFFFC00, v21  }
0x27b: {  	v20 =	vor.u32 v20, v21  }
0x27c: {  	v21 =	vperm.xlane v20, v1;
	_ =	sdelay $0x1  }
0x27d: {  	v22 =	vperm.xlane v20, v4;
	v21 =	vadd.s32 v3, v21;
	_ =	sdelay $0x1  }
0x27e: {  	v23 =	vperm.xlane v20, v5;
	v22 =	vadd.s32 v3, v22;
	_ =	sdelay $0x1  }
0x27f: {  	v52 =	vperm.xlane v20, v6;
	v23 =	vadd.s32 v3, v23  }
0x280: {  	[tilespmem:s2], [sflag:$0x1] =	stream.indirect_vreg.gather [hbm4b:s7+s3], $0x80, v21, vm0, $0xb8;
	[tilespmem:$0x10500] =	vst v63  }
0x281: {  	v53 =	vperm.xlane v20, v7;
	v21 =	vadd.s32 v3, v52  }
0x282: {  	[tilespmem:s16], [sflag:$0x1] =	stream.indirect_vreg.gather [hbm4b:s7+s3], $0x80, v22, vm0, $0xb8;
	[tilespmem:$0x10500] =	vst v63  }
0x283: {  	s29 =	simm.s32 $0x7B00;
	v54 =	vperm.xlane v20, v8;
	v22 =	vadd.s32 v3, v53  }
0x284: {  	[tilespmem:s29], [sflag:$0x1] =	stream.indirect_vreg.gather [hbm4b:s7+s3], $0x80, v23, vm0, $0xb8;
	[tilespmem:$0x10500] =	vst v63  }
0x285: {  	s30 =	simm.s32 $0x7B80;
	v55 =	vperm.xlane v20, v9;
	v23 =	vadd.s32 v3, v54  }
0x286: {  	[tilespmem:s30], [sflag:$0x1] =	stream.indirect_vreg.gather [hbm4b:s7+s3], $0x80, v21, vm0, $0xb8;
	[tilespmem:$0x10500] =	vst v63  }
0x287: {  	s31 =	simm.s32 $0x7C00;
	v56 =	vperm.xlane v20, v0;
	v21 =	vadd.s32 v3, v55  }
0x288: {  	[tilespmem:s31], [sflag:$0x1] =	stream.indirect_vreg.gather [hbm4b:s7+s3], $0x80, v22, vm0, $0xb8;
	[tilespmem:$0x10500] =	vst v63  }
0x289: {  	s6 =	simm.s32 $0x7C80;
	v57 =	vperm.xlane v20, v10;
	v22 =	vadd.s32 v3, v56  }
0x28a: {  	[tilespmem:s6], [sflag:$0x1] =	stream.indirect_vreg.gather [hbm4b:s7+s3], $0x80, v23, vm0, $0xb8;
	[tilespmem:$0x10500] =	vst v63  }
0x28b: {  	s13 =	simm.s32 $0x7D00;
	v58 =	vperm.xlane v20, v11;
	v23 =	vadd.s32 v3, v57  }
0x28c: {  	[tilespmem:s13], [sflag:$0x1] =	stream.indirect_vreg.gather [hbm4b:s7+s3], $0x80, v21, vm0, $0xb8;
	[tilespmem:$0x10500] =	vst v63  }
0x28d: {  	s23 =	simm.s32 $0x7D80;
	v59 =	vperm.xlane v20, v12;
	v21 =	vadd.s32 v3, v58  }
0x28e: {  	[tilespmem:s23], [sflag:$0x1] =	stream.indirect_vreg.gather [hbm4b:s7+s3], $0x80, v22, vm0, $0xb8;
	[tilespmem:$0x10500] =	vst v63  }
0x28f: {  	s24 =	simm.s32 $0x7E00;
	v60 =	vperm.xlane v20, v13;
	v22 =	vadd.s32 v3, v59  }
0x290: {  	[tilespmem:s24], [sflag:$0x1] =	stream.indirect_vreg.gather [hbm4b:s7+s3], $0x80, v23, vm0, $0xb8;
	[tilespmem:$0x10500] =	vst v63  }
0x291: {  	s25 =	simm.s32 $0x7E80;
	v61 =	vperm.xlane v20, v14;
	v23 =	vadd.s32 v3, v60  }
0x292: {  	[tilespmem:s25], [sflag:$0x1] =	stream.indirect_vreg.gather [hbm4b:s7+s3], $0x80, v21, vm0, $0xb8;
	[tilespmem:$0x10500] =	vst v63  }
0x293: {  	s26 =	simm.s32 $0x7F00;
	v62 =	vperm.xlane v20, v15;
	v21 =	vadd.s32 v3, v61  }
0x294: {  	[tilespmem:s26], [sflag:$0x1] =	stream.indirect_vreg.gather [hbm4b:s7+s3], $0x80, v22, vm0, $0xb8;
	[tilespmem:$0x10500] =	vst v63  }
0x295: {  	s28 =	simm.s32 $0x7F80;
	v63 =	vperm.xlane v20, v16;
	v22 =	vadd.s32 v3, v62  }
0x296: {  	[tilespmem:s28], [sflag:$0x1] =	stream.indirect_vreg.gather [hbm4b:s7+s3], $0x80, v23, vm0, $0xb8;
	[tilespmem:$0x10500] =	vst v63  }
0x297: {  	v20 =	vperm.xlane v20, v17;
	s29 =	simm.s32 $0x8000;
	v23 =	vadd.s32 v3, v63  }
0x298: {  	[tilespmem:s29], [sflag:$0x1] =	stream.indirect_vreg.gather [hbm4b:s7+s3], $0x80, v21, vm0, $0xb8;
	[tilespmem:$0x10500] =	vst v63  }
0x299: {  	v20 =	vadd.s32 v3, v20;
	s30 =	simm.s32 $0x8080  }
0x29a: {  	[tilespmem:s30], [sflag:$0x1] =	stream.indirect_vreg.gather [hbm4b:s7+s3], $0x80, v22, vm0, $0xb8;
	[tilespmem:$0x10500] =	vst v63  }
0x29b: {  	s31 =	simm.s32 $0x8100  }
0x29c: {  	[tilespmem:s31], [sflag:$0x1] =	stream.indirect_vreg.gather [hbm4b:s7+s3], $0x80, v23, vm0, $0xb8;
	[tilespmem:$0x10500] =	vst v63  }
0x29d: {  	_ = 	snop  }
0x29e: {  	[tilespmem:s18], [sflag:$0x1] =	stream.indirect_vreg.gather [hbm4b:s7+s3], $0x80, v20, vm0, $0xb8;
	[tilespmem:$0x10500] =	vst v63  }
0x29f: {  	_ =	swait.ge [sflag:s20], $0x4000  }
.Ltmp2:
0x2a0: {  	[sflag:s20] =	ssyncset.done $0x0;
	(pc) =	sbr.rel .LBB2_2-.Ltmp2, $4  }
0x2a1: {  	[sflag:s20] =	ssyncadd.s32 $0xFFFFC000  }
0x2a2: {  	_ =	swait.ge [sflag:s20], $0x4000  }
0x2a3: {  	[sflag:s20] =	ssyncset.done $0x0  }
0x2a4: {  	s23 =	simm.s32 $0x0;
	v20 =	vimm.f32 $0.0e+00;
	[sflag:s20] =	ssyncadd.s32 $0xFFFFC000  }
.LBB2_11:
0x2a5: {  	v22 =	vmul.f32 $1.442695020e+00, v21;
	_ =	sdelay $0x1  }
0x2a6: {  	(erf) = vpow2.f32 v22;
	_ =	sdelay $0x8  }
0x2a7: {  	v22 =	vpop (erf)  }
0x2a8: {  	v22 =	vadd.f32 v23, v22;
	_ =	sdelay $0x1  }
0x2a9: {  	v23 =	vand.u32 $0x7FFFFF, v22  }
0x2aa: {  	v23 =	vor.u32 $0x3F800000, v23  }
0x2ab: {  	v24 =	vmul.f32 $5.000000000e-01, v23  }
0x2ac: {  	vm2 =	vge.f32 v23, $1.414213540e+00  }
0x2ad: {  	v23 =	vsel vm2, v24, v23  }
0x2ae: {  	v23 =	vadd.f32 $-1.000000000e+00, v23;
	_ =	sdelay $0x1  }
0x2af: {  	v63 =	vadd.f32 $2.000000000e+00, v23;
	_ =	sdelay $0x1  }
0x2b0: {  	(erf) = vrcp.f32 v63;
	_ =	sdelay $0x8  }
0x2b1: {  	v24 =	vpop (erf)  }
0x2b2: {  	v23 =	vmul.f32 v24, v23;
	_ =	sdelay $0x1  }
0x2b3: {  	v24 =	vmul.f32 v23, v23;
	_ =	sdelay $0x1  }
0x2b4: {  	v25 =	vmul.f32 $2.857142980e-01, v24;
	_ =	sdelay $0x1  }
0x2b5: {  	v25 =	vadd.f32 $4.000000060e-01, v25;
	_ =	sdelay $0x1  }
0x2b6: {  	v25 =	vmul.f32 v25, v24;
	_ =	sdelay $0x1  }
0x2b7: {  	v22 =	vshrl.u32 v22, $0x17;
	v25 =	vadd.f32 $6.666666860e-01, v25  }
0x2b8: {  	v22 =	vand.u32 $0xFF, v22;
	v26 =	vsel vm2, $0x1, v1  }
0x2b9: {  	v22 =	vadd.s32 v26, v22;
	v24 =	vmul.f32 v25, v24  }
0x2ba: {  	v22 =	vadd.s32 $0xFFFFFF81, v22  }
0x2bb: {  	v22 =	vcvt.s32.f32 v22;
	v24 =	vadd.f32 $2.000000000e+00, v24;
	_ =	sdelay $0x1  }
0x2bc: {  	s23 =	sadd.s32 $0x1, s23;
	v22 =	vmul.f32 $6.931471820e-01, v22;
	v23 =	vmul.f32 v24, v23  }
0x2bd: {  	p0 =	sne.s32 s23, $0x10  }
.Ltmp3:
0x2be: {  	v22 =	vadd.f32 v23, v22;
	(pc) =	sbr.rel @!p0 .LBB2_12-.Ltmp3, $3  }
0x2bf: {  	_ = 	snop  }
0x2c0: {  	v21 =	vsub.f32 v22, v21;
	_ =	sdelay $0x1  }
0x2c1: {  	v20 =	vadd.f32 v21, v20  }
.LBB2_2:
0x2c2: {  	s6 =	sshll.u32 s23, $0x4  }
0x2c3: {  	v22 =	vld [tilespmem:s6+$0x0];
	_ =	sdelay $0x4  }
0x2c4: {  	vm2 =	veq.s32 v22, $0x0  }
0x2c5: {  	v21 =	vmpcnt.ones.xlane vm2;
	_ =	sdelay $0x1  }
0x2c6: {  	(v2sf) =	vpush v21, $0x0  }
0x2c7: {  	s24 =	sand.u32 $0x7, s23;
	s13 =	sor.u32 s4, s6  }
0x2c8: {  	v23 =	vld [tilespmem:s6+$0x10200];
	p1 =	sne.s32 s24, $0x0;
	p0 =	seq.s32 s13, $0x0  }
0x2c9: {  	p0 =	por !p1, !p0  }
0x2ca: {  	s24 =	simm.s32 $0x1;
	p0 =	por !p0, !p0  }
0x2cb: {  	s25 =	sshrl.u32 s13, $0x7;
	s24 =	simm.s32 @!p0 $0x0  }
0x2cc: {  	s24 =	ssub.s32 s24, s25  }
0x2cd: {  	s24 =	sshll.u32 s24, $0x7;
	v21 =	vmul.f32 $1.442695020e+00, v23  }
0x2ce: {  	s24 =	sadd.s32 s13, s24;
	v23 =	vmov s6  }
0x2cf: {  	(erf) = vpow2.f32 v21;
	v21 =	vshll.u32 v23, $0x7;
	v23 =	vmov s24  }
0x2d0: {  	v24 =	vor.u32 s24, v2;
	v23 =	vand.u32 $0xFFFFFF80, v23;
	v21 =	vor.u32 v18, v21  }
0x2d1: {  	v24 =	vand.u32 $0x7F, v24;
	v21 =	vadd.s32 v21, v23  }
0x2d2: {  	v21 =	vor.u32 v24, v21;
	_ =	sdelay $0x2  }
0x2d3: {  	s31 =	spop (v2sf)  }
0x2d4: {  	p0 =	slt.s32 s31, $0x1  }
.Ltmp4:
0x2d5: {  	v21 =	vld.idx.msk [tilespmem:v21+s19+$0x0], $0xffff;
	(pc) =	sbr.rel @p0 .LBB2_11-.Ltmp4, $3  }
0x2d6: {  	_ =	sdelay $0x1  }
0x2d7: {  	v23 =	vpop (erf)  }
0x2d8: {  	[tilespmem:$0x10400] =	vst v23  }
.Ltmp5:
0x2d9: {  	(pc) =	sbr.rel .LBB2_4-.Ltmp5, $3  }
0x2da: {  	_ =	sdelay $0x1  }
0x2db: {  	s25 =	sand.u32 $0x3E80, s13;
	s13 =	sand.u32 $0x7FFFC170, s6  }
0x2dc: {  	s26 =	simm.s32 $0x0;
	s24 =	sadd.s32 s25, s8;
	s25 =	sadd.s32 s25, s1  }
.LBB2_10:
0x2dd: {  	s26 =	sadd.s32 $0x1, s26  }
0x2de: {  	p0 =	sne.s32 s26, $0x10  }
.Ltmp6:
0x2df: {  	_ = 	snop;
	(pc) =	sbr.rel @!p0 .LBB2_11-.Ltmp6, $1  }
0x2e0: {  	_ =	sdelay $0x3  }
.LBB2_4:
0x2e1: {  	v24 =	vmov s26  }
0x2e2: {  	vm2 =	veq.s32 v24, v2  }
0x2e3: {  	v24 =	vnsel vm2, $0x0, v22  }
0x2e4: {  	(xrf0) =	vadd.scan.msk.s32 $0xffff, v24;
	_ =	sdelay $0x5  }
0x2e5: {  	v24, _, _ =	vpop (xrf0)  }
0x2e6: {  	(v2sf) =	vpush v24, $0xF;
	_ =	sdelay $0xe  }
0x2e7: {  	s6 =	spop (v2sf)  }
0x2e8: {  	p0 =	sne.s32 s6, $0x0  }
.Ltmp7:
0x2e9: {  	_ = 	snop;
	(pc) =	sbr.rel @p0 .LBB2_10-.Ltmp7, $1  }
0x2ea: {  	_ =	sdelay $0x3  }
0x2eb: {  	s6 =	simm.s32 $0x0  }
0x2ec: {  	s6 =	sand.u32 $0xF, s6  }
0x2ed: {  	s28 =	sshll.u32 s6, $0x4  }
0x2ee: {  	p0 =	sne.s32 s6, $0x0;
	v23 =	vmov s28;
	s28 =	sadd.s32 s26, s13  }
0x2ef: {  	s6 =	simm.s32 @!p0 $0x400;
	s29 =	simm.s32 @!p0 $0x8200;
	v24 =	vshll.u32 v23, $0x7;
	v23 =	vmov s28;
	s28 =	simm.s32 @!p0 $0x20000  }
0x2f0: {  	v24 =	vor.u32 v18, v24;
	[tilespmem:s29], [sflag:$0x2] =	stream.strided.gather @!p0 [hbm4b:s25+s6], $0x8000, s28, s6, $0x38;
	[tilespmem:$0x10500] =	vst v63  }
0x2f1: {  	s31 =	simm.s32 $0x1;
	s28 =	simm.s32 @!p0 $0x2;
	v24 =	vadd.s32 v23, v24  }
0x2f2: {  	s6 =	sand.u32 $0xF, s31;
	_ =	swait.ge @!p0 [sflag:s28], $0x8000  }
0x2f3: {  	s29 =	sshll.u32 s6, $0x4;
	[sflag:s28] =	ssyncset.done @!p0 $0x0  }
0x2f4: {  	v25 =	vmov s29;
	[sflag:s28] =	ssyncadd.s32 @!p0 $0xFFFF8000  }
0x2f5: {  	s28 =	simm.s32 $0x2;
	p0 =	sne.s32 s6, $0x0;
	s6 =	sadd.s32 $0x8000, s25;
	v25 =	vshll.u32 v25, $0x7  }
0x2f6: {  	s29 =	simm.s32 @!p0 $0x400;
	s30 =	simm.s32 @!p0 $0x20000;
	s31 =	simm.s32 @!p0 $0x8200;
	v25 =	vor.u32 v18, v25;
	v24 =	vld.idx.msk [tilespmem:v24+s21+$0x0], $0xffff  }
0x2f7: {  	v25 =	vadd.s32 v23, v25;
	[tilespmem:s31], [sflag:$0x2] =	stream.strided.gather @!p0 [hbm4b:s6+s29], $0x8000, s30, s29, $0x38;
	[tilespmem:$0x10500] =	vst v63  }
0x2f8: {  	s28 =	sand.u32 $0xF, s28;
	s29 =	simm.s32 @!p0 $0x2  }
0x2f9: {  	s0 =	sshll.u32 s28, $0x4;
	_ =	swait.ge @!p0 [sflag:s29], $0x8000  }
0x2fa: {  	v26 =	vmov s0;
	[sflag:s29] =	ssyncset.done @!p0 $0x0  }
0x2fb: {  	p1 =	sne.s32 s28, $0x0;
	s6 =	sadd.s32 $0x8000, s6;
	v26 =	vshll.u32 v26, $0x7;
	[sflag:s29] =	ssyncadd.s32 @!p0 $0xFFFF8000;
	v24 =	vmul.f32 $1.442695020e+00, v24  }
0x2fc: {  	s28 =	simm.s32 @!p1 $0x400;
	s30 =	simm.s32 @!p1 $0x8200;
	s29 =	simm.s32 @!p1 $0x20000;
	v27 =	vld.idx.msk [tilespmem:v25+s21+$0x0], $0xffff;
	v25 =	vor.u32 v18, v26  }
0x2fd: {  	[tilespmem:s30], [sflag:$0x2] =	stream.strided.gather @!p1 [hbm4b:s6+s28], $0x8000, s29, s28, $0x38;
	(erf) = vpow2.f32 v24;
	v24 =	vadd.s32 v23, v25;
	[tilespmem:$0x10500] =	vst v63  }
0x2fe: {  	s28 =	simm.s32 $0x3;
	s29 =	simm.s32 @!p1 $0x2  }
0x2ff: {  	s28 =	sand.u32 $0xF, s28;
	_ =	swait.ge @!p1 [sflag:s29], $0x8000  }
0x300: {  	s31 =	sshll.u32 s28, $0x4;
	[sflag:s29] =	ssyncset.done @!p1 $0x0  }
0x301: {  	v26 =	vmov s31;
	[sflag:s29] =	ssyncadd.s32 @!p1 $0xFFFF8000  }
0x302: {  	v25 =	vld.idx.msk [tilespmem:v24+s21+$0x0], $0xffff;
	v24 =	vshll.u32 v26, $0x7  }
0x303: {  	p0 =	sne.s32 s28, $0x0;
	s28 =	sadd.s32 $0x8000, s6;
	v27 =	vmul.f32 $1.442695020e+00, v27;
	v26 =	vor.u32 v18, v24  }
0x304: {  	s6 =	simm.s32 @!p0 $0x400;
	s30 =	simm.s32 @!p0 $0x8200;
	s29 =	simm.s32 @!p0 $0x20000  }
0x305: {  	(erf) = vpow2.f32 v27;
	[tilespmem:s30], [sflag:$0x2] =	stream.strided.gather @!p0 [hbm4b:s28+s6], $0x8000, s29, s6, $0x38;
	[tilespmem:$0x10500] =	vst v63  }
0x306: {  	s29 =	simm.s32 $0x4;
	s6 =	simm.s32 @!p0 $0x2;
	v24 =	vimm.f32 $0.0e+00;
	v27 =	vadd.s32 v23, v26;
	v26 =	vpop (erf)  }
.LBB2_6:
0x307: {  	s30 =	sand.u32 $0xF, s29  }
0x308: {  	s29 =	sadd.s32 $0x1, s29;
	_ =	swait.ge @!p0 [sflag:s6], $0x8000;
	v24 =	vadd.f32 v26, v24;
	s28 =	sadd.s32 $0x8000, s28  }
0x309: {  	s31 =	sshll.u32 s30, $0x4;
	p1 =	sne.s32 s29, $0x30;
	[sflag:s6] =	ssyncset.done @!p0 $0x0  }
.Ltmp8:
0x30a: {  	v28 =	vmul.f32 $1.442695020e+00, v25;
	v26 =	vmov s31;
	[sflag:s6] =	ssyncadd.s32 @!p0 $0xFFFF8000;
	p0 =	sne.s32 s30, $0x0;
	(pc) =	sbr.rel @p1 .LBB2_6-.Ltmp8, $4  }
0x30b: {  	s6 =	simm.s32 @!p0 $0x400;
	s30 =	simm.s32 @!p0 $0x20000;
	s31 =	simm.s32 @!p0 $0x8200;
	v26 =	vshll.u32 v26, $0x7;
	v25 =	vld.idx.msk [tilespmem:v27+s21+$0x0], $0xffff  }
0x30c: {  	[tilespmem:s31], [sflag:$0x2] =	stream.strided.gather @!p0 [hbm4b:s28+s6], $0x8000, s30, s6, $0x38;
	v29 =	vor.u32 v18, v26;
	(erf) = vpow2.f32 v28;
	[tilespmem:$0x10500] =	vst v63  }
0x30d: {  	v27 =	vadd.s32 v23, v29  }
0x30e: {  	s6 =	simm.s32 @!p0 $0x2;
	v26 =	vpop (erf)  }
0x30f: {  	_ = 	snop  }
0x310: {  	_ =	swait.ge @!p0 [sflag:s6], $0x8000  }
0x311: {  	[sflag:s6] =	ssyncset.done @!p0 $0x0  }
0x312: {  	[sflag:s6] =	ssyncadd.s32 @!p0 $0xFFFF8000  }
0x313: {  	v27 =	vld.idx.msk [tilespmem:v27+s21+$0x0], $0xffff;
	_ =	sdelay $0x3  }
0x314: {  	v25 =	vmul.f32 $1.442695020e+00, v25  }
0x315: {  	v27 =	vmul.f32 $1.442695020e+00, v27  }
0x316: {  	(erf) = vpow2.f32 v25  }
0x317: {  	(erf) = vpow2.f32 v27;
	_ =	sdelay $0x3  }
0x318: {  	s28 =	simm.s32 $0x0  }
0x319: {  	v25 =	vmov s28  }
0x31a: {  	v25 =	vshll.u32 v25, $0x7  }
0x31b: {  	s29 =	simm.s32 $0x10;
	v25 =	vor.u32 v18, v25;
	v28 =	vpop (erf)  }
0x31c: {  	v25 =	vadd.s32 v23, v25;
	v27 =	vmov s29;
	v29 =	vpop (erf)  }
0x31d: {  	[tilespmem:s21], [sflag:$0x2] =	stream.strided.gather [hbm4b:s24+s17], $0x7400, s22, s17, $0x38;
	v27 =	vshll.u32 v27, $0x7;
	v30 =	vpop (erf);
	[tilespmem:$0x10500] =	vst v63  }
0x31e: {  	v27 =	vor.u32 v18, v27;
	_ =	swait.ge [sflag:s15], $0x7400  }
0x31f: {  	v27 =	vadd.s32 v23, v27;
	[sflag:s15] =	ssyncset.done $0x0  }
0x320: {  	[sflag:s15] =	ssyncadd.s32 $0xFFFF8C00  }
0x321: {  	v25 =	vld.idx.msk [tilespmem:v25+s21+$0x0], $0xffff;
	_ =	sdelay $0x2  }
0x322: {  	s30 =	simm.s32 $0x20;
	v27 =	vld.idx.msk [tilespmem:v27+s21+$0x0], $0xffff  }
0x323: {  	v31 =	vmov s30  }
0x324: {  	v31 =	vshll.u32 v31, $0x7;
	v25 =	vmul.f32 $1.442695020e+00, v25  }
0x325: {  	v24 =	vadd.f32 v26, v24;
	v26 =	vor.u32 v18, v31  }
0x326: {  	v26 =	vadd.s32 v23, v26;
	(erf) = vpow2.f32 v25  }
0x327: {  	s31 =	simm.s32 $0x30;
	v27 =	vmul.f32 $1.442695020e+00, v27  }
0x328: {  	v63 =	vmov s31;
	v24 =	vadd.f32 v28, v24  }
0x329: {  	v28 =	vshll.u32 v63, $0x7;
	(erf) = vpow2.f32 v27  }
0x32a: {  	v28 =	vor.u32 v18, v28;
	v24 =	vadd.f32 v29, v24  }
0x32b: {  	v25 =	vld.idx.msk [tilespmem:v26+s21+$0x0], $0xffff;
	v26 =	vadd.s32 v23, v28  }
0x32c: {  	s6 =	simm.s32 $0x40;
	v24 =	vadd.f32 v30, v24  }
.LBB2_8:
0x32d: {  	p0 =	sne.s32 s6, $0xD0  }
.Ltmp9:
0x32e: {  	v27 =	vmov s6;
	s6 =	sadd.s32 $0x10, s6;
	(pc) =	sbr.rel @p0 .LBB2_8-.Ltmp9, $4  }
0x32f: {  	v27 =	vshll.u32 v27, $0x7;
	v28 =	vpop (erf)  }
0x330: {  	v27 =	vor.u32 v18, v27;
	v29 =	vmul.f32 $1.442695020e+00, v25;
	v25 =	vld.idx.msk [tilespmem:v26+s21+$0x0], $0xffff;
	v24 =	vadd.f32 v28, v24  }
0x331: {  	v26 =	vadd.s32 v23, v27  }
0x332: {  	(erf) = vpow2.f32 v29  }
0x333: {  	v23 =	vand.u32 $0x7FFFFFFF, v23  }
0x334: {  	v23 =	vadd.s32 v19, v23;
	_ =	sdelay $0x3  }
0x335: {  	v26 =	vld.idx.msk [tilespmem:v26+s21+$0x0], $0xffff  }
0x336: {  	v23 =	vld.idx.msk [tilespmem:v23+s21+$0x0], $0xffff;
	_ =	sdelay $0x1  }
0x337: {  	v25 =	vmul.f32 $1.442695020e+00, v25;
	_ =	sdelay $0x1  }
0x338: {  	(erf) = vpow2.f32 v25;
	v58 =	vmul.f32 $1.442695020e+00, v26  }
0x339: {  	v23 =	vmul.f32 $1.442695020e+00, v23  }
0x33a: {  	(erf) = vpow2.f32 v58  }
0x33b: {  	(erf) = vpow2.f32 v23;
	_ =	sdelay $0x1  }
0x33c: {  	v23 =	vpop (erf)  }
0x33d: {  	v23 =	vadd.f32 v23, v24  }
0x33e: {  	v59 =	vpop (erf)  }
0x33f: {  	v23 =	vadd.f32 v59, v23  }
0x340: {  	v60 =	vpop (erf)  }
0x341: {  	v23 =	vadd.f32 v60, v23  }
0x342: {  	v62 =	vld [tilespmem:$0x10400];
	v61 =	vpop (erf)  }
0x343: {  	v23 =	vadd.f32 v61, v23;
	v63 =	vpop (erf)  }
0x344: {  	v24 =	vnsel vm1, $0x0, v63  }
0x345: {  	v23 =	vadd.f32 v24, v23;
	_ =	sdelay $0x1  }
0x346: {  	(xrf2) =	vadd.scan.msk.f32 $0xffff, v23;
	v23 =	vnsel vm2, $0x0, v62  }
0x347: {  	(xrf2) =	vadd.scan.msk.f32 $0xffff, v23;
	_ =	sdelay $0x8  }
0x348: {  	v23, _, _ =	vpop (xrf2)  }
0x349: {  	(v2sf) =	vpush v23, $0xF;
	v23, _, _ =	vpop (xrf2)  }
0x34a: {  	(v2sf) =	vpush v23, $0xF;
	_ =	sdelay $0xd  }
0x34b: {  	s6 =	spop (v2sf)  }
.Ltmp10:
0x34c: {  	s28 =	spop (v2sf);
	(pc) =	sbr.rel .LBB2_10-.Ltmp10, $3  }
0x34d: {  	s6 =	ssub.f32 s6, s28;
	_ =	sdelay $0x1  }
0x34e: {  	v23 =	vsel vm2, s6, v62  }
0x34f: {  	[tilespmem:$0x10400] =	vst v23  }
.LBB2_12:
0x350: {  	v21 =	vld [tilespmem:$0x100];
	_ =	sdelay $0x4  }
0x351: {  	v22 =	vshll.u32 v21, $0x7  }
0x352: {  	v21 =	vand.u32 $0x7, v21;
	v22 =	vand.u32 $0xFFFFFC00, v22  }
0x353: {  	v21 =	vor.u32 v21, v22  }
0x354: {  	v22 =	vperm.xlane v21, v1;
	_ =	sdelay $0x1  }
0x355: {  	v23 =	vperm.xlane v21, v4;
	v22 =	vadd.s32 v3, v22;
	_ =	sdelay $0x1  }
0x356: {  	v24 =	vperm.xlane v21, v5;
	v23 =	vadd.s32 v3, v23;
	_ =	sdelay $0x1  }
0x357: {  	s23 =	simm.s32 $0x0;
	v25 =	vperm.xlane v21, v6;
	v24 =	vadd.s32 v3, v24  }
0x358: {  	[tilespmem:s19], [sflag:$0x1] =	stream.indirect_vreg.gather [hbm4b:s10+s23], $0x80, v22, vm0, $0xb8;
	[tilespmem:$0x10500] =	vst v63  }
0x359: {  	s0 =	simm.s32 $0x280;
	v46 =	vperm.xlane v21, v7;
	v22 =	vadd.s32 v3, v25  }
0x35a: {  	[tilespmem:s0], [sflag:$0x1] =	stream.indirect_vreg.gather [hbm4b:s10+s23], $0x80, v23, vm0, $0xb8;
	[tilespmem:$0x10500] =	vst v63  }
0x35b: {  	s25 =	simm.s32 $0x300;
	v47 =	vperm.xlane v21, v8;
	v23 =	vadd.s32 v3, v46  }
0x35c: {  	[tilespmem:s25], [sflag:$0x1] =	stream.indirect_vreg.gather [hbm4b:s10+s23], $0x80, v24, vm0, $0xb8;
	[tilespmem:$0x10500] =	vst v63  }
0x35d: {  	s26 =	simm.s32 $0x380;
	v49 =	vperm.xlane v21, v9;
	v48 =	vadd.s32 v3, v47  }
0x35e: {  	[tilespmem:s26], [sflag:$0x1] =	stream.indirect_vreg.gather [hbm4b:s10+s23], $0x80, v22, vm0, $0xb8;
	[tilespmem:$0x10500] =	vst v63  }
0x35f: {  	v50 =	vperm.xlane v21, v0;
	v22 =	vadd.s32 v3, v49  }
0x360: {  	[tilespmem:s17], [sflag:$0x1] =	stream.indirect_vreg.gather [hbm4b:s10+s23], $0x80, v23, vm0, $0xb8;
	[tilespmem:$0x10500] =	vst v63  }
0x361: {  	s28 =	simm.s32 $0x480;
	v51 =	vperm.xlane v21, v10;
	v23 =	vadd.s32 v3, v50  }
0x362: {  	[tilespmem:s28], [sflag:$0x1] =	stream.indirect_vreg.gather [hbm4b:s10+s23], $0x80, v48, vm0, $0xb8;
	[tilespmem:$0x10500] =	vst v63  }
0x363: {  	s29 =	simm.s32 $0x500;
	v53 =	vperm.xlane v21, v11;
	v52 =	vadd.s32 v3, v51  }
0x364: {  	[tilespmem:s29], [sflag:$0x1] =	stream.indirect_vreg.gather [hbm4b:s10+s23], $0x80, v22, vm0, $0xb8;
	[tilespmem:$0x10500] =	vst v63  }
0x365: {  	s30 =	simm.s32 $0x580;
	v54 =	vperm.xlane v21, v12;
	v22 =	vadd.s32 v3, v53  }
0x366: {  	[tilespmem:s30], [sflag:$0x1] =	stream.indirect_vreg.gather [hbm4b:s10+s23], $0x80, v23, vm0, $0xb8;
	[tilespmem:$0x10500] =	vst v63  }
0x367: {  	s31 =	simm.s32 $0x600;
	v55 =	vperm.xlane v21, v13;
	v23 =	vadd.s32 v3, v54  }
0x368: {  	[tilespmem:s31], [sflag:$0x1] =	stream.indirect_vreg.gather [hbm4b:s10+s23], $0x80, v52, vm0, $0xb8;
	[tilespmem:$0x10500] =	vst v63  }
0x369: {  	s6 =	simm.s32 $0x680;
	v57 =	vperm.xlane v21, v14;
	v56 =	vadd.s32 v3, v55  }
0x36a: {  	[tilespmem:s6], [sflag:$0x1] =	stream.indirect_vreg.gather [hbm4b:s10+s23], $0x80, v22, vm0, $0xb8;
	[tilespmem:$0x10500] =	vst v63  }
0x36b: {  	s13 =	simm.s32 $0x700;
	v58 =	vperm.xlane v21, v15;
	v22 =	vadd.s32 v3, v57  }
0x36c: {  	[tilespmem:s13], [sflag:$0x1] =	stream.indirect_vreg.gather [hbm4b:s10+s23], $0x80, v23, vm0, $0xb8;
	[tilespmem:$0x10500] =	vst v63  }
0x36d: {  	s24 =	simm.s32 $0x780;
	v59 =	vperm.xlane v21, v16;
	v23 =	vadd.s32 v3, v58  }
0x36e: {  	[tilespmem:s24], [sflag:$0x1] =	stream.indirect_vreg.gather [hbm4b:s10+s23], $0x80, v56, vm0, $0xb8;
	[tilespmem:$0x10500] =	vst v63  }
0x36f: {  	v21 =	vperm.xlane v21, v17;
	v60 =	vadd.s32 v3, v59;
	s25 =	simm.s32 $0x800  }
0x370: {  	[tilespmem:s25], [sflag:$0x1] =	stream.indirect_vreg.gather [hbm4b:s10+s23], $0x80, v22, vm0, $0xb8;
	[tilespmem:$0x10500] =	vst v63  }
0x371: {  	v21 =	vadd.s32 v3, v21;
	s26 =	simm.s32 $0x880  }
0x372: {  	[tilespmem:s26], [sflag:$0x1] =	stream.indirect_vreg.gather [hbm4b:s10+s23], $0x80, v23, vm0, $0xb8;
	[tilespmem:$0x10500] =	vst v63  }
0x373: {  	s28 =	simm.s32 $0x900  }
0x374: {  	[tilespmem:s28], [sflag:$0x1] =	stream.indirect_vreg.gather [hbm4b:s10+s23], $0x80, v60, vm0, $0xb8;
	[tilespmem:$0x10500] =	vst v63  }
0x375: {  	s29 =	simm.s32 $0x980  }
0x376: {  	[tilespmem:s29], [sflag:$0x1] =	stream.indirect_vreg.gather [hbm4b:s10+s23], $0x80, v21, vm0, $0xb8;
	[tilespmem:$0x10500] =	vst v63  }
0x377: {  	v21 =	vld [tilespmem:$0x110];
	_ =	sdelay $0x4  }
0x378: {  	v22 =	vshll.u32 v21, $0x7  }
0x379: {  	v21 =	vand.u32 $0x7, v21;
	v22 =	vand.u32 $0xFFFFFC00, v22  }
0x37a: {  	v21 =	vor.u32 v21, v22  }
0x37b: {  	v22 =	vperm.xlane v21, v1;
	_ =	sdelay $0x1  }
0x37c: {  	v23 =	vperm.xlane v21, v4;
	v22 =	vadd.s32 v3, v22;
	_ =	sdelay $0x1  }
0x37d: {  	v61 =	vperm.xlane v21, v5;
	v23 =	vadd.s32 v3, v23;
	_ =	sdelay $0x1  }
0x37e: {  	s30 =	simm.s32 $0xA00;
	v62 =	vperm.xlane v21, v6;
	v24 =	vadd.s32 v3, v61  }
0x37f: {  	[tilespmem:s30], [sflag:$0x1] =	stream.indirect_vreg.gather [hbm4b:s10+s23], $0x80, v22, vm0, $0xb8;
	[tilespmem:$0x10500] =	vst v63  }
0x380: {  	s31 =	simm.s32 $0xA80;
	v63 =	vperm.xlane v21, v7;
	v22 =	vadd.s32 v3, v62  }
0x381: {  	[tilespmem:s31], [sflag:$0x1] =	stream.indirect_vreg.gather [hbm4b:s10+s23], $0x80, v23, vm0, $0xb8;
	[tilespmem:$0x10500] =	vst v63  }
0x382: {  	s6 =	simm.s32 $0xB00;
	v28 =	vperm.xlane v21, v8;
	v23 =	vadd.s32 v3, v63  }
0x383: {  	[tilespmem:s6], [sflag:$0x1] =	stream.indirect_vreg.gather [hbm4b:s10+s23], $0x80, v24, vm0, $0xb8;
	[tilespmem:$0x10500] =	vst v63  }
0x384: {  	s13 =	simm.s32 $0xB80;
	v30 =	vperm.xlane v21, v9;
	v29 =	vadd.s32 v3, v28  }
0x385: {  	[tilespmem:s13], [sflag:$0x1] =	stream.indirect_vreg.gather [hbm4b:s10+s23], $0x80, v22, vm0, $0xb8;
	[tilespmem:$0x10500] =	vst v63  }
0x386: {  	s24 =	simm.s32 $0xC00;
	v31 =	vperm.xlane v21, v0;
	v22 =	vadd.s32 v3, v30  }
0x387: {  	[tilespmem:s24], [sflag:$0x1] =	stream.indirect_vreg.gather [hbm4b:s10+s23], $0x80, v23, vm0, $0xb8;
	[tilespmem:$0x10500] =	vst v63  }
0x388: {  	s25 =	simm.s32 $0xC80;
	v32 =	vperm.xlane v21, v10;
	v23 =	vadd.s32 v3, v31  }
0x389: {  	[tilespmem:s25], [sflag:$0x1] =	stream.indirect_vreg.gather [hbm4b:s10+s23], $0x80, v29, vm0, $0xb8;
	[tilespmem:$0x10500] =	vst v63  }
0x38a: {  	s26 =	simm.s32 $0xD00;
	v34 =	vperm.xlane v21, v11;
	v33 =	vadd.s32 v3, v32  }
0x38b: {  	[tilespmem:s26], [sflag:$0x1] =	stream.indirect_vreg.gather [hbm4b:s10+s23], $0x80, v22, vm0, $0xb8;
	[tilespmem:$0x10500] =	vst v63  }
0x38c: {  	s28 =	simm.s32 $0xD80;
	v35 =	vperm.xlane v21, v12;
	v22 =	vadd.s32 v3, v34  }
0x38d: {  	[tilespmem:s28], [sflag:$0x1] =	stream.indirect_vreg.gather [hbm4b:s10+s23], $0x80, v23, vm0, $0xb8;
	[tilespmem:$0x10500] =	vst v63  }
0x38e: {  	s29 =	simm.s32 $0xE00;
	v36 =	vperm.xlane v21, v13;
	v23 =	vadd.s32 v3, v35  }
0x38f: {  	[tilespmem:s29], [sflag:$0x1] =	stream.indirect_vreg.gather [hbm4b:s10+s23], $0x80, v33, vm0, $0xb8;
	[tilespmem:$0x10500] =	vst v63  }
0x390: {  	v38 =	vperm.xlane v21, v14;
	v37 =	vadd.s32 v3, v36;
	s30 =	simm.s32 $0xE80  }
0x391: {  	[tilespmem:s30], [sflag:$0x1] =	stream.indirect_vreg.gather [hbm4b:s10+s23], $0x80, v22, vm0, $0xb8;
	[tilespmem:$0x10500] =	vst v63  }
0x392: {  	v39 =	vperm.xlane v21, v15;
	s31 =	simm.s32 $0xF00;
	v22 =	vadd.s32 v3, v38  }
0x393: {  	[tilespmem:s31], [sflag:$0x1] =	stream.indirect_vreg.gather [hbm4b:s10+s23], $0x80, v23, vm0, $0xb8;
	[tilespmem:$0x10500] =	vst v63  }
0x394: {  	v40 =	vperm.xlane v21, v16;
	s6 =	simm.s32 $0xF80;
	v23 =	vadd.s32 v3, v39  }
0x395: {  	[tilespmem:s6], [sflag:$0x1] =	stream.indirect_vreg.gather [hbm4b:s10+s23], $0x80, v37, vm0, $0xb8;
	[tilespmem:$0x10500] =	vst v63  }
0x396: {  	v21 =	vperm.xlane v21, v17;
	v41 =	vadd.s32 v3, v40;
	s13 =	simm.s32 $0x1000  }
0x397: {  	[tilespmem:s13], [sflag:$0x1] =	stream.indirect_vreg.gather [hbm4b:s10+s23], $0x80, v22, vm0, $0xb8;
	[tilespmem:$0x10500] =	vst v63  }
0x398: {  	v21 =	vadd.s32 v3, v21;
	s24 =	simm.s32 $0x1080  }
0x399: {  	[tilespmem:s24], [sflag:$0x1] =	stream.indirect_vreg.gather [hbm4b:s10+s23], $0x80, v23, vm0, $0xb8;
	[tilespmem:$0x10500] =	vst v63  }
0x39a: {  	s25 =	simm.s32 $0x1100  }
0x39b: {  	[tilespmem:s25], [sflag:$0x1] =	stream.indirect_vreg.gather [hbm4b:s10+s23], $0x80, v41, vm0, $0xb8;
	[tilespmem:$0x10500] =	vst v63  }
0x39c: {  	s26 =	simm.s32 $0x1180  }
0x39d: {  	[tilespmem:s26], [sflag:$0x1] =	stream.indirect_vreg.gather [hbm4b:s10+s23], $0x80, v21, vm0, $0xb8;
	[tilespmem:$0x10500] =	vst v63  }
0x39e: {  	v21 =	vld [tilespmem:$0x120];
	_ =	sdelay $0x4  }
0x39f: {  	v22 =	vshll.u32 v21, $0x7  }
0x3a0: {  	v21 =	vand.u32 $0x7, v21;
	v22 =	vand.u32 $0xFFFFFC00, v22  }
0x3a1: {  	v21 =	vor.u32 v21, v22  }
0x3a2: {  	v22 =	vperm.xlane v21, v1;
	_ =	sdelay $0x1  }
0x3a3: {  	v23 =	vperm.xlane v21, v4;
	v22 =	vadd.s32 v3, v22;
	_ =	sdelay $0x1  }
0x3a4: {  	v42 =	vperm.xlane v21, v5;
	v23 =	vadd.s32 v3, v23;
	_ =	sdelay $0x1  }
0x3a5: {  	s28 =	simm.s32 $0x1200;
	v43 =	vperm.xlane v21, v6;
	v24 =	vadd.s32 v3, v42  }
0x3a6: {  	[tilespmem:s28], [sflag:$0x1] =	stream.indirect_vreg.gather [hbm4b:s10+s23], $0x80, v22, vm0, $0xb8;
	[tilespmem:$0x10500] =	vst v63  }
0x3a7: {  	s29 =	simm.s32 $0x1280;
	v44 =	vperm.xlane v21, v7;
	v22 =	vadd.s32 v3, v43  }
0x3a8: {  	[tilespmem:s29], [sflag:$0x1] =	stream.indirect_vreg.gather [hbm4b:s10+s23], $0x80, v23, vm0, $0xb8;
	[tilespmem:$0x10500] =	vst v63  }
0x3a9: {  	s30 =	simm.s32 $0x1300;
	v45 =	vperm.xlane v21, v8;
	v23 =	vadd.s32 v3, v44  }
0x3aa: {  	[tilespmem:s30], [sflag:$0x1] =	stream.indirect_vreg.gather [hbm4b:s10+s23], $0x80, v24, vm0, $0xb8;
	[tilespmem:$0x10500] =	vst v63  }
0x3ab: {  	s31 =	simm.s32 $0x1380;
	v47 =	vperm.xlane v21, v9;
	v46 =	vadd.s32 v3, v45  }
0x3ac: {  	[tilespmem:s31], [sflag:$0x1] =	stream.indirect_vreg.gather [hbm4b:s10+s23], $0x80, v22, vm0, $0xb8;
	[tilespmem:$0x10500] =	vst v63  }
0x3ad: {  	s6 =	simm.s32 $0x1400;
	v48 =	vperm.xlane v21, v0;
	v22 =	vadd.s32 v3, v47  }
0x3ae: {  	[tilespmem:s6], [sflag:$0x1] =	stream.indirect_vreg.gather [hbm4b:s10+s23], $0x80, v23, vm0, $0xb8;
	[tilespmem:$0x10500] =	vst v63  }
0x3af: {  	s13 =	simm.s32 $0x1480;
	v49 =	vperm.xlane v21, v10;
	v23 =	vadd.s32 v3, v48  }
0x3b0: {  	[tilespmem:s13], [sflag:$0x1] =	stream.indirect_vreg.gather [hbm4b:s10+s23], $0x80, v46, vm0, $0xb8;
	[tilespmem:$0x10500] =	vst v63  }
0x3b1: {  	s24 =	simm.s32 $0x1500;
	v51 =	vperm.xlane v21, v11;
	v50 =	vadd.s32 v3, v49  }
0x3b2: {  	[tilespmem:s24], [sflag:$0x1] =	stream.indirect_vreg.gather [hbm4b:s10+s23], $0x80, v22, vm0, $0xb8;
	[tilespmem:$0x10500] =	vst v63  }
0x3b3: {  	s25 =	simm.s32 $0x1580;
	v52 =	vperm.xlane v21, v12;
	v22 =	vadd.s32 v3, v51  }
0x3b4: {  	[tilespmem:s25], [sflag:$0x1] =	stream.indirect_vreg.gather [hbm4b:s10+s23], $0x80, v23, vm0, $0xb8;
	[tilespmem:$0x10500] =	vst v63  }
0x3b5: {  	s26 =	simm.s32 $0x1600;
	v53 =	vperm.xlane v21, v13;
	v23 =	vadd.s32 v3, v52  }
0x3b6: {  	[tilespmem:s26], [sflag:$0x1] =	stream.indirect_vreg.gather [hbm4b:s10+s23], $0x80, v50, vm0, $0xb8;
	[tilespmem:$0x10500] =	vst v63  }
0x3b7: {  	v55 =	vperm.xlane v21, v14;
	v54 =	vadd.s32 v3, v53;
	s28 =	simm.s32 $0x1680  }
0x3b8: {  	[tilespmem:s28], [sflag:$0x1] =	stream.indirect_vreg.gather [hbm4b:s10+s23], $0x80, v22, vm0, $0xb8;
	[tilespmem:$0x10500] =	vst v63  }
0x3b9: {  	v56 =	vperm.xlane v21, v15;
	s29 =	simm.s32 $0x1700;
	v22 =	vadd.s32 v3, v55  }
0x3ba: {  	[tilespmem:s29], [sflag:$0x1] =	stream.indirect_vreg.gather [hbm4b:s10+s23], $0x80, v23, vm0, $0xb8;
	[tilespmem:$0x10500] =	vst v63  }
0x3bb: {  	v57 =	vperm.xlane v21, v16;
	s30 =	simm.s32 $0x1780;
	v23 =	vadd.s32 v3, v56  }
0x3bc: {  	[tilespmem:s30], [sflag:$0x1] =	stream.indirect_vreg.gather [hbm4b:s10+s23], $0x80, v54, vm0, $0xb8;
	[tilespmem:$0x10500] =	vst v63  }
0x3bd: {  	v21 =	vperm.xlane v21, v17;
	v58 =	vadd.s32 v3, v57;
	s31 =	simm.s32 $0x1800  }
0x3be: {  	[tilespmem:s31], [sflag:$0x1] =	stream.indirect_vreg.gather [hbm4b:s10+s23], $0x80, v22, vm0, $0xb8;
	[tilespmem:$0x10500] =	vst v63  }
0x3bf: {  	v21 =	vadd.s32 v3, v21;
	s6 =	simm.s32 $0x1880  }
0x3c0: {  	[tilespmem:s6], [sflag:$0x1] =	stream.indirect_vreg.gather [hbm4b:s10+s23], $0x80, v23, vm0, $0xb8;
	[tilespmem:$0x10500] =	vst v63  }
0x3c1: {  	s13 =	simm.s32 $0x1900  }
0x3c2: {  	[tilespmem:s13], [sflag:$0x1] =	stream.indirect_vreg.gather [hbm4b:s10+s23], $0x80, v58, vm0, $0xb8;
	[tilespmem:$0x10500] =	vst v63  }
0x3c3: {  	s24 =	simm.s32 $0x1980  }
0x3c4: {  	[tilespmem:s24], [sflag:$0x1] =	stream.indirect_vreg.gather [hbm4b:s10+s23], $0x80, v21, vm0, $0xb8;
	[tilespmem:$0x10500] =	vst v63  }
0x3c5: {  	v21 =	vld [tilespmem:$0x130];
	_ =	sdelay $0x4  }
0x3c6: {  	v22 =	vshll.u32 v21, $0x7  }
0x3c7: {  	v21 =	vand.u32 $0x7, v21;
	v22 =	vand.u32 $0xFFFFFC00, v22  }
0x3c8: {  	v21 =	vor.u32 v21, v22  }
0x3c9: {  	v22 =	vperm.xlane v21, v1;
	_ =	sdelay $0x1  }
0x3ca: {  	v23 =	vperm.xlane v21, v4;
	v22 =	vadd.s32 v3, v22;
	_ =	sdelay $0x1  }
0x3cb: {  	v59 =	vperm.xlane v21, v5;
	v23 =	vadd.s32 v3, v23;
	_ =	sdelay $0x1  }
0x3cc: {  	s25 =	simm.s32 $0x1A00;
	v60 =	vperm.xlane v21, v6;
	v24 =	vadd.s32 v3, v59  }
0x3cd: {  	[tilespmem:s25], [sflag:$0x1] =	stream.indirect_vreg.gather [hbm4b:s10+s23], $0x80, v22, vm0, $0xb8;
	[tilespmem:$0x10500] =	vst v63  }
0x3ce: {  	s26 =	simm.s32 $0x1A80;
	v61 =	vperm.xlane v21, v7;
	v22 =	vadd.s32 v3, v60  }
0x3cf: {  	[tilespmem:s26], [sflag:$0x1] =	stream.indirect_vreg.gather [hbm4b:s10+s23], $0x80, v23, vm0, $0xb8;
	[tilespmem:$0x10500] =	vst v63  }
0x3d0: {  	s28 =	simm.s32 $0x1B00;
	v62 =	vperm.xlane v21, v8;
	v23 =	vadd.s32 v3, v61  }
0x3d1: {  	[tilespmem:s28], [sflag:$0x1] =	stream.indirect_vreg.gather [hbm4b:s10+s23], $0x80, v24, vm0, $0xb8;
	[tilespmem:$0x10500] =	vst v63  }
0x3d2: {  	s29 =	simm.s32 $0x1B80;
	v28 =	vperm.xlane v21, v9;
	v63 =	vadd.s32 v3, v62  }
0x3d3: {  	[tilespmem:s29], [sflag:$0x1] =	stream.indirect_vreg.gather [hbm4b:s10+s23], $0x80, v22, vm0, $0xb8;
	[tilespmem:$0x10500] =	vst v63  }
0x3d4: {  	s30 =	simm.s32 $0x1C00;
	v29 =	vperm.xlane v21, v0;
	v22 =	vadd.s32 v3, v28  }
0x3d5: {  	[tilespmem:s30], [sflag:$0x1] =	stream.indirect_vreg.gather [hbm4b:s10+s23], $0x80, v23, vm0, $0xb8;
	[tilespmem:$0x10500] =	vst v63  }
0x3d6: {  	s31 =	simm.s32 $0x1C80;
	v30 =	vperm.xlane v21, v10;
	v23 =	vadd.s32 v3, v29  }
0x3d7: {  	[tilespmem:s31], [sflag:$0x1] =	stream.indirect_vreg.gather [hbm4b:s10+s23], $0x80, v63, vm0, $0xb8;
	[tilespmem:$0x10500] =	vst v63  }
0x3d8: {  	s6 =	simm.s32 $0x1D00;
	v32 =	vperm.xlane v21, v11;
	v31 =	vadd.s32 v3, v30  }
0x3d9: {  	[tilespmem:s6], [sflag:$0x1] =	stream.indirect_vreg.gather [hbm4b:s10+s23], $0x80, v22, vm0, $0xb8;
	[tilespmem:$0x10500] =	vst v63  }
0x3da: {  	s13 =	simm.s32 $0x1D80;
	v33 =	vperm.xlane v21, v12;
	v22 =	vadd.s32 v3, v32  }
0x3db: {  	[tilespmem:s13], [sflag:$0x1] =	stream.indirect_vreg.gather [hbm4b:s10+s23], $0x80, v23, vm0, $0xb8;
	[tilespmem:$0x10500] =	vst v63  }
0x3dc: {  	s24 =	simm.s32 $0x1E00;
	v34 =	vperm.xlane v21, v13;
	v23 =	vadd.s32 v3, v33  }
0x3dd: {  	[tilespmem:s24], [sflag:$0x1] =	stream.indirect_vreg.gather [hbm4b:s10+s23], $0x80, v31, vm0, $0xb8;
	[tilespmem:$0x10500] =	vst v63  }
0x3de: {  	v36 =	vperm.xlane v21, v14;
	v35 =	vadd.s32 v3, v34;
	s25 =	simm.s32 $0x1E80  }
0x3df: {  	[tilespmem:s25], [sflag:$0x1] =	stream.indirect_vreg.gather [hbm4b:s10+s23], $0x80, v22, vm0, $0xb8;
	[tilespmem:$0x10500] =	vst v63  }
0x3e0: {  	v37 =	vperm.xlane v21, v15;
	s26 =	simm.s32 $0x1F00;
	v22 =	vadd.s32 v3, v36  }
0x3e1: {  	[tilespmem:s26], [sflag:$0x1] =	stream.indirect_vreg.gather [hbm4b:s10+s23], $0x80, v23, vm0, $0xb8;
	[tilespmem:$0x10500] =	vst v63  }
0x3e2: {  	v38 =	vperm.xlane v21, v16;
	s28 =	simm.s32 $0x1F80;
	v23 =	vadd.s32 v3, v37  }
0x3e3: {  	[tilespmem:s28], [sflag:$0x1] =	stream.indirect_vreg.gather [hbm4b:s10+s23], $0x80, v35, vm0, $0xb8;
	[tilespmem:$0x10500] =	vst v63  }
0x3e4: {  	v21 =	vperm.xlane v21, v17;
	v39 =	vadd.s32 v3, v38;
	s29 =	simm.s32 $0x2000  }
0x3e5: {  	[tilespmem:s29], [sflag:$0x1] =	stream.indirect_vreg.gather [hbm4b:s10+s23], $0x80, v22, vm0, $0xb8;
	[tilespmem:$0x10500] =	vst v63  }
0x3e6: {  	v21 =	vadd.s32 v3, v21;
	s30 =	simm.s32 $0x2080  }
0x3e7: {  	[tilespmem:s30], [sflag:$0x1] =	stream.indirect_vreg.gather [hbm4b:s10+s23], $0x80, v23, vm0, $0xb8;
	[tilespmem:$0x10500] =	vst v63  }
0x3e8: {  	s31 =	simm.s32 $0x2100  }
0x3e9: {  	[tilespmem:s31], [sflag:$0x1] =	stream.indirect_vreg.gather [hbm4b:s10+s23], $0x80, v39, vm0, $0xb8;
	[tilespmem:$0x10500] =	vst v63  }
0x3ea: {  	s6 =	simm.s32 $0x2180  }
0x3eb: {  	[tilespmem:s6], [sflag:$0x1] =	stream.indirect_vreg.gather [hbm4b:s10+s23], $0x80, v21, vm0, $0xb8;
	[tilespmem:$0x10500] =	vst v63  }
0x3ec: {  	v21 =	vld [tilespmem:$0x140];
	_ =	sdelay $0x4  }
0x3ed: {  	v22 =	vshll.u32 v21, $0x7  }
0x3ee: {  	v21 =	vand.u32 $0x7, v21;
	v22 =	vand.u32 $0xFFFFFC00, v22  }
0x3ef: {  	v21 =	vor.u32 v21, v22  }
0x3f0: {  	v22 =	vperm.xlane v21, v1;
	_ =	sdelay $0x1  }
0x3f1: {  	v23 =	vperm.xlane v21, v4;
	v22 =	vadd.s32 v3, v22;
	_ =	sdelay $0x1  }
0x3f2: {  	v40 =	vperm.xlane v21, v5;
	v23 =	vadd.s32 v3, v23;
	_ =	sdelay $0x1  }
0x3f3: {  	s13 =	simm.s32 $0x2200;
	v41 =	vperm.xlane v21, v6;
	v24 =	vadd.s32 v3, v40  }
0x3f4: {  	[tilespmem:s13], [sflag:$0x1] =	stream.indirect_vreg.gather [hbm4b:s10+s23], $0x80, v22, vm0, $0xb8;
	[tilespmem:$0x10500] =	vst v63  }
0x3f5: {  	s24 =	simm.s32 $0x2280;
	v42 =	vperm.xlane v21, v7;
	v22 =	vadd.s32 v3, v41  }
0x3f6: {  	[tilespmem:s24], [sflag:$0x1] =	stream.indirect_vreg.gather [hbm4b:s10+s23], $0x80, v23, vm0, $0xb8;
	[tilespmem:$0x10500] =	vst v63  }
0x3f7: {  	s25 =	simm.s32 $0x2300;
	v43 =	vperm.xlane v21, v8;
	v23 =	vadd.s32 v3, v42  }
0x3f8: {  	[tilespmem:s25], [sflag:$0x1] =	stream.indirect_vreg.gather [hbm4b:s10+s23], $0x80, v24, vm0, $0xb8;
	[tilespmem:$0x10500] =	vst v63  }
0x3f9: {  	s26 =	simm.s32 $0x2380;
	v45 =	vperm.xlane v21, v9;
	v44 =	vadd.s32 v3, v43  }
0x3fa: {  	[tilespmem:s26], [sflag:$0x1] =	stream.indirect_vreg.gather [hbm4b:s10+s23], $0x80, v22, vm0, $0xb8;
	[tilespmem:$0x10500] =	vst v63  }
0x3fb: {  	s28 =	simm.s32 $0x2400;
	v46 =	vperm.xlane v21, v0;
	v22 =	vadd.s32 v3, v45  }
0x3fc: {  	[tilespmem:s28], [sflag:$0x1] =	stream.indirect_vreg.gather [hbm4b:s10+s23], $0x80, v23, vm0, $0xb8;
	[tilespmem:$0x10500] =	vst v63  }
0x3fd: {  	s29 =	simm.s32 $0x2480;
	v47 =	vperm.xlane v21, v10;
	v23 =	vadd.s32 v3, v46  }
0x3fe: {  	[tilespmem:s29], [sflag:$0x1] =	stream.indirect_vreg.gather [hbm4b:s10+s23], $0x80, v44, vm0, $0xb8;
	[tilespmem:$0x10500] =	vst v63  }
0x3ff: {  	s30 =	simm.s32 $0x2500;
	v49 =	vperm.xlane v21, v11;
	v48 =	vadd.s32 v3, v47  }
0x400: {  	[tilespmem:s30], [sflag:$0x1] =	stream.indirect_vreg.gather [hbm4b:s10+s23], $0x80, v22, vm0, $0xb8;
	[tilespmem:$0x10500] =	vst v63  }
0x401: {  	s31 =	simm.s32 $0x2580;
	v50 =	vperm.xlane v21, v12;
	v22 =	vadd.s32 v3, v49  }
0x402: {  	[tilespmem:s31], [sflag:$0x1] =	stream.indirect_vreg.gather [hbm4b:s10+s23], $0x80, v23, vm0, $0xb8;
	[tilespmem:$0x10500] =	vst v63  }
0x403: {  	s6 =	simm.s32 $0x2600;
	v51 =	vperm.xlane v21, v13;
	v23 =	vadd.s32 v3, v50  }
0x404: {  	[tilespmem:s6], [sflag:$0x1] =	stream.indirect_vreg.gather [hbm4b:s10+s23], $0x80, v48, vm0, $0xb8;
	[tilespmem:$0x10500] =	vst v63  }
0x405: {  	v53 =	vperm.xlane v21, v14;
	v52 =	vadd.s32 v3, v51;
	s13 =	simm.s32 $0x2680  }
0x406: {  	[tilespmem:s13], [sflag:$0x1] =	stream.indirect_vreg.gather [hbm4b:s10+s23], $0x80, v22, vm0, $0xb8;
	[tilespmem:$0x10500] =	vst v63  }
0x407: {  	v54 =	vperm.xlane v21, v15;
	s24 =	simm.s32 $0x2700;
	v22 =	vadd.s32 v3, v53  }
0x408: {  	[tilespmem:s24], [sflag:$0x1] =	stream.indirect_vreg.gather [hbm4b:s10+s23], $0x80, v23, vm0, $0xb8;
	[tilespmem:$0x10500] =	vst v63  }
0x409: {  	v55 =	vperm.xlane v21, v16;
	s25 =	simm.s32 $0x2780;
	v23 =	vadd.s32 v3, v54  }
0x40a: {  	[tilespmem:s25], [sflag:$0x1] =	stream.indirect_vreg.gather [hbm4b:s10+s23], $0x80, v52, vm0, $0xb8;
	[tilespmem:$0x10500] =	vst v63  }
0x40b: {  	v21 =	vperm.xlane v21, v17;
	v56 =	vadd.s32 v3, v55;
	s26 =	simm.s32 $0x2800  }
0x40c: {  	[tilespmem:s26], [sflag:$0x1] =	stream.indirect_vreg.gather [hbm4b:s10+s23], $0x80, v22, vm0, $0xb8;
	[tilespmem:$0x10500] =	vst v63  }
0x40d: {  	v21 =	vadd.s32 v3, v21;
	s28 =	simm.s32 $0x2880  }
0x40e: {  	[tilespmem:s28], [sflag:$0x1] =	stream.indirect_vreg.gather [hbm4b:s10+s23], $0x80, v23, vm0, $0xb8;
	[tilespmem:$0x10500] =	vst v63  }
0x40f: {  	s29 =	simm.s32 $0x2900  }
0x410: {  	[tilespmem:s29], [sflag:$0x1] =	stream.indirect_vreg.gather [hbm4b:s10+s23], $0x80, v56, vm0, $0xb8;
	[tilespmem:$0x10500] =	vst v63  }
0x411: {  	s30 =	simm.s32 $0x2980  }
0x412: {  	[tilespmem:s30], [sflag:$0x1] =	stream.indirect_vreg.gather [hbm4b:s10+s23], $0x80, v21, vm0, $0xb8;
	[tilespmem:$0x10500] =	vst v63  }
0x413: {  	v21 =	vld [tilespmem:$0x150];
	_ =	sdelay $0x4  }
0x414: {  	v22 =	vshll.u32 v21, $0x7  }
0x415: {  	v21 =	vand.u32 $0x7, v21;
	v22 =	vand.u32 $0xFFFFFC00, v22  }
0x416: {  	v21 =	vor.u32 v21, v22  }
0x417: {  	v22 =	vperm.xlane v21, v1;
	_ =	sdelay $0x1  }
0x418: {  	v23 =	vperm.xlane v21, v4;
	v22 =	vadd.s32 v3, v22;
	_ =	sdelay $0x1  }
0x419: {  	v57 =	vperm.xlane v21, v5;
	v23 =	vadd.s32 v3, v23;
	_ =	sdelay $0x1  }
0x41a: {  	s31 =	simm.s32 $0x2A00;
	v58 =	vperm.xlane v21, v6;
	v24 =	vadd.s32 v3, v57  }
0x41b: {  	[tilespmem:s31], [sflag:$0x1] =	stream.indirect_vreg.gather [hbm4b:s10+s23], $0x80, v22, vm0, $0xb8;
	[tilespmem:$0x10500] =	vst v63  }
0x41c: {  	s6 =	simm.s32 $0x2A80;
	v59 =	vperm.xlane v21, v7;
	v22 =	vadd.s32 v3, v58  }
0x41d: {  	[tilespmem:s6], [sflag:$0x1] =	stream.indirect_vreg.gather [hbm4b:s10+s23], $0x80, v23, vm0, $0xb8;
	[tilespmem:$0x10500] =	vst v63  }
0x41e: {  	s13 =	simm.s32 $0x2B00;
	v60 =	vperm.xlane v21, v8;
	v23 =	vadd.s32 v3, v59  }
0x41f: {  	[tilespmem:s13], [sflag:$0x1] =	stream.indirect_vreg.gather [hbm4b:s10+s23], $0x80, v24, vm0, $0xb8;
	[tilespmem:$0x10500] =	vst v63  }
0x420: {  	s24 =	simm.s32 $0x2B80;
	v62 =	vperm.xlane v21, v9;
	v61 =	vadd.s32 v3, v60  }
0x421: {  	[tilespmem:s24], [sflag:$0x1] =	stream.indirect_vreg.gather [hbm4b:s10+s23], $0x80, v22, vm0, $0xb8;
	[tilespmem:$0x10500] =	vst v63  }
0x422: {  	s25 =	simm.s32 $0x2C00;
	v63 =	vperm.xlane v21, v0;
	v22 =	vadd.s32 v3, v62  }
0x423: {  	[tilespmem:s25], [sflag:$0x1] =	stream.indirect_vreg.gather [hbm4b:s10+s23], $0x80, v23, vm0, $0xb8;
	[tilespmem:$0x10500] =	vst v63  }
0x424: {  	s26 =	simm.s32 $0x2C80;
	v28 =	vperm.xlane v21, v10;
	v23 =	vadd.s32 v3, v63  }
0x425: {  	[tilespmem:s26], [sflag:$0x1] =	stream.indirect_vreg.gather [hbm4b:s10+s23], $0x80, v61, vm0, $0xb8;
	[tilespmem:$0x10500] =	vst v63  }
0x426: {  	s28 =	simm.s32 $0x2D00;
	v30 =	vperm.xlane v21, v11;
	v29 =	vadd.s32 v3, v28  }
0x427: {  	[tilespmem:s28], [sflag:$0x1] =	stream.indirect_vreg.gather [hbm4b:s10+s23], $0x80, v22, vm0, $0xb8;
	[tilespmem:$0x10500] =	vst v63  }
0x428: {  	s29 =	simm.s32 $0x2D80;
	v31 =	vperm.xlane v21, v12;
	v22 =	vadd.s32 v3, v30  }
0x429: {  	[tilespmem:s29], [sflag:$0x1] =	stream.indirect_vreg.gather [hbm4b:s10+s23], $0x80, v23, vm0, $0xb8;
	[tilespmem:$0x10500] =	vst v63  }
0x42a: {  	s30 =	simm.s32 $0x2E00;
	v32 =	vperm.xlane v21, v13;
	v23 =	vadd.s32 v3, v31  }
0x42b: {  	[tilespmem:s30], [sflag:$0x1] =	stream.indirect_vreg.gather [hbm4b:s10+s23], $0x80, v29, vm0, $0xb8;
	[tilespmem:$0x10500] =	vst v63  }
0x42c: {  	v34 =	vperm.xlane v21, v14;
	v33 =	vadd.s32 v3, v32;
	s31 =	simm.s32 $0x2E80  }
0x42d: {  	[tilespmem:s31], [sflag:$0x1] =	stream.indirect_vreg.gather [hbm4b:s10+s23], $0x80, v22, vm0, $0xb8;
	[tilespmem:$0x10500] =	vst v63  }
0x42e: {  	v35 =	vperm.xlane v21, v15;
	s6 =	simm.s32 $0x2F00;
	v22 =	vadd.s32 v3, v34  }
0x42f: {  	[tilespmem:s6], [sflag:$0x1] =	stream.indirect_vreg.gather [hbm4b:s10+s23], $0x80, v23, vm0, $0xb8;
	[tilespmem:$0x10500] =	vst v63  }
0x430: {  	v36 =	vperm.xlane v21, v16;
	s13 =	simm.s32 $0x2F80;
	v23 =	vadd.s32 v3, v35  }
0x431: {  	[tilespmem:s13], [sflag:$0x1] =	stream.indirect_vreg.gather [hbm4b:s10+s23], $0x80, v33, vm0, $0xb8;
	[tilespmem:$0x10500] =	vst v63  }
0x432: {  	v21 =	vperm.xlane v21, v17;
	v37 =	vadd.s32 v3, v36;
	s24 =	simm.s32 $0x3000  }
0x433: {  	[tilespmem:s24], [sflag:$0x1] =	stream.indirect_vreg.gather [hbm4b:s10+s23], $0x80, v22, vm0, $0xb8;
	[tilespmem:$0x10500] =	vst v63  }
0x434: {  	v21 =	vadd.s32 v3, v21;
	s25 =	simm.s32 $0x3080  }
0x435: {  	[tilespmem:s25], [sflag:$0x1] =	stream.indirect_vreg.gather [hbm4b:s10+s23], $0x80, v23, vm0, $0xb8;
	[tilespmem:$0x10500] =	vst v63  }
0x436: {  	s26 =	simm.s32 $0x3100  }
0x437: {  	[tilespmem:s26], [sflag:$0x1] =	stream.indirect_vreg.gather [hbm4b:s10+s23], $0x80, v37, vm0, $0xb8;
	[tilespmem:$0x10500] =	vst v63  }
0x438: {  	s28 =	simm.s32 $0x3180  }
0x439: {  	[tilespmem:s28], [sflag:$0x1] =	stream.indirect_vreg.gather [hbm4b:s10+s23], $0x80, v21, vm0, $0xb8;
	[tilespmem:$0x10500] =	vst v63  }
0x43a: {  	v21 =	vld [tilespmem:$0x160];
	_ =	sdelay $0x4  }
0x43b: {  	v22 =	vshll.u32 v21, $0x7  }
0x43c: {  	v21 =	vand.u32 $0x7, v21;
	v22 =	vand.u32 $0xFFFFFC00, v22  }
0x43d: {  	v21 =	vor.u32 v21, v22  }
0x43e: {  	v22 =	vperm.xlane v21, v1;
	_ =	sdelay $0x1  }
0x43f: {  	v23 =	vperm.xlane v21, v4;
	v22 =	vadd.s32 v3, v22;
	_ =	sdelay $0x1  }
0x440: {  	v38 =	vperm.xlane v21, v5;
	v23 =	vadd.s32 v3, v23;
	_ =	sdelay $0x1  }
0x441: {  	s29 =	simm.s32 $0x3200;
	v39 =	vperm.xlane v21, v6;
	v24 =	vadd.s32 v3, v38  }
0x442: {  	[tilespmem:s29], [sflag:$0x1] =	stream.indirect_vreg.gather [hbm4b:s10+s23], $0x80, v22, vm0, $0xb8;
	[tilespmem:$0x10500] =	vst v63  }
0x443: {  	s30 =	simm.s32 $0x3280;
	v40 =	vperm.xlane v21, v7;
	v22 =	vadd.s32 v3, v39  }
0x444: {  	[tilespmem:s30], [sflag:$0x1] =	stream.indirect_vreg.gather [hbm4b:s10+s23], $0x80, v23, vm0, $0xb8;
	[tilespmem:$0x10500] =	vst v63  }
0x445: {  	s31 =	simm.s32 $0x3300;
	v41 =	vperm.xlane v21, v8;
	v23 =	vadd.s32 v3, v40  }
0x446: {  	[tilespmem:s31], [sflag:$0x1] =	stream.indirect_vreg.gather [hbm4b:s10+s23], $0x80, v24, vm0, $0xb8;
	[tilespmem:$0x10500] =	vst v63  }
0x447: {  	s6 =	simm.s32 $0x3380;
	v43 =	vperm.xlane v21, v9;
	v42 =	vadd.s32 v3, v41  }
0x448: {  	[tilespmem:s6], [sflag:$0x1] =	stream.indirect_vreg.gather [hbm4b:s10+s23], $0x80, v22, vm0, $0xb8;
	[tilespmem:$0x10500] =	vst v63  }
0x449: {  	s13 =	simm.s32 $0x3400;
	v44 =	vperm.xlane v21, v0;
	v22 =	vadd.s32 v3, v43  }
0x44a: {  	[tilespmem:s13], [sflag:$0x1] =	stream.indirect_vreg.gather [hbm4b:s10+s23], $0x80, v23, vm0, $0xb8;
	[tilespmem:$0x10500] =	vst v63  }
0x44b: {  	s24 =	simm.s32 $0x3480;
	v45 =	vperm.xlane v21, v10;
	v23 =	vadd.s32 v3, v44  }
0x44c: {  	[tilespmem:s24], [sflag:$0x1] =	stream.indirect_vreg.gather [hbm4b:s10+s23], $0x80, v42, vm0, $0xb8;
	[tilespmem:$0x10500] =	vst v63  }
0x44d: {  	s25 =	simm.s32 $0x3500;
	v47 =	vperm.xlane v21, v11;
	v46 =	vadd.s32 v3, v45  }
0x44e: {  	[tilespmem:s25], [sflag:$0x1] =	stream.indirect_vreg.gather [hbm4b:s10+s23], $0x80, v22, vm0, $0xb8;
	[tilespmem:$0x10500] =	vst v63  }
0x44f: {  	s26 =	simm.s32 $0x3580;
	v48 =	vperm.xlane v21, v12;
	v22 =	vadd.s32 v3, v47  }
0x450: {  	[tilespmem:s26], [sflag:$0x1] =	stream.indirect_vreg.gather [hbm4b:s10+s23], $0x80, v23, vm0, $0xb8;
	[tilespmem:$0x10500] =	vst v63  }
0x451: {  	s28 =	simm.s32 $0x3600;
	v49 =	vperm.xlane v21, v13;
	v23 =	vadd.s32 v3, v48  }
0x452: {  	[tilespmem:s28], [sflag:$0x1] =	stream.indirect_vreg.gather [hbm4b:s10+s23], $0x80, v46, vm0, $0xb8;
	[tilespmem:$0x10500] =	vst v63  }
0x453: {  	v51 =	vperm.xlane v21, v14;
	v50 =	vadd.s32 v3, v49;
	s29 =	simm.s32 $0x3680  }
0x454: {  	[tilespmem:s29], [sflag:$0x1] =	stream.indirect_vreg.gather [hbm4b:s10+s23], $0x80, v22, vm0, $0xb8;
	[tilespmem:$0x10500] =	vst v63  }
0x455: {  	v52 =	vperm.xlane v21, v15;
	s30 =	simm.s32 $0x3700;
	v22 =	vadd.s32 v3, v51  }
0x456: {  	[tilespmem:s30], [sflag:$0x1] =	stream.indirect_vreg.gather [hbm4b:s10+s23], $0x80, v23, vm0, $0xb8;
	[tilespmem:$0x10500] =	vst v63  }
0x457: {  	v53 =	vperm.xlane v21, v16;
	s31 =	simm.s32 $0x3780;
	v23 =	vadd.s32 v3, v52  }
0x458: {  	[tilespmem:s31], [sflag:$0x1] =	stream.indirect_vreg.gather [hbm4b:s10+s23], $0x80, v50, vm0, $0xb8;
	[tilespmem:$0x10500] =	vst v63  }
0x459: {  	v21 =	vperm.xlane v21, v17;
	v54 =	vadd.s32 v3, v53;
	s6 =	simm.s32 $0x3800  }
0x45a: {  	[tilespmem:s6], [sflag:$0x1] =	stream.indirect_vreg.gather [hbm4b:s10+s23], $0x80, v22, vm0, $0xb8;
	[tilespmem:$0x10500] =	vst v63  }
0x45b: {  	v21 =	vadd.s32 v3, v21;
	s13 =	simm.s32 $0x3880  }
0x45c: {  	[tilespmem:s13], [sflag:$0x1] =	stream.indirect_vreg.gather [hbm4b:s10+s23], $0x80, v23, vm0, $0xb8;
	[tilespmem:$0x10500] =	vst v63  }
0x45d: {  	s24 =	simm.s32 $0x3900  }
0x45e: {  	[tilespmem:s24], [sflag:$0x1] =	stream.indirect_vreg.gather [hbm4b:s10+s23], $0x80, v54, vm0, $0xb8;
	[tilespmem:$0x10500] =	vst v63  }
0x45f: {  	s25 =	simm.s32 $0x3980  }
0x460: {  	[tilespmem:s25], [sflag:$0x1] =	stream.indirect_vreg.gather [hbm4b:s10+s23], $0x80, v21, vm0, $0xb8;
	[tilespmem:$0x10500] =	vst v63  }
0x461: {  	v21 =	vld [tilespmem:$0x170];
	_ =	sdelay $0x4  }
0x462: {  	v22 =	vshll.u32 v21, $0x7  }
0x463: {  	v21 =	vand.u32 $0x7, v21;
	v22 =	vand.u32 $0xFFFFFC00, v22  }
0x464: {  	v21 =	vor.u32 v21, v22  }
0x465: {  	v22 =	vperm.xlane v21, v1;
	_ =	sdelay $0x1  }
0x466: {  	v23 =	vperm.xlane v21, v4;
	v22 =	vadd.s32 v3, v22;
	_ =	sdelay $0x1  }
0x467: {  	v55 =	vperm.xlane v21, v5;
	v23 =	vadd.s32 v3, v23;
	_ =	sdelay $0x1  }
0x468: {  	s26 =	simm.s32 $0x3A00;
	v56 =	vperm.xlane v21, v6;
	v24 =	vadd.s32 v3, v55  }
0x469: {  	[tilespmem:s26], [sflag:$0x1] =	stream.indirect_vreg.gather [hbm4b:s10+s23], $0x80, v22, vm0, $0xb8;
	[tilespmem:$0x10500] =	vst v63  }
0x46a: {  	s28 =	simm.s32 $0x3A80;
	v57 =	vperm.xlane v21, v7;
	v22 =	vadd.s32 v3, v56  }
0x46b: {  	[tilespmem:s28], [sflag:$0x1] =	stream.indirect_vreg.gather [hbm4b:s10+s23], $0x80, v23, vm0, $0xb8;
	[tilespmem:$0x10500] =	vst v63  }
0x46c: {  	s29 =	simm.s32 $0x3B00;
	v58 =	vperm.xlane v21, v8;
	v23 =	vadd.s32 v3, v57  }
0x46d: {  	[tilespmem:s29], [sflag:$0x1] =	stream.indirect_vreg.gather [hbm4b:s10+s23], $0x80, v24, vm0, $0xb8;
	[tilespmem:$0x10500] =	vst v63  }
0x46e: {  	s30 =	simm.s32 $0x3B80;
	v60 =	vperm.xlane v21, v9;
	v59 =	vadd.s32 v3, v58  }
0x46f: {  	[tilespmem:s30], [sflag:$0x1] =	stream.indirect_vreg.gather [hbm4b:s10+s23], $0x80, v22, vm0, $0xb8;
	[tilespmem:$0x10500] =	vst v63  }
0x470: {  	s31 =	simm.s32 $0x3C00;
	v61 =	vperm.xlane v21, v0;
	v22 =	vadd.s32 v3, v60  }
0x471: {  	[tilespmem:s31], [sflag:$0x1] =	stream.indirect_vreg.gather [hbm4b:s10+s23], $0x80, v23, vm0, $0xb8;
	[tilespmem:$0x10500] =	vst v63  }
0x472: {  	s6 =	simm.s32 $0x3C80;
	v62 =	vperm.xlane v21, v10;
	v23 =	vadd.s32 v3, v61  }
0x473: {  	[tilespmem:s6], [sflag:$0x1] =	stream.indirect_vreg.gather [hbm4b:s10+s23], $0x80, v59, vm0, $0xb8;
	[tilespmem:$0x10500] =	vst v63  }
0x474: {  	s13 =	simm.s32 $0x3D00;
	v28 =	vperm.xlane v21, v11;
	v63 =	vadd.s32 v3, v62  }
0x475: {  	[tilespmem:s13], [sflag:$0x1] =	stream.indirect_vreg.gather [hbm4b:s10+s23], $0x80, v22, vm0, $0xb8;
	[tilespmem:$0x10500] =	vst v63  }
0x476: {  	s24 =	simm.s32 $0x3D80;
	v29 =	vperm.xlane v21, v12;
	v22 =	vadd.s32 v3, v28  }
0x477: {  	[tilespmem:s24], [sflag:$0x1] =	stream.indirect_vreg.gather [hbm4b:s10+s23], $0x80, v23, vm0, $0xb8;
	[tilespmem:$0x10500] =	vst v63  }
0x478: {  	s25 =	simm.s32 $0x3E00;
	v30 =	vperm.xlane v21, v13;
	v23 =	vadd.s32 v3, v29  }
0x479: {  	[tilespmem:s25], [sflag:$0x1] =	stream.indirect_vreg.gather [hbm4b:s10+s23], $0x80, v63, vm0, $0xb8;
	[tilespmem:$0x10500] =	vst v63  }
0x47a: {  	v32 =	vperm.xlane v21, v14;
	v31 =	vadd.s32 v3, v30;
	s26 =	simm.s32 $0x3E80  }
0x47b: {  	[tilespmem:s26], [sflag:$0x1] =	stream.indirect_vreg.gather [hbm4b:s10+s23], $0x80, v22, vm0, $0xb8;
	[tilespmem:$0x10500] =	vst v63  }
0x47c: {  	v33 =	vperm.xlane v21, v15;
	s28 =	simm.s32 $0x3F00;
	v22 =	vadd.s32 v3, v32  }
0x47d: {  	[tilespmem:s28], [sflag:$0x1] =	stream.indirect_vreg.gather [hbm4b:s10+s23], $0x80, v23, vm0, $0xb8;
	[tilespmem:$0x10500] =	vst v63  }
0x47e: {  	v34 =	vperm.xlane v21, v16;
	s29 =	simm.s32 $0x3F80;
	v23 =	vadd.s32 v3, v33  }
0x47f: {  	[tilespmem:s29], [sflag:$0x1] =	stream.indirect_vreg.gather [hbm4b:s10+s23], $0x80, v31, vm0, $0xb8;
	[tilespmem:$0x10500] =	vst v63  }
0x480: {  	v21 =	vperm.xlane v21, v17;
	v35 =	vadd.s32 v3, v34;
	s30 =	simm.s32 $0x4000  }
0x481: {  	[tilespmem:s30], [sflag:$0x1] =	stream.indirect_vreg.gather [hbm4b:s10+s23], $0x80, v22, vm0, $0xb8;
	[tilespmem:$0x10500] =	vst v63  }
0x482: {  	v21 =	vadd.s32 v3, v21;
	s31 =	simm.s32 $0x4080  }
0x483: {  	[tilespmem:s31], [sflag:$0x1] =	stream.indirect_vreg.gather [hbm4b:s10+s23], $0x80, v23, vm0, $0xb8;
	[tilespmem:$0x10500] =	vst v63  }
0x484: {  	s6 =	simm.s32 $0x4100  }
0x485: {  	[tilespmem:s6], [sflag:$0x1] =	stream.indirect_vreg.gather [hbm4b:s10+s23], $0x80, v35, vm0, $0xb8;
	[tilespmem:$0x10500] =	vst v63  }
0x486: {  	s13 =	simm.s32 $0x4180  }
0x487: {  	[tilespmem:s13], [sflag:$0x1] =	stream.indirect_vreg.gather [hbm4b:s10+s23], $0x80, v21, vm0, $0xb8;
	[tilespmem:$0x10500] =	vst v63  }
0x488: {  	v21 =	vld [tilespmem:$0x180];
	_ =	sdelay $0x4  }
0x489: {  	v22 =	vshll.u32 v21, $0x7  }
0x48a: {  	v21 =	vand.u32 $0x7, v21;
	v22 =	vand.u32 $0xFFFFFC00, v22  }
0x48b: {  	v21 =	vor.u32 v21, v22  }
0x48c: {  	v22 =	vperm.xlane v21, v1;
	_ =	sdelay $0x1  }
0x48d: {  	v23 =	vperm.xlane v21, v4;
	v22 =	vadd.s32 v3, v22;
	_ =	sdelay $0x1  }
0x48e: {  	v36 =	vperm.xlane v21, v5;
	v23 =	vadd.s32 v3, v23;
	_ =	sdelay $0x1  }
0x48f: {  	s24 =	simm.s32 $0x4200;
	v37 =	vperm.xlane v21, v6;
	v24 =	vadd.s32 v3, v36  }
0x490: {  	[tilespmem:s24], [sflag:$0x1] =	stream.indirect_vreg.gather [hbm4b:s11+s23], $0x80, v22, vm0, $0xb8;
	[tilespmem:$0x10500] =	vst v63  }
0x491: {  	s25 =	simm.s32 $0x4280;
	v38 =	vperm.xlane v21, v7;
	v22 =	vadd.s32 v3, v37  }
0x492: {  	[tilespmem:s25], [sflag:$0x1] =	stream.indirect_vreg.gather [hbm4b:s11+s23], $0x80, v23, vm0, $0xb8;
	[tilespmem:$0x10500] =	vst v63  }
0x493: {  	s26 =	simm.s32 $0x4300;
	v39 =	vperm.xlane v21, v8;
	v23 =	vadd.s32 v3, v38  }
0x494: {  	[tilespmem:s26], [sflag:$0x1] =	stream.indirect_vreg.gather [hbm4b:s11+s23], $0x80, v24, vm0, $0xb8;
	[tilespmem:$0x10500] =	vst v63  }
0x495: {  	s28 =	simm.s32 $0x4380;
	v41 =	vperm.xlane v21, v9;
	v40 =	vadd.s32 v3, v39  }
0x496: {  	[tilespmem:s28], [sflag:$0x1] =	stream.indirect_vreg.gather [hbm4b:s11+s23], $0x80, v22, vm0, $0xb8;
	[tilespmem:$0x10500] =	vst v63  }
0x497: {  	s29 =	simm.s32 $0x4400;
	v42 =	vperm.xlane v21, v0;
	v22 =	vadd.s32 v3, v41  }
0x498: {  	[tilespmem:s29], [sflag:$0x1] =	stream.indirect_vreg.gather [hbm4b:s11+s23], $0x80, v23, vm0, $0xb8;
	[tilespmem:$0x10500] =	vst v63  }
0x499: {  	s30 =	simm.s32 $0x4480;
	v43 =	vperm.xlane v21, v10;
	v23 =	vadd.s32 v3, v42  }
0x49a: {  	[tilespmem:s30], [sflag:$0x1] =	stream.indirect_vreg.gather [hbm4b:s11+s23], $0x80, v40, vm0, $0xb8;
	[tilespmem:$0x10500] =	vst v63  }
0x49b: {  	s31 =	simm.s32 $0x4500;
	v45 =	vperm.xlane v21, v11;
	v44 =	vadd.s32 v3, v43  }
0x49c: {  	[tilespmem:s31], [sflag:$0x1] =	stream.indirect_vreg.gather [hbm4b:s11+s23], $0x80, v22, vm0, $0xb8;
	[tilespmem:$0x10500] =	vst v63  }
0x49d: {  	s6 =	simm.s32 $0x4580;
	v46 =	vperm.xlane v21, v12;
	v22 =	vadd.s32 v3, v45  }
0x49e: {  	[tilespmem:s6], [sflag:$0x1] =	stream.indirect_vreg.gather [hbm4b:s11+s23], $0x80, v23, vm0, $0xb8;
	[tilespmem:$0x10500] =	vst v63  }
0x49f: {  	s13 =	simm.s32 $0x4600;
	v47 =	vperm.xlane v21, v13;
	v23 =	vadd.s32 v3, v46  }
0x4a0: {  	[tilespmem:s13], [sflag:$0x1] =	stream.indirect_vreg.gather [hbm4b:s11+s23], $0x80, v44, vm0, $0xb8;
	[tilespmem:$0x10500] =	vst v63  }
0x4a1: {  	v49 =	vperm.xlane v21, v14;
	v48 =	vadd.s32 v3, v47;
	s24 =	simm.s32 $0x4680  }
0x4a2: {  	[tilespmem:s24], [sflag:$0x1] =	stream.indirect_vreg.gather [hbm4b:s11+s23], $0x80, v22, vm0, $0xb8;
	[tilespmem:$0x10500] =	vst v63  }
0x4a3: {  	v50 =	vperm.xlane v21, v15;
	s25 =	simm.s32 $0x4700;
	v22 =	vadd.s32 v3, v49  }
0x4a4: {  	[tilespmem:s25], [sflag:$0x1] =	stream.indirect_vreg.gather [hbm4b:s11+s23], $0x80, v23, vm0, $0xb8;
	[tilespmem:$0x10500] =	vst v63  }
0x4a5: {  	v51 =	vperm.xlane v21, v16;
	s26 =	simm.s32 $0x4780;
	v23 =	vadd.s32 v3, v50  }
0x4a6: {  	[tilespmem:s26], [sflag:$0x1] =	stream.indirect_vreg.gather [hbm4b:s11+s23], $0x80, v48, vm0, $0xb8;
	[tilespmem:$0x10500] =	vst v63  }
0x4a7: {  	v21 =	vperm.xlane v21, v17;
	v52 =	vadd.s32 v3, v51;
	s28 =	simm.s32 $0x4800  }
0x4a8: {  	[tilespmem:s28], [sflag:$0x1] =	stream.indirect_vreg.gather [hbm4b:s11+s23], $0x80, v22, vm0, $0xb8;
	[tilespmem:$0x10500] =	vst v63  }
0x4a9: {  	v21 =	vadd.s32 v3, v21;
	s29 =	simm.s32 $0x4880  }
0x4aa: {  	[tilespmem:s29], [sflag:$0x1] =	stream.indirect_vreg.gather [hbm4b:s11+s23], $0x80, v23, vm0, $0xb8;
	[tilespmem:$0x10500] =	vst v63  }
0x4ab: {  	s30 =	simm.s32 $0x4900  }
0x4ac: {  	[tilespmem:s30], [sflag:$0x1] =	stream.indirect_vreg.gather [hbm4b:s11+s23], $0x80, v52, vm0, $0xb8;
	[tilespmem:$0x10500] =	vst v63  }
0x4ad: {  	s31 =	simm.s32 $0x4980  }
0x4ae: {  	[tilespmem:s31], [sflag:$0x1] =	stream.indirect_vreg.gather [hbm4b:s11+s23], $0x80, v21, vm0, $0xb8;
	[tilespmem:$0x10500] =	vst v63  }
0x4af: {  	v21 =	vld [tilespmem:$0x190];
	_ =	sdelay $0x4  }
0x4b0: {  	v22 =	vshll.u32 v21, $0x7  }
0x4b1: {  	v21 =	vand.u32 $0x7, v21;
	v22 =	vand.u32 $0xFFFFFC00, v22  }
0x4b2: {  	v21 =	vor.u32 v21, v22  }
0x4b3: {  	v22 =	vperm.xlane v21, v1;
	_ =	sdelay $0x1  }
0x4b4: {  	v23 =	vperm.xlane v21, v4;
	v22 =	vadd.s32 v3, v22;
	_ =	sdelay $0x1  }
0x4b5: {  	v53 =	vperm.xlane v21, v5;
	v23 =	vadd.s32 v3, v23;
	_ =	sdelay $0x1  }
0x4b6: {  	s6 =	simm.s32 $0x4A00;
	v54 =	vperm.xlane v21, v6;
	v24 =	vadd.s32 v3, v53  }
0x4b7: {  	[tilespmem:s6], [sflag:$0x1] =	stream.indirect_vreg.gather [hbm4b:s11+s23], $0x80, v22, vm0, $0xb8;
	[tilespmem:$0x10500] =	vst v63  }
0x4b8: {  	s13 =	simm.s32 $0x4A80;
	v55 =	vperm.xlane v21, v7;
	v22 =	vadd.s32 v3, v54  }
0x4b9: {  	[tilespmem:s13], [sflag:$0x1] =	stream.indirect_vreg.gather [hbm4b:s11+s23], $0x80, v23, vm0, $0xb8;
	[tilespmem:$0x10500] =	vst v63  }
0x4ba: {  	s24 =	simm.s32 $0x4B00;
	v56 =	vperm.xlane v21, v8;
	v23 =	vadd.s32 v3, v55  }
0x4bb: {  	[tilespmem:s24], [sflag:$0x1] =	stream.indirect_vreg.gather [hbm4b:s11+s23], $0x80, v24, vm0, $0xb8;
	[tilespmem:$0x10500] =	vst v63  }
0x4bc: {  	s25 =	simm.s32 $0x4B80;
	v58 =	vperm.xlane v21, v9;
	v57 =	vadd.s32 v3, v56  }
0x4bd: {  	[tilespmem:s25], [sflag:$0x1] =	stream.indirect_vreg.gather [hbm4b:s11+s23], $0x80, v22, vm0, $0xb8;
	[tilespmem:$0x10500] =	vst v63  }
0x4be: {  	s26 =	simm.s32 $0x4C00;
	v59 =	vperm.xlane v21, v0;
	v22 =	vadd.s32 v3, v58  }
0x4bf: {  	[tilespmem:s26], [sflag:$0x1] =	stream.indirect_vreg.gather [hbm4b:s11+s23], $0x80, v23, vm0, $0xb8;
	[tilespmem:$0x10500] =	vst v63  }
0x4c0: {  	s28 =	simm.s32 $0x4C80;
	v60 =	vperm.xlane v21, v10;
	v23 =	vadd.s32 v3, v59  }
0x4c1: {  	[tilespmem:s28], [sflag:$0x1] =	stream.indirect_vreg.gather [hbm4b:s11+s23], $0x80, v57, vm0, $0xb8;
	[tilespmem:$0x10500] =	vst v63  }
0x4c2: {  	s29 =	simm.s32 $0x4D00;
	v62 =	vperm.xlane v21, v11;
	v61 =	vadd.s32 v3, v60  }
0x4c3: {  	[tilespmem:s29], [sflag:$0x1] =	stream.indirect_vreg.gather [hbm4b:s11+s23], $0x80, v22, vm0, $0xb8;
	[tilespmem:$0x10500] =	vst v63  }
0x4c4: {  	s30 =	simm.s32 $0x4D80;
	v63 =	vperm.xlane v21, v12;
	v22 =	vadd.s32 v3, v62  }
0x4c5: {  	[tilespmem:s30], [sflag:$0x1] =	stream.indirect_vreg.gather [hbm4b:s11+s23], $0x80, v23, vm0, $0xb8;
	[tilespmem:$0x10500] =	vst v63  }
0x4c6: {  	s31 =	simm.s32 $0x4E00;
	v28 =	vperm.xlane v21, v13;
	v23 =	vadd.s32 v3, v63  }
0x4c7: {  	[tilespmem:s31], [sflag:$0x1] =	stream.indirect_vreg.gather [hbm4b:s11+s23], $0x80, v61, vm0, $0xb8;
	[tilespmem:$0x10500] =	vst v63  }
0x4c8: {  	v30 =	vperm.xlane v21, v14;
	v29 =	vadd.s32 v3, v28;
	s6 =	simm.s32 $0x4E80  }
0x4c9: {  	[tilespmem:s6], [sflag:$0x1] =	stream.indirect_vreg.gather [hbm4b:s11+s23], $0x80, v22, vm0, $0xb8;
	[tilespmem:$0x10500] =	vst v63  }
0x4ca: {  	v31 =	vperm.xlane v21, v15;
	s13 =	simm.s32 $0x4F00;
	v22 =	vadd.s32 v3, v30  }
0x4cb: {  	[tilespmem:s13], [sflag:$0x1] =	stream.indirect_vreg.gather [hbm4b:s11+s23], $0x80, v23, vm0, $0xb8;
	[tilespmem:$0x10500] =	vst v63  }
0x4cc: {  	v32 =	vperm.xlane v21, v16;
	s24 =	simm.s32 $0x4F80;
	v23 =	vadd.s32 v3, v31  }
0x4cd: {  	[tilespmem:s24], [sflag:$0x1] =	stream.indirect_vreg.gather [hbm4b:s11+s23], $0x80, v29, vm0, $0xb8;
	[tilespmem:$0x10500] =	vst v63  }
0x4ce: {  	v21 =	vperm.xlane v21, v17;
	v33 =	vadd.s32 v3, v32;
	s25 =	simm.s32 $0x5000  }
0x4cf: {  	[tilespmem:s25], [sflag:$0x1] =	stream.indirect_vreg.gather [hbm4b:s11+s23], $0x80, v22, vm0, $0xb8;
	[tilespmem:$0x10500] =	vst v63  }
0x4d0: {  	v21 =	vadd.s32 v3, v21;
	s26 =	simm.s32 $0x5080  }
0x4d1: {  	[tilespmem:s26], [sflag:$0x1] =	stream.indirect_vreg.gather [hbm4b:s11+s23], $0x80, v23, vm0, $0xb8;
	[tilespmem:$0x10500] =	vst v63  }
0x4d2: {  	s28 =	simm.s32 $0x5100  }
0x4d3: {  	[tilespmem:s28], [sflag:$0x1] =	stream.indirect_vreg.gather [hbm4b:s11+s23], $0x80, v33, vm0, $0xb8;
	[tilespmem:$0x10500] =	vst v63  }
0x4d4: {  	s29 =	simm.s32 $0x5180  }
0x4d5: {  	[tilespmem:s29], [sflag:$0x1] =	stream.indirect_vreg.gather [hbm4b:s11+s23], $0x80, v21, vm0, $0xb8;
	[tilespmem:$0x10500] =	vst v63  }
0x4d6: {  	v21 =	vld [tilespmem:$0x1A0];
	_ =	sdelay $0x4  }
0x4d7: {  	v22 =	vshll.u32 v21, $0x7  }
0x4d8: {  	v21 =	vand.u32 $0x7, v21;
	v22 =	vand.u32 $0xFFFFFC00, v22  }
0x4d9: {  	v21 =	vor.u32 v21, v22  }
0x4da: {  	v22 =	vperm.xlane v21, v1;
	_ =	sdelay $0x1  }
0x4db: {  	v23 =	vperm.xlane v21, v4;
	v22 =	vadd.s32 v3, v22;
	_ =	sdelay $0x1  }
0x4dc: {  	v34 =	vperm.xlane v21, v5;
	v23 =	vadd.s32 v3, v23;
	_ =	sdelay $0x1  }
0x4dd: {  	s30 =	simm.s32 $0x5200;
	v35 =	vperm.xlane v21, v6;
	v24 =	vadd.s32 v3, v34  }
0x4de: {  	[tilespmem:s30], [sflag:$0x1] =	stream.indirect_vreg.gather [hbm4b:s11+s23], $0x80, v22, vm0, $0xb8;
	[tilespmem:$0x10500] =	vst v63  }
0x4df: {  	s31 =	simm.s32 $0x5280;
	v36 =	vperm.xlane v21, v7;
	v22 =	vadd.s32 v3, v35  }
0x4e0: {  	[tilespmem:s31], [sflag:$0x1] =	stream.indirect_vreg.gather [hbm4b:s11+s23], $0x80, v23, vm0, $0xb8;
	[tilespmem:$0x10500] =	vst v63  }
0x4e1: {  	s6 =	simm.s32 $0x5300;
	v37 =	vperm.xlane v21, v8;
	v23 =	vadd.s32 v3, v36  }
0x4e2: {  	[tilespmem:s6], [sflag:$0x1] =	stream.indirect_vreg.gather [hbm4b:s11+s23], $0x80, v24, vm0, $0xb8;
	[tilespmem:$0x10500] =	vst v63  }
0x4e3: {  	s13 =	simm.s32 $0x5380;
	v39 =	vperm.xlane v21, v9;
	v38 =	vadd.s32 v3, v37  }
0x4e4: {  	[tilespmem:s13], [sflag:$0x1] =	stream.indirect_vreg.gather [hbm4b:s11+s23], $0x80, v22, vm0, $0xb8;
	[tilespmem:$0x10500] =	vst v63  }
0x4e5: {  	s24 =	simm.s32 $0x5400;
	v40 =	vperm.xlane v21, v0;
	v22 =	vadd.s32 v3, v39  }
0x4e6: {  	[tilespmem:s24], [sflag:$0x1] =	stream.indirect_vreg.gather [hbm4b:s11+s23], $0x80, v23, vm0, $0xb8;
	[tilespmem:$0x10500] =	vst v63  }
0x4e7: {  	s25 =	simm.s32 $0x5480;
	v41 =	vperm.xlane v21, v10;
	v23 =	vadd.s32 v3, v40  }
0x4e8: {  	[tilespmem:s25], [sflag:$0x1] =	stream.indirect_vreg.gather [hbm4b:s11+s23], $0x80, v38, vm0, $0xb8;
	[tilespmem:$0x10500] =	vst v63  }
0x4e9: {  	s26 =	simm.s32 $0x5500;
	v43 =	vperm.xlane v21, v11;
	v42 =	vadd.s32 v3, v41  }
0x4ea: {  	[tilespmem:s26], [sflag:$0x1] =	stream.indirect_vreg.gather [hbm4b:s11+s23], $0x80, v22, vm0, $0xb8;
	[tilespmem:$0x10500] =	vst v63  }
0x4eb: {  	s28 =	simm.s32 $0x5580;
	v44 =	vperm.xlane v21, v12;
	v22 =	vadd.s32 v3, v43  }
0x4ec: {  	[tilespmem:s28], [sflag:$0x1] =	stream.indirect_vreg.gather [hbm4b:s11+s23], $0x80, v23, vm0, $0xb8;
	[tilespmem:$0x10500] =	vst v63  }
0x4ed: {  	s29 =	simm.s32 $0x5600;
	v45 =	vperm.xlane v21, v13;
	v23 =	vadd.s32 v3, v44  }
0x4ee: {  	[tilespmem:s29], [sflag:$0x1] =	stream.indirect_vreg.gather [hbm4b:s11+s23], $0x80, v42, vm0, $0xb8;
	[tilespmem:$0x10500] =	vst v63  }
0x4ef: {  	v47 =	vperm.xlane v21, v14;
	v46 =	vadd.s32 v3, v45;
	s30 =	simm.s32 $0x5680  }
0x4f0: {  	[tilespmem:s30], [sflag:$0x1] =	stream.indirect_vreg.gather [hbm4b:s11+s23], $0x80, v22, vm0, $0xb8;
	[tilespmem:$0x10500] =	vst v63  }
0x4f1: {  	v48 =	vperm.xlane v21, v15;
	s31 =	simm.s32 $0x5700;
	v22 =	vadd.s32 v3, v47  }
0x4f2: {  	[tilespmem:s31], [sflag:$0x1] =	stream.indirect_vreg.gather [hbm4b:s11+s23], $0x80, v23, vm0, $0xb8;
	[tilespmem:$0x10500] =	vst v63  }
0x4f3: {  	v49 =	vperm.xlane v21, v16;
	s6 =	simm.s32 $0x5780;
	v23 =	vadd.s32 v3, v48  }
0x4f4: {  	[tilespmem:s6], [sflag:$0x1] =	stream.indirect_vreg.gather [hbm4b:s11+s23], $0x80, v46, vm0, $0xb8;
	[tilespmem:$0x10500] =	vst v63  }
0x4f5: {  	v21 =	vperm.xlane v21, v17;
	v50 =	vadd.s32 v3, v49;
	s13 =	simm.s32 $0x5800  }
0x4f6: {  	[tilespmem:s13], [sflag:$0x1] =	stream.indirect_vreg.gather [hbm4b:s11+s23], $0x80, v22, vm0, $0xb8;
	[tilespmem:$0x10500] =	vst v63  }
0x4f7: {  	v21 =	vadd.s32 v3, v21;
	s24 =	simm.s32 $0x5880  }
0x4f8: {  	[tilespmem:s24], [sflag:$0x1] =	stream.indirect_vreg.gather [hbm4b:s11+s23], $0x80, v23, vm0, $0xb8;
	[tilespmem:$0x10500] =	vst v63  }
0x4f9: {  	s25 =	simm.s32 $0x5900  }
0x4fa: {  	[tilespmem:s25], [sflag:$0x1] =	stream.indirect_vreg.gather [hbm4b:s11+s23], $0x80, v50, vm0, $0xb8;
	[tilespmem:$0x10500] =	vst v63  }
0x4fb: {  	s26 =	simm.s32 $0x5980  }
0x4fc: {  	[tilespmem:s26], [sflag:$0x1] =	stream.indirect_vreg.gather [hbm4b:s11+s23], $0x80, v21, vm0, $0xb8;
	[tilespmem:$0x10500] =	vst v63  }
0x4fd: {  	v21 =	vld [tilespmem:$0x1B0];
	_ =	sdelay $0x4  }
0x4fe: {  	v22 =	vshll.u32 v21, $0x7  }
0x4ff: {  	v21 =	vand.u32 $0x7, v21;
	v22 =	vand.u32 $0xFFFFFC00, v22  }
0x500: {  	v21 =	vor.u32 v21, v22  }
0x501: {  	v22 =	vperm.xlane v21, v1;
	_ =	sdelay $0x1  }
0x502: {  	v23 =	vperm.xlane v21, v4;
	v22 =	vadd.s32 v3, v22;
	_ =	sdelay $0x1  }
0x503: {  	v51 =	vperm.xlane v21, v5;
	v23 =	vadd.s32 v3, v23;
	_ =	sdelay $0x1  }
0x504: {  	s28 =	simm.s32 $0x5A00;
	v52 =	vperm.xlane v21, v6;
	v24 =	vadd.s32 v3, v51  }
0x505: {  	[tilespmem:s28], [sflag:$0x1] =	stream.indirect_vreg.gather [hbm4b:s11+s23], $0x80, v22, vm0, $0xb8;
	[tilespmem:$0x10500] =	vst v63  }
0x506: {  	s29 =	simm.s32 $0x5A80;
	v53 =	vperm.xlane v21, v7;
	v22 =	vadd.s32 v3, v52  }
0x507: {  	[tilespmem:s29], [sflag:$0x1] =	stream.indirect_vreg.gather [hbm4b:s11+s23], $0x80, v23, vm0, $0xb8;
	[tilespmem:$0x10500] =	vst v63  }
0x508: {  	s30 =	simm.s32 $0x5B00;
	v54 =	vperm.xlane v21, v8;
	v23 =	vadd.s32 v3, v53  }
0x509: {  	[tilespmem:s30], [sflag:$0x1] =	stream.indirect_vreg.gather [hbm4b:s11+s23], $0x80, v24, vm0, $0xb8;
	[tilespmem:$0x10500] =	vst v63  }
0x50a: {  	s31 =	simm.s32 $0x5B80;
	v56 =	vperm.xlane v21, v9;
	v55 =	vadd.s32 v3, v54  }
0x50b: {  	[tilespmem:s31], [sflag:$0x1] =	stream.indirect_vreg.gather [hbm4b:s11+s23], $0x80, v22, vm0, $0xb8;
	[tilespmem:$0x10500] =	vst v63  }
0x50c: {  	s6 =	simm.s32 $0x5C00;
	v57 =	vperm.xlane v21, v0;
	v22 =	vadd.s32 v3, v56  }
0x50d: {  	[tilespmem:s6], [sflag:$0x1] =	stream.indirect_vreg.gather [hbm4b:s11+s23], $0x80, v23, vm0, $0xb8;
	[tilespmem:$0x10500] =	vst v63  }
0x50e: {  	s13 =	simm.s32 $0x5C80;
	v58 =	vperm.xlane v21, v10;
	v23 =	vadd.s32 v3, v57  }
0x50f: {  	[tilespmem:s13], [sflag:$0x1] =	stream.indirect_vreg.gather [hbm4b:s11+s23], $0x80, v55, vm0, $0xb8;
	[tilespmem:$0x10500] =	vst v63  }
0x510: {  	s24 =	simm.s32 $0x5D00;
	v60 =	vperm.xlane v21, v11;
	v59 =	vadd.s32 v3, v58  }
0x511: {  	[tilespmem:s24], [sflag:$0x1] =	stream.indirect_vreg.gather [hbm4b:s11+s23], $0x80, v22, vm0, $0xb8;
	[tilespmem:$0x10500] =	vst v63  }
0x512: {  	s25 =	simm.s32 $0x5D80;
	v61 =	vperm.xlane v21, v12;
	v22 =	vadd.s32 v3, v60  }
0x513: {  	[tilespmem:s25], [sflag:$0x1] =	stream.indirect_vreg.gather [hbm4b:s11+s23], $0x80, v23, vm0, $0xb8;
	[tilespmem:$0x10500] =	vst v63  }
0x514: {  	s26 =	simm.s32 $0x5E00;
	v62 =	vperm.xlane v21, v13;
	v23 =	vadd.s32 v3, v61  }
0x515: {  	[tilespmem:s26], [sflag:$0x1] =	stream.indirect_vreg.gather [hbm4b:s11+s23], $0x80, v59, vm0, $0xb8;
	[tilespmem:$0x10500] =	vst v63  }
0x516: {  	v28 =	vperm.xlane v21, v14;
	v63 =	vadd.s32 v3, v62;
	s28 =	simm.s32 $0x5E80  }
0x517: {  	[tilespmem:s28], [sflag:$0x1] =	stream.indirect_vreg.gather [hbm4b:s11+s23], $0x80, v22, vm0, $0xb8;
	[tilespmem:$0x10500] =	vst v63  }
0x518: {  	v29 =	vperm.xlane v21, v15;
	s29 =	simm.s32 $0x5F00;
	v22 =	vadd.s32 v3, v28  }
0x519: {  	[tilespmem:s29], [sflag:$0x1] =	stream.indirect_vreg.gather [hbm4b:s11+s23], $0x80, v23, vm0, $0xb8;
	[tilespmem:$0x10500] =	vst v63  }
0x51a: {  	v30 =	vperm.xlane v21, v16;
	s30 =	simm.s32 $0x5F80;
	v23 =	vadd.s32 v3, v29  }
0x51b: {  	[tilespmem:s30], [sflag:$0x1] =	stream.indirect_vreg.gather [hbm4b:s11+s23], $0x80, v63, vm0, $0xb8;
	[tilespmem:$0x10500] =	vst v63  }
0x51c: {  	v21 =	vperm.xlane v21, v17;
	v31 =	vadd.s32 v3, v30;
	s31 =	simm.s32 $0x6000  }
0x51d: {  	[tilespmem:s31], [sflag:$0x1] =	stream.indirect_vreg.gather [hbm4b:s11+s23], $0x80, v22, vm0, $0xb8;
	[tilespmem:$0x10500] =	vst v63  }
0x51e: {  	v21 =	vadd.s32 v3, v21;
	s6 =	simm.s32 $0x6080  }
0x51f: {  	[tilespmem:s6], [sflag:$0x1] =	stream.indirect_vreg.gather [hbm4b:s11+s23], $0x80, v23, vm0, $0xb8;
	[tilespmem:$0x10500] =	vst v63  }
0x520: {  	s13 =	simm.s32 $0x6100  }
0x521: {  	[tilespmem:s13], [sflag:$0x1] =	stream.indirect_vreg.gather [hbm4b:s11+s23], $0x80, v31, vm0, $0xb8;
	[tilespmem:$0x10500] =	vst v63  }
0x522: {  	s24 =	simm.s32 $0x6180  }
0x523: {  	[tilespmem:s24], [sflag:$0x1] =	stream.indirect_vreg.gather [hbm4b:s11+s23], $0x80, v21, vm0, $0xb8;
	[tilespmem:$0x10500] =	vst v63  }
0x524: {  	v21 =	vld [tilespmem:$0x1C0];
	_ =	sdelay $0x4  }
0x525: {  	v22 =	vshll.u32 v21, $0x7  }
0x526: {  	v21 =	vand.u32 $0x7, v21;
	v22 =	vand.u32 $0xFFFFFC00, v22  }
0x527: {  	v21 =	vor.u32 v21, v22  }
0x528: {  	v22 =	vperm.xlane v21, v1;
	_ =	sdelay $0x1  }
0x529: {  	v23 =	vperm.xlane v21, v4;
	v22 =	vadd.s32 v3, v22;
	_ =	sdelay $0x1  }
0x52a: {  	v32 =	vperm.xlane v21, v5;
	v23 =	vadd.s32 v3, v23;
	_ =	sdelay $0x1  }
0x52b: {  	s25 =	simm.s32 $0x6200;
	v33 =	vperm.xlane v21, v6;
	v24 =	vadd.s32 v3, v32  }
0x52c: {  	[tilespmem:s25], [sflag:$0x1] =	stream.indirect_vreg.gather [hbm4b:s11+s23], $0x80, v22, vm0, $0xb8;
	[tilespmem:$0x10500] =	vst v63  }
0x52d: {  	s26 =	simm.s32 $0x6280;
	v34 =	vperm.xlane v21, v7;
	v22 =	vadd.s32 v3, v33  }
0x52e: {  	[tilespmem:s26], [sflag:$0x1] =	stream.indirect_vreg.gather [hbm4b:s11+s23], $0x80, v23, vm0, $0xb8;
	[tilespmem:$0x10500] =	vst v63  }
0x52f: {  	s28 =	simm.s32 $0x6300;
	v35 =	vperm.xlane v21, v8;
	v23 =	vadd.s32 v3, v34  }
0x530: {  	[tilespmem:s28], [sflag:$0x1] =	stream.indirect_vreg.gather [hbm4b:s11+s23], $0x80, v24, vm0, $0xb8;
	[tilespmem:$0x10500] =	vst v63  }
0x531: {  	s29 =	simm.s32 $0x6380;
	v37 =	vperm.xlane v21, v9;
	v36 =	vadd.s32 v3, v35  }
0x532: {  	[tilespmem:s29], [sflag:$0x1] =	stream.indirect_vreg.gather [hbm4b:s11+s23], $0x80, v22, vm0, $0xb8;
	[tilespmem:$0x10500] =	vst v63  }
0x533: {  	s30 =	simm.s32 $0x6400;
	v38 =	vperm.xlane v21, v0;
	v22 =	vadd.s32 v3, v37  }
0x534: {  	[tilespmem:s30], [sflag:$0x1] =	stream.indirect_vreg.gather [hbm4b:s11+s23], $0x80, v23, vm0, $0xb8;
	[tilespmem:$0x10500] =	vst v63  }
0x535: {  	s31 =	simm.s32 $0x6480;
	v39 =	vperm.xlane v21, v10;
	v23 =	vadd.s32 v3, v38  }
0x536: {  	[tilespmem:s31], [sflag:$0x1] =	stream.indirect_vreg.gather [hbm4b:s11+s23], $0x80, v36, vm0, $0xb8;
	[tilespmem:$0x10500] =	vst v63  }
0x537: {  	s6 =	simm.s32 $0x6500;
	v41 =	vperm.xlane v21, v11;
	v40 =	vadd.s32 v3, v39  }
0x538: {  	[tilespmem:s6], [sflag:$0x1] =	stream.indirect_vreg.gather [hbm4b:s11+s23], $0x80, v22, vm0, $0xb8;
	[tilespmem:$0x10500] =	vst v63  }
0x539: {  	s13 =	simm.s32 $0x6580;
	v42 =	vperm.xlane v21, v12;
	v22 =	vadd.s32 v3, v41  }
0x53a: {  	[tilespmem:s13], [sflag:$0x1] =	stream.indirect_vreg.gather [hbm4b:s11+s23], $0x80, v23, vm0, $0xb8;
	[tilespmem:$0x10500] =	vst v63  }
0x53b: {  	s24 =	simm.s32 $0x6600;
	v43 =	vperm.xlane v21, v13;
	v23 =	vadd.s32 v3, v42  }
0x53c: {  	[tilespmem:s24], [sflag:$0x1] =	stream.indirect_vreg.gather [hbm4b:s11+s23], $0x80, v40, vm0, $0xb8;
	[tilespmem:$0x10500] =	vst v63  }
0x53d: {  	v45 =	vperm.xlane v21, v14;
	v44 =	vadd.s32 v3, v43;
	s25 =	simm.s32 $0x6680  }
0x53e: {  	[tilespmem:s25], [sflag:$0x1] =	stream.indirect_vreg.gather [hbm4b:s11+s23], $0x80, v22, vm0, $0xb8;
	[tilespmem:$0x10500] =	vst v63  }
0x53f: {  	v46 =	vperm.xlane v21, v15;
	s26 =	simm.s32 $0x6700;
	v22 =	vadd.s32 v3, v45  }
0x540: {  	[tilespmem:s26], [sflag:$0x1] =	stream.indirect_vreg.gather [hbm4b:s11+s23], $0x80, v23, vm0, $0xb8;
	[tilespmem:$0x10500] =	vst v63  }
0x541: {  	v47 =	vperm.xlane v21, v16;
	s28 =	simm.s32 $0x6780;
	v23 =	vadd.s32 v3, v46  }
0x542: {  	[tilespmem:s28], [sflag:$0x1] =	stream.indirect_vreg.gather [hbm4b:s11+s23], $0x80, v44, vm0, $0xb8;
	[tilespmem:$0x10500] =	vst v63  }
0x543: {  	v21 =	vperm.xlane v21, v17;
	v48 =	vadd.s32 v3, v47;
	s29 =	simm.s32 $0x6800  }
0x544: {  	[tilespmem:s29], [sflag:$0x1] =	stream.indirect_vreg.gather [hbm4b:s11+s23], $0x80, v22, vm0, $0xb8;
	[tilespmem:$0x10500] =	vst v63  }
0x545: {  	v21 =	vadd.s32 v3, v21;
	s30 =	simm.s32 $0x6880  }
0x546: {  	[tilespmem:s30], [sflag:$0x1] =	stream.indirect_vreg.gather [hbm4b:s11+s23], $0x80, v23, vm0, $0xb8;
	[tilespmem:$0x10500] =	vst v63  }
0x547: {  	s31 =	simm.s32 $0x6900  }
0x548: {  	[tilespmem:s31], [sflag:$0x1] =	stream.indirect_vreg.gather [hbm4b:s11+s23], $0x80, v48, vm0, $0xb8;
	[tilespmem:$0x10500] =	vst v63  }
0x549: {  	s6 =	simm.s32 $0x6980  }
0x54a: {  	[tilespmem:s6], [sflag:$0x1] =	stream.indirect_vreg.gather [hbm4b:s11+s23], $0x80, v21, vm0, $0xb8;
	[tilespmem:$0x10500] =	vst v63  }
0x54b: {  	v21 =	vld [tilespmem:$0x1D0];
	_ =	sdelay $0x4  }
0x54c: {  	v22 =	vshll.u32 v21, $0x7  }
0x54d: {  	v21 =	vand.u32 $0x7, v21;
	v22 =	vand.u32 $0xFFFFFC00, v22  }
0x54e: {  	v21 =	vor.u32 v21, v22  }
0x54f: {  	v22 =	vperm.xlane v21, v1;
	_ =	sdelay $0x1  }
0x550: {  	v23 =	vperm.xlane v21, v4;
	v22 =	vadd.s32 v3, v22;
	_ =	sdelay $0x1  }
0x551: {  	v49 =	vperm.xlane v21, v5;
	v23 =	vadd.s32 v3, v23;
	_ =	sdelay $0x1  }
0x552: {  	s13 =	simm.s32 $0x6A00;
	v50 =	vperm.xlane v21, v6;
	v24 =	vadd.s32 v3, v49  }
0x553: {  	[tilespmem:s13], [sflag:$0x1] =	stream.indirect_vreg.gather [hbm4b:s11+s23], $0x80, v22, vm0, $0xb8;
	[tilespmem:$0x10500] =	vst v63  }
0x554: {  	s24 =	simm.s32 $0x6A80;
	v51 =	vperm.xlane v21, v7;
	v22 =	vadd.s32 v3, v50  }
0x555: {  	[tilespmem:s24], [sflag:$0x1] =	stream.indirect_vreg.gather [hbm4b:s11+s23], $0x80, v23, vm0, $0xb8;
	[tilespmem:$0x10500] =	vst v63  }
0x556: {  	s25 =	simm.s32 $0x6B00;
	v52 =	vperm.xlane v21, v8;
	v23 =	vadd.s32 v3, v51  }
0x557: {  	[tilespmem:s25], [sflag:$0x1] =	stream.indirect_vreg.gather [hbm4b:s11+s23], $0x80, v24, vm0, $0xb8;
	[tilespmem:$0x10500] =	vst v63  }
0x558: {  	s26 =	simm.s32 $0x6B80;
	v54 =	vperm.xlane v21, v9;
	v53 =	vadd.s32 v3, v52  }
0x559: {  	[tilespmem:s26], [sflag:$0x1] =	stream.indirect_vreg.gather [hbm4b:s11+s23], $0x80, v22, vm0, $0xb8;
	[tilespmem:$0x10500] =	vst v63  }
0x55a: {  	s28 =	simm.s32 $0x6C00;
	v55 =	vperm.xlane v21, v0;
	v22 =	vadd.s32 v3, v54  }
0x55b: {  	[tilespmem:s28], [sflag:$0x1] =	stream.indirect_vreg.gather [hbm4b:s11+s23], $0x80, v23, vm0, $0xb8;
	[tilespmem:$0x10500] =	vst v63  }
0x55c: {  	s29 =	simm.s32 $0x6C80;
	v56 =	vperm.xlane v21, v10;
	v23 =	vadd.s32 v3, v55  }
0x55d: {  	[tilespmem:s29], [sflag:$0x1] =	stream.indirect_vreg.gather [hbm4b:s11+s23], $0x80, v53, vm0, $0xb8;
	[tilespmem:$0x10500] =	vst v63  }
0x55e: {  	s30 =	simm.s32 $0x6D00;
	v58 =	vperm.xlane v21, v11;
	v57 =	vadd.s32 v3, v56  }
0x55f: {  	[tilespmem:s30], [sflag:$0x1] =	stream.indirect_vreg.gather [hbm4b:s11+s23], $0x80, v22, vm0, $0xb8;
	[tilespmem:$0x10500] =	vst v63  }
0x560: {  	s31 =	simm.s32 $0x6D80;
	v59 =	vperm.xlane v21, v12;
	v22 =	vadd.s32 v3, v58  }
0x561: {  	[tilespmem:s31], [sflag:$0x1] =	stream.indirect_vreg.gather [hbm4b:s11+s23], $0x80, v23, vm0, $0xb8;
	[tilespmem:$0x10500] =	vst v63  }
0x562: {  	s6 =	simm.s32 $0x6E00;
	v60 =	vperm.xlane v21, v13;
	v23 =	vadd.s32 v3, v59  }
0x563: {  	[tilespmem:s6], [sflag:$0x1] =	stream.indirect_vreg.gather [hbm4b:s11+s23], $0x80, v57, vm0, $0xb8;
	[tilespmem:$0x10500] =	vst v63  }
0x564: {  	v62 =	vperm.xlane v21, v14;
	v61 =	vadd.s32 v3, v60;
	s13 =	simm.s32 $0x6E80  }
0x565: {  	[tilespmem:s13], [sflag:$0x1] =	stream.indirect_vreg.gather [hbm4b:s11+s23], $0x80, v22, vm0, $0xb8;
	[tilespmem:$0x10500] =	vst v63  }
0x566: {  	v63 =	vperm.xlane v21, v15;
	s24 =	simm.s32 $0x6F00;
	v22 =	vadd.s32 v3, v62  }
0x567: {  	[tilespmem:s24], [sflag:$0x1] =	stream.indirect_vreg.gather [hbm4b:s11+s23], $0x80, v23, vm0, $0xb8;
	[tilespmem:$0x10500] =	vst v63  }
0x568: {  	v28 =	vperm.xlane v21, v16;
	s25 =	simm.s32 $0x6F80;
	v23 =	vadd.s32 v3, v63  }
0x569: {  	[tilespmem:s25], [sflag:$0x1] =	stream.indirect_vreg.gather [hbm4b:s11+s23], $0x80, v61, vm0, $0xb8;
	[tilespmem:$0x10500] =	vst v63  }
0x56a: {  	v21 =	vperm.xlane v21, v17;
	v29 =	vadd.s32 v3, v28;
	s26 =	simm.s32 $0x7000  }
0x56b: {  	[tilespmem:s26], [sflag:$0x1] =	stream.indirect_vreg.gather [hbm4b:s11+s23], $0x80, v22, vm0, $0xb8;
	[tilespmem:$0x10500] =	vst v63  }
0x56c: {  	v21 =	vadd.s32 v3, v21;
	s28 =	simm.s32 $0x7080  }
0x56d: {  	[tilespmem:s28], [sflag:$0x1] =	stream.indirect_vreg.gather [hbm4b:s11+s23], $0x80, v23, vm0, $0xb8;
	[tilespmem:$0x10500] =	vst v63  }
0x56e: {  	s29 =	simm.s32 $0x7100  }
0x56f: {  	[tilespmem:s29], [sflag:$0x1] =	stream.indirect_vreg.gather [hbm4b:s11+s23], $0x80, v29, vm0, $0xb8;
	[tilespmem:$0x10500] =	vst v63  }
0x570: {  	s30 =	simm.s32 $0x7180  }
0x571: {  	[tilespmem:s30], [sflag:$0x1] =	stream.indirect_vreg.gather [hbm4b:s11+s23], $0x80, v21, vm0, $0xb8;
	[tilespmem:$0x10500] =	vst v63  }
0x572: {  	v21 =	vld [tilespmem:$0x1E0];
	_ =	sdelay $0x4  }
0x573: {  	v22 =	vshll.u32 v21, $0x7  }
0x574: {  	v21 =	vand.u32 $0x7, v21;
	v22 =	vand.u32 $0xFFFFFC00, v22  }
0x575: {  	v21 =	vor.u32 v21, v22  }
0x576: {  	v22 =	vperm.xlane v21, v1;
	_ =	sdelay $0x1  }
0x577: {  	v23 =	vperm.xlane v21, v4;
	v22 =	vadd.s32 v3, v22;
	_ =	sdelay $0x1  }
0x578: {  	v30 =	vperm.xlane v21, v5;
	v23 =	vadd.s32 v3, v23;
	_ =	sdelay $0x1  }
0x579: {  	s31 =	simm.s32 $0x7200;
	v31 =	vperm.xlane v21, v6;
	v24 =	vadd.s32 v3, v30  }
0x57a: {  	[tilespmem:s31], [sflag:$0x1] =	stream.indirect_vreg.gather [hbm4b:s11+s23], $0x80, v22, vm0, $0xb8;
	[tilespmem:$0x10500] =	vst v63  }
0x57b: {  	s6 =	simm.s32 $0x7280;
	v32 =	vperm.xlane v21, v7;
	v22 =	vadd.s32 v3, v31  }
0x57c: {  	[tilespmem:s6], [sflag:$0x1] =	stream.indirect_vreg.gather [hbm4b:s11+s23], $0x80, v23, vm0, $0xb8;
	[tilespmem:$0x10500] =	vst v63  }
0x57d: {  	s13 =	simm.s32 $0x7300;
	v33 =	vperm.xlane v21, v8;
	v23 =	vadd.s32 v3, v32  }
0x57e: {  	[tilespmem:s13], [sflag:$0x1] =	stream.indirect_vreg.gather [hbm4b:s11+s23], $0x80, v24, vm0, $0xb8;
	[tilespmem:$0x10500] =	vst v63  }
0x57f: {  	s24 =	simm.s32 $0x7380;
	v35 =	vperm.xlane v21, v9;
	v34 =	vadd.s32 v3, v33  }
0x580: {  	[tilespmem:s24], [sflag:$0x1] =	stream.indirect_vreg.gather [hbm4b:s11+s23], $0x80, v22, vm0, $0xb8;
	[tilespmem:$0x10500] =	vst v63  }
0x581: {  	s25 =	simm.s32 $0x7400;
	v36 =	vperm.xlane v21, v0;
	v22 =	vadd.s32 v3, v35  }
0x582: {  	[tilespmem:s25], [sflag:$0x1] =	stream.indirect_vreg.gather [hbm4b:s11+s23], $0x80, v23, vm0, $0xb8;
	[tilespmem:$0x10500] =	vst v63  }
0x583: {  	s26 =	simm.s32 $0x7480;
	v37 =	vperm.xlane v21, v10;
	v23 =	vadd.s32 v3, v36  }
0x584: {  	[tilespmem:s26], [sflag:$0x1] =	stream.indirect_vreg.gather [hbm4b:s11+s23], $0x80, v34, vm0, $0xb8;
	[tilespmem:$0x10500] =	vst v63  }
0x585: {  	s28 =	simm.s32 $0x7500;
	v39 =	vperm.xlane v21, v11;
	v38 =	vadd.s32 v3, v37  }
0x586: {  	[tilespmem:s28], [sflag:$0x1] =	stream.indirect_vreg.gather [hbm4b:s11+s23], $0x80, v22, vm0, $0xb8;
	[tilespmem:$0x10500] =	vst v63  }
0x587: {  	s29 =	simm.s32 $0x7580;
	v40 =	vperm.xlane v21, v12;
	v22 =	vadd.s32 v3, v39  }
0x588: {  	[tilespmem:s29], [sflag:$0x1] =	stream.indirect_vreg.gather [hbm4b:s11+s23], $0x80, v23, vm0, $0xb8;
	[tilespmem:$0x10500] =	vst v63  }
0x589: {  	s30 =	simm.s32 $0x7600;
	v41 =	vperm.xlane v21, v13;
	v23 =	vadd.s32 v3, v40  }
0x58a: {  	[tilespmem:s30], [sflag:$0x1] =	stream.indirect_vreg.gather [hbm4b:s11+s23], $0x80, v38, vm0, $0xb8;
	[tilespmem:$0x10500] =	vst v63  }
0x58b: {  	v43 =	vperm.xlane v21, v14;
	v42 =	vadd.s32 v3, v41;
	s31 =	simm.s32 $0x7680  }
0x58c: {  	[tilespmem:s31], [sflag:$0x1] =	stream.indirect_vreg.gather [hbm4b:s11+s23], $0x80, v22, vm0, $0xb8;
	[tilespmem:$0x10500] =	vst v63  }
0x58d: {  	v44 =	vperm.xlane v21, v15;
	s6 =	simm.s32 $0x7700;
	v22 =	vadd.s32 v3, v43  }
0x58e: {  	[tilespmem:s6], [sflag:$0x1] =	stream.indirect_vreg.gather [hbm4b:s11+s23], $0x80, v23, vm0, $0xb8;
	[tilespmem:$0x10500] =	vst v63  }
0x58f: {  	v45 =	vperm.xlane v21, v16;
	s13 =	simm.s32 $0x7780;
	v23 =	vadd.s32 v3, v44  }
0x590: {  	[tilespmem:s13], [sflag:$0x1] =	stream.indirect_vreg.gather [hbm4b:s11+s23], $0x80, v42, vm0, $0xb8;
	[tilespmem:$0x10500] =	vst v63  }
0x591: {  	v21 =	vperm.xlane v21, v17;
	v46 =	vadd.s32 v3, v45;
	s24 =	simm.s32 $0x7800  }
0x592: {  	[tilespmem:s24], [sflag:$0x1] =	stream.indirect_vreg.gather [hbm4b:s11+s23], $0x80, v22, vm0, $0xb8;
	[tilespmem:$0x10500] =	vst v63  }
0x593: {  	v21 =	vadd.s32 v3, v21;
	s25 =	simm.s32 $0x7880  }
0x594: {  	[tilespmem:s25], [sflag:$0x1] =	stream.indirect_vreg.gather [hbm4b:s11+s23], $0x80, v23, vm0, $0xb8;
	[tilespmem:$0x10500] =	vst v63  }
0x595: {  	s26 =	simm.s32 $0x7900  }
0x596: {  	[tilespmem:s26], [sflag:$0x1] =	stream.indirect_vreg.gather [hbm4b:s11+s23], $0x80, v46, vm0, $0xb8;
	[tilespmem:$0x10500] =	vst v63  }
0x597: {  	_ = 	snop  }
0x598: {  	[tilespmem:s14], [sflag:$0x1] =	stream.indirect_vreg.gather [hbm4b:s11+s23], $0x80, v21, vm0, $0xb8;
	[tilespmem:$0x10500] =	vst v63  }
0x599: {  	v21 =	vld [tilespmem:$0x1F0];
	_ =	sdelay $0x4  }
0x59a: {  	v22 =	vshll.u32 v21, $0x7  }
0x59b: {  	v21 =	vand.u32 $0x7, v21;
	v22 =	vand.u32 $0xFFFFFC00, v22  }
0x59c: {  	v21 =	vor.u32 v21, v22  }
0x59d: {  	v22 =	vperm.xlane v21, v1;
	_ =	sdelay $0x1  }
0x59e: {  	v23 =	vperm.xlane v21, v4;
	v22 =	vadd.s32 v3, v22;
	_ =	sdelay $0x1  }
0x59f: {  	v47 =	vperm.xlane v21, v5;
	v23 =	vadd.s32 v3, v23;
	_ =	sdelay $0x1  }
0x5a0: {  	v48 =	vperm.xlane v21, v6;
	v24 =	vadd.s32 v3, v47  }
0x5a1: {  	[tilespmem:s2], [sflag:$0x1] =	stream.indirect_vreg.gather [hbm4b:s11+s23], $0x80, v22, vm0, $0xb8;
	[tilespmem:$0x10500] =	vst v63  }
0x5a2: {  	v49 =	vperm.xlane v21, v7;
	v22 =	vadd.s32 v3, v48  }
0x5a3: {  	[tilespmem:s16], [sflag:$0x1] =	stream.indirect_vreg.gather [hbm4b:s11+s23], $0x80, v23, vm0, $0xb8;
	[tilespmem:$0x10500] =	vst v63  }
0x5a4: {  	s28 =	simm.s32 $0x7B00;
	v50 =	vperm.xlane v21, v8;
	v23 =	vadd.s32 v3, v49  }
0x5a5: {  	[tilespmem:s28], [sflag:$0x1] =	stream.indirect_vreg.gather [hbm4b:s11+s23], $0x80, v24, vm0, $0xb8;
	[tilespmem:$0x10500] =	vst v63  }
0x5a6: {  	s29 =	simm.s32 $0x7B80;
	v52 =	vperm.xlane v21, v9;
	v51 =	vadd.s32 v3, v50  }
0x5a7: {  	[tilespmem:s29], [sflag:$0x1] =	stream.indirect_vreg.gather [hbm4b:s11+s23], $0x80, v22, vm0, $0xb8;
	[tilespmem:$0x10500] =	vst v63  }
0x5a8: {  	s30 =	simm.s32 $0x7C00;
	v53 =	vperm.xlane v21, v0;
	v22 =	vadd.s32 v3, v52  }
0x5a9: {  	[tilespmem:s30], [sflag:$0x1] =	stream.indirect_vreg.gather [hbm4b:s11+s23], $0x80, v23, vm0, $0xb8;
	[tilespmem:$0x10500] =	vst v63  }
0x5aa: {  	s31 =	simm.s32 $0x7C80;
	v54 =	vperm.xlane v21, v10;
	v23 =	vadd.s32 v3, v53  }
0x5ab: {  	[tilespmem:s31], [sflag:$0x1] =	stream.indirect_vreg.gather [hbm4b:s11+s23], $0x80, v51, vm0, $0xb8;
	[tilespmem:$0x10500] =	vst v63  }
0x5ac: {  	s6 =	simm.s32 $0x7D00;
	v56 =	vperm.xlane v21, v11;
	v55 =	vadd.s32 v3, v54  }
0x5ad: {  	[tilespmem:s6], [sflag:$0x1] =	stream.indirect_vreg.gather [hbm4b:s11+s23], $0x80, v22, vm0, $0xb8;
	[tilespmem:$0x10500] =	vst v63  }
0x5ae: {  	s13 =	simm.s32 $0x7D80;
	v57 =	vperm.xlane v21, v12;
	v22 =	vadd.s32 v3, v56  }
0x5af: {  	[tilespmem:s13], [sflag:$0x1] =	stream.indirect_vreg.gather [hbm4b:s11+s23], $0x80, v23, vm0, $0xb8;
	[tilespmem:$0x10500] =	vst v63  }
0x5b0: {  	s24 =	simm.s32 $0x7E00;
	v58 =	vperm.xlane v21, v13;
	v23 =	vadd.s32 v3, v57  }
0x5b1: {  	[tilespmem:s24], [sflag:$0x1] =	stream.indirect_vreg.gather [hbm4b:s11+s23], $0x80, v55, vm0, $0xb8;
	[tilespmem:$0x10500] =	vst v63  }
0x5b2: {  	s25 =	simm.s32 $0x7E80;
	v60 =	vperm.xlane v21, v14;
	v59 =	vadd.s32 v3, v58  }
0x5b3: {  	[tilespmem:s25], [sflag:$0x1] =	stream.indirect_vreg.gather [hbm4b:s11+s23], $0x80, v22, vm0, $0xb8;
	[tilespmem:$0x10500] =	vst v63  }
0x5b4: {  	s26 =	simm.s32 $0x7F00;
	v61 =	vperm.xlane v21, v15;
	v22 =	vadd.s32 v3, v60  }
0x5b5: {  	[tilespmem:s26], [sflag:$0x1] =	stream.indirect_vreg.gather [hbm4b:s11+s23], $0x80, v23, vm0, $0xb8;
	[tilespmem:$0x10500] =	vst v63  }
0x5b6: {  	v62 =	vperm.xlane v21, v16;
	s28 =	simm.s32 $0x7F80;
	v23 =	vadd.s32 v3, v61  }
0x5b7: {  	[tilespmem:s28], [sflag:$0x1] =	stream.indirect_vreg.gather [hbm4b:s11+s23], $0x80, v59, vm0, $0xb8;
	[tilespmem:$0x10500] =	vst v63  }
0x5b8: {  	v21 =	vperm.xlane v21, v17;
	v63 =	vadd.s32 v3, v62;
	s29 =	simm.s32 $0x8000  }
0x5b9: {  	[tilespmem:s29], [sflag:$0x1] =	stream.indirect_vreg.gather [hbm4b:s11+s23], $0x80, v22, vm0, $0xb8;
	[tilespmem:$0x10500] =	vst v63  }
0x5ba: {  	v21 =	vadd.s32 v3, v21;
	s30 =	simm.s32 $0x8080  }
0x5bb: {  	[tilespmem:s30], [sflag:$0x1] =	stream.indirect_vreg.gather [hbm4b:s11+s23], $0x80, v23, vm0, $0xb8;
	[tilespmem:$0x10500] =	vst v63  }
0x5bc: {  	s31 =	simm.s32 $0x8100  }
0x5bd: {  	[tilespmem:s31], [sflag:$0x1] =	stream.indirect_vreg.gather [hbm4b:s11+s23], $0x80, v63, vm0, $0xb8;
	[tilespmem:$0x10500] =	vst v63  }
0x5be: {  	_ = 	snop  }
0x5bf: {  	[tilespmem:s18], [sflag:$0x1] =	stream.indirect_vreg.gather [hbm4b:s11+s23], $0x80, v21, vm0, $0xb8;
	[tilespmem:$0x10500] =	vst v63  }
0x5c0: {  	_ =	swait.ge [sflag:s20], $0x4000  }
.Ltmp11:
0x5c1: {  	[sflag:s20] =	ssyncset.done $0x0;
	(pc) =	sbr.rel .LBB2_13-.Ltmp11, $4  }
0x5c2: {  	[sflag:s20] =	ssyncadd.s32 $0xFFFFC000  }
0x5c3: {  	_ =	swait.ge [sflag:s20], $0x4000  }
0x5c4: {  	[sflag:s20] =	ssyncset.done $0x0  }
0x5c5: {  	s13 =	rddreg [dreg:$0x7];
	[sflag:s20] =	ssyncadd.s32 $0xFFFFC000  }
.LBB2_22:
0x5c6: {  	v22 =	vmul.f32 $1.442695020e+00, v21;
	_ =	sdelay $0x1  }
0x5c7: {  	(erf) = vpow2.f32 v22;
	_ =	sdelay $0x8  }
0x5c8: {  	v22 =	vpop (erf)  }
0x5c9: {  	v22 =	vadd.f32 v23, v22;
	_ =	sdelay $0x1  }
0x5ca: {  	v23 =	vand.u32 $0x7FFFFF, v22  }
0x5cb: {  	v23 =	vor.u32 $0x3F800000, v23  }
0x5cc: {  	v24 =	vmul.f32 $5.000000000e-01, v23  }
0x5cd: {  	vm2 =	vge.f32 v23, $1.414213540e+00  }
0x5ce: {  	v23 =	vsel vm2, v24, v23  }
0x5cf: {  	v23 =	vadd.f32 $-1.000000000e+00, v23;
	_ =	sdelay $0x1  }
0x5d0: {  	v63 =	vadd.f32 $2.000000000e+00, v23;
	_ =	sdelay $0x1  }
0x5d1: {  	(erf) = vrcp.f32 v63;
	_ =	sdelay $0x8  }
0x5d2: {  	v24 =	vpop (erf)  }
0x5d3: {  	v23 =	vmul.f32 v24, v23;
	_ =	sdelay $0x1  }
0x5d4: {  	v24 =	vmul.f32 v23, v23;
	_ =	sdelay $0x1  }
0x5d5: {  	v25 =	vmul.f32 $2.857142980e-01, v24;
	_ =	sdelay $0x1  }
0x5d6: {  	v25 =	vadd.f32 $4.000000060e-01, v25;
	_ =	sdelay $0x1  }
0x5d7: {  	v25 =	vmul.f32 v25, v24;
	_ =	sdelay $0x1  }
0x5d8: {  	v22 =	vshrl.u32 v22, $0x17;
	v25 =	vadd.f32 $6.666666860e-01, v25  }
0x5d9: {  	v22 =	vand.u32 $0xFF, v22;
	v26 =	vsel vm2, $0x1, v1  }
0x5da: {  	v22 =	vadd.s32 v26, v22;
	v24 =	vmul.f32 v25, v24  }
0x5db: {  	v22 =	vadd.s32 $0xFFFFFF81, v22  }
0x5dc: {  	v22 =	vcvt.s32.f32 v22;
	v24 =	vadd.f32 $2.000000000e+00, v24;
	_ =	sdelay $0x1  }
0x5dd: {  	v22 =	vmul.f32 $6.931471820e-01, v22;
	v23 =	vmul.f32 v24, v23  }
0x5de: {  	s23 =	sadd.s32 $0x1, s23  }
0x5df: {  	p0 =	sne.s32 s23, $0x10;
	v22 =	vadd.f32 v23, v22  }
.Ltmp12:
0x5e0: {  	_ = 	snop;
	(pc) =	sbr.rel @!p0 .LBB2_23-.Ltmp12, $3  }
0x5e1: {  	v21 =	vsub.f32 v22, v21;
	_ =	sdelay $0x1  }
0x5e2: {  	v20 =	vadd.f32 v21, v20  }
0x5e3: {  	s13 =	sadd.s32 $0x80, s13  }
.LBB2_13:
0x5e4: {  	s6 =	sshll.u32 s23, $0x4  }
0x5e5: {  	s24 =	sor.u32 $0x100, s6  }
0x5e6: {  	v22 =	vld [tilespmem:s24+$0x0];
	_ =	sdelay $0x4  }
0x5e7: {  	vm2 =	veq.s32 v22, $0x0  }
0x5e8: {  	v21 =	vmpcnt.ones.xlane vm2;
	_ =	sdelay $0x1  }
0x5e9: {  	(v2sf) =	vpush v21, $0x0;
	_ =	sdelay $0x1  }
0x5ea: {  	v23 =	vld [tilespmem:s6+$0x10300];
	_ =	sdelay $0x4  }
0x5eb: {  	v21 =	vmul.f32 $1.442695020e+00, v23  }
0x5ec: {  	v23 =	vmov s6  }
0x5ed: {  	(erf) = vpow2.f32 v21;
	v21 =	vshll.u32 v23, $0x7  }
0x5ee: {  	s24 =	sand.u32 $0x70, s6;
	v21 =	vor.u32 v18, v21  }
0x5ef: {  	v21 =	vor.u32 s24, v21  }
0x5f0: {  	v21 =	vor.u32 v2, v21;
	_ =	sdelay $0x2  }
0x5f1: {  	s25 =	spop (v2sf)  }
0x5f2: {  	p0 =	slt.s32 s25, $0x1  }
.Ltmp13:
0x5f3: {  	v21 =	vld.idx.msk [tilespmem:v21+s19+$0x0], $0xffff;
	(pc) =	sbr.rel @p0 .LBB2_22-.Ltmp13, $3  }
0x5f4: {  	_ =	sdelay $0x1  }
0x5f5: {  	v23 =	vpop (erf)  }
0x5f6: {  	[tilespmem:$0x10400] =	vst v23  }
0x5f7: {  	s6 =	sor.u32 s9, s6  }
.Ltmp14:
0x5f8: {  	s6 =	sshll.u32 s6, $0x3;
	(pc) =	sbr.rel .LBB2_15-.Ltmp14, $4  }
0x5f9: {  	s6 =	sand.u32 $0xFFFFFC00, s6  }
0x5fa: {  	s25 =	sshrl.u32 s13, $0x3;
	s6 =	sadd.s32 $0xC00000, s6  }
0x5fb: {  	s25 =	sand.u32 $0x1FFFFF80, s25;
	s6 =	sshrl.u32 s6, $0x3  }
0x5fc: {  	s28 =	simm.s32 $0x0;
	s25 =	sadd.s32 s25, s1;
	s26 =	sadd.s32 s1, s6  }
.LBB2_21:
0x5fd: {  	s28 =	sadd.s32 $0x1, s28  }
0x5fe: {  	p0 =	sne.s32 s28, $0x10  }
.Ltmp15:
0x5ff: {  	_ = 	snop;
	(pc) =	sbr.rel @!p0 .LBB2_22-.Ltmp15, $1  }
0x600: {  	_ =	sdelay $0x3  }
.LBB2_15:
0x601: {  	v24 =	vmov s28  }
0x602: {  	vm2 =	veq.s32 v24, v2  }
0x603: {  	v24 =	vnsel vm2, $0x0, v22  }
0x604: {  	(xrf0) =	vadd.scan.msk.s32 $0xffff, v24;
	_ =	sdelay $0x5  }
0x605: {  	v24, _, _ =	vpop (xrf0)  }
0x606: {  	(v2sf) =	vpush v24, $0xF;
	_ =	sdelay $0xe  }
0x607: {  	s6 =	spop (v2sf)  }
0x608: {  	p0 =	sne.s32 s6, $0x0  }
.Ltmp16:
0x609: {  	_ = 	snop;
	(pc) =	sbr.rel @p0 .LBB2_21-.Ltmp16, $1  }
0x60a: {  	_ =	sdelay $0x3  }
0x60b: {  	s6 =	simm.s32 $0x0  }
0x60c: {  	s6 =	sand.u32 $0xF, s6  }
0x60d: {  	s29 =	sshll.u32 s6, $0x4  }
0x60e: {  	p0 =	sne.s32 s6, $0x0;
	v23 =	vmov s29;
	s29 =	sadd.s32 s28, s24  }
0x60f: {  	s6 =	simm.s32 @!p0 $0x400;
	s30 =	simm.s32 @!p0 $0x8200;
	v24 =	vshll.u32 v23, $0x7;
	v23 =	vmov s29;
	s29 =	simm.s32 @!p0 $0x20000  }
0x610: {  	v24 =	vor.u32 v18, v24;
	[tilespmem:s30], [sflag:$0x2] =	stream.strided.gather @!p0 [hbm4b:s25+s6], $0x8000, s29, s6, $0x38;
	[tilespmem:$0x10500] =	vst v63  }
0x611: {  	s0 =	simm.s32 $0x1;
	s29 =	simm.s32 @!p0 $0x2;
	v24 =	vadd.s32 v23, v24  }
0x612: {  	s6 =	sand.u32 $0xF, s0;
	_ =	swait.ge @!p0 [sflag:s29], $0x8000  }
0x613: {  	s30 =	sshll.u32 s6, $0x4;
	[sflag:s29] =	ssyncset.done @!p0 $0x0  }
0x614: {  	v25 =	vmov s30;
	[sflag:s29] =	ssyncadd.s32 @!p0 $0xFFFF8000  }
0x615: {  	s29 =	simm.s32 $0x2;
	p0 =	sne.s32 s6, $0x0;
	s6 =	sadd.s32 $0x8000, s25;
	v25 =	vshll.u32 v25, $0x7  }
0x616: {  	s30 =	simm.s32 @!p0 $0x400;
	s31 =	simm.s32 @!p0 $0x20000;
	s0 =	simm.s32 @!p0 $0x8200;
	v25 =	vor.u32 v18, v25;
	v24 =	vld.idx.msk [tilespmem:v24+s21+$0x0], $0xffff  }
0x617: {  	v25 =	vadd.s32 v23, v25;
	[tilespmem:s0], [sflag:$0x2] =	stream.strided.gather @!p0 [hbm4b:s6+s30], $0x8000, s31, s30, $0x38;
	[tilespmem:$0x10500] =	vst v63  }
0x618: {  	s29 =	sand.u32 $0xF, s29;
	s0 =	simm.s32 @!p0 $0x2  }
0x619: {  	s30 =	sshll.u32 s29, $0x4;
	_ =	swait.ge @!p0 [sflag:s0], $0x8000  }
0x61a: {  	p1 =	sne.s32 s29, $0x0;
	v26 =	vmov s30;
	[sflag:s0] =	ssyncset.done @!p0 $0x0  }
0x61b: {  	s29 =	simm.s32 @!p1 $0x20000;
	v26 =	vshll.u32 v26, $0x7;
	[sflag:s0] =	ssyncadd.s32 @!p0 $0xFFFF8000;
	v24 =	vmul.f32 $1.442695020e+00, v24  }
0x61c: {  	s30 =	simm.s32 @!p1 $0x8200;
	s0 =	sadd.s32 $0x8000, s6;
	s6 =	simm.s32 @!p1 $0x400;
	v27 =	vld.idx.msk [tilespmem:v25+s21+$0x0], $0xffff;
	v25 =	vor.u32 v18, v26  }
0x61d: {  	[tilespmem:s30], [sflag:$0x2] =	stream.strided.gather @!p1 [hbm4b:s0+s6], $0x8000, s29, s6, $0x38;
	(erf) = vpow2.f32 v24;
	v24 =	vadd.s32 v23, v25;
	[tilespmem:$0x10500] =	vst v63  }
0x61e: {  	s31 =	simm.s32 $0x3;
	s29 =	simm.s32 @!p1 $0x2  }
0x61f: {  	s6 =	sand.u32 $0xF, s31;
	_ =	swait.ge @!p1 [sflag:s29], $0x8000  }
0x620: {  	s30 =	sshll.u32 s6, $0x4;
	[sflag:s29] =	ssyncset.done @!p1 $0x0  }
0x621: {  	v26 =	vmov s30;
	[sflag:s29] =	ssyncadd.s32 @!p1 $0xFFFF8000  }
0x622: {  	p0 =	sne.s32 s6, $0x0;
	v25 =	vld.idx.msk [tilespmem:v24+s21+$0x0], $0xffff;
	v24 =	vshll.u32 v26, $0x7  }
0x623: {  	s6 =	simm.s32 @!p0 $0x20000;
	v27 =	vmul.f32 $1.442695020e+00, v27;
	v26 =	vor.u32 v18, v24  }
0x624: {  	s30 =	simm.s32 @!p0 $0x8200;
	s29 =	sadd.s32 $0x8000, s0;
	s0 =	simm.s32 @!p0 $0x400  }
0x625: {  	(erf) = vpow2.f32 v27;
	[tilespmem:s30], [sflag:$0x2] =	stream.strided.gather @!p0 [hbm4b:s29+s0], $0x8000, s6, s0, $0x38;
	[tilespmem:$0x10500] =	vst v63  }
0x626: {  	s6 =	simm.s32 $0x4;
	s30 =	simm.s32 @!p0 $0x2;
	v24 =	vimm.f32 $0.0e+00;
	v27 =	vadd.s32 v23, v26;
	v26 =	vpop (erf)  }
.LBB2_17:
0x627: {  	s0 =	sand.u32 $0xF, s6  }
0x628: {  	s6 =	sadd.s32 $0x1, s6;
	_ =	swait.ge @!p0 [sflag:s30], $0x8000;
	v24 =	vadd.f32 v26, v24;
	s29 =	sadd.s32 $0x8000, s29  }
0x629: {  	s31 =	sshll.u32 s0, $0x4;
	p1 =	sne.s32 s6, $0x30;
	[sflag:s30] =	ssyncset.done @!p0 $0x0  }
.Ltmp17:
0x62a: {  	v28 =	vmul.f32 $1.442695020e+00, v25;
	v26 =	vmov s31;
	[sflag:s30] =	ssyncadd.s32 @!p0 $0xFFFF8000;
	p0 =	sne.s32 s0, $0x0;
	(pc) =	sbr.rel @p1 .LBB2_17-.Ltmp17, $4  }
0x62b: {  	s0 =	simm.s32 @!p0 $0x400;
	s30 =	simm.s32 @!p0 $0x20000;
	s31 =	simm.s32 @!p0 $0x8200;
	v26 =	vshll.u32 v26, $0x7;
	v25 =	vld.idx.msk [tilespmem:v27+s21+$0x0], $0xffff  }
0x62c: {  	[tilespmem:s31], [sflag:$0x2] =	stream.strided.gather @!p0 [hbm4b:s29+s0], $0x8000, s30, s0, $0x38;
	v29 =	vor.u32 v18, v26;
	(erf) = vpow2.f32 v28;
	[tilespmem:$0x10500] =	vst v63  }
0x62d: {  	v27 =	vadd.s32 v23, v29  }
0x62e: {  	s30 =	simm.s32 @!p0 $0x2;
	v26 =	vpop (erf)  }
0x62f: {  	_ = 	snop  }
0x630: {  	_ =	swait.ge @!p0 [sflag:s30], $0x8000  }
0x631: {  	[sflag:s30] =	ssyncset.done @!p0 $0x0  }
0x632: {  	[sflag:s30] =	ssyncadd.s32 @!p0 $0xFFFF8000  }
0x633: {  	v27 =	vld.idx.msk [tilespmem:v27+s21+$0x0], $0xffff;
	_ =	sdelay $0x3  }
0x634: {  	v25 =	vmul.f32 $1.442695020e+00, v25  }
0x635: {  	v27 =	vmul.f32 $1.442695020e+00, v27  }
0x636: {  	(erf) = vpow2.f32 v25  }
0x637: {  	(erf) = vpow2.f32 v27;
	_ =	sdelay $0x3  }
0x638: {  	s0 =	simm.s32 $0x0  }
0x639: {  	v25 =	vmov s0  }
0x63a: {  	v25 =	vshll.u32 v25, $0x7  }
0x63b: {  	s29 =	simm.s32 $0x10;
	v25 =	vor.u32 v18, v25;
	v28 =	vpop (erf)  }
0x63c: {  	v25 =	vadd.s32 v23, v25;
	v27 =	vmov s29;
	v29 =	vpop (erf)  }
0x63d: {  	[tilespmem:s21], [sflag:$0x2] =	stream.strided.gather [hbm4b:s26+s17], $0x7400, s22, s17, $0x38;
	v27 =	vshll.u32 v27, $0x7;
	v30 =	vpop (erf);
	[tilespmem:$0x10500] =	vst v63  }
0x63e: {  	v27 =	vor.u32 v18, v27;
	_ =	swait.ge [sflag:s15], $0x7400  }
0x63f: {  	v27 =	vadd.s32 v23, v27;
	[sflag:s15] =	ssyncset.done $0x0  }
0x640: {  	[sflag:s15] =	ssyncadd.s32 $0xFFFF8C00  }
0x641: {  	v25 =	vld.idx.msk [tilespmem:v25+s21+$0x0], $0xffff;
	_ =	sdelay $0x2  }
0x642: {  	s30 =	simm.s32 $0x20;
	v27 =	vld.idx.msk [tilespmem:v27+s21+$0x0], $0xffff  }
0x643: {  	v31 =	vmov s30  }
0x644: {  	v31 =	vshll.u32 v31, $0x7;
	v25 =	vmul.f32 $1.442695020e+00, v25  }
0x645: {  	v24 =	vadd.f32 v26, v24;
	v26 =	vor.u32 v18, v31  }
0x646: {  	v26 =	vadd.s32 v23, v26;
	(erf) = vpow2.f32 v25  }
0x647: {  	s31 =	simm.s32 $0x30;
	v27 =	vmul.f32 $1.442695020e+00, v27  }
0x648: {  	v63 =	vmov s31;
	v24 =	vadd.f32 v28, v24  }
0x649: {  	v28 =	vshll.u32 v63, $0x7;
	(erf) = vpow2.f32 v27  }
0x64a: {  	v28 =	vor.u32 v18, v28;
	v24 =	vadd.f32 v29, v24  }
0x64b: {  	v25 =	vld.idx.msk [tilespmem:v26+s21+$0x0], $0xffff;
	v26 =	vadd.s32 v23, v28  }
0x64c: {  	s6 =	simm.s32 $0x40;
	v24 =	vadd.f32 v30, v24  }
.LBB2_19:
0x64d: {  	p0 =	sne.s32 s6, $0xD0  }
.Ltmp18:
0x64e: {  	v27 =	vmov s6;
	s6 =	sadd.s32 $0x10, s6;
	(pc) =	sbr.rel @p0 .LBB2_19-.Ltmp18, $4  }
0x64f: {  	v27 =	vshll.u32 v27, $0x7;
	v28 =	vpop (erf)  }
0x650: {  	v27 =	vor.u32 v18, v27;
	v29 =	vmul.f32 $1.442695020e+00, v25;
	v25 =	vld.idx.msk [tilespmem:v26+s21+$0x0], $0xffff;
	v24 =	vadd.f32 v28, v24  }
0x651: {  	v26 =	vadd.s32 v23, v27  }
0x652: {  	(erf) = vpow2.f32 v29  }
0x653: {  	v23 =	vand.u32 $0x7FFFFFFF, v23  }
0x654: {  	v23 =	vadd.s32 v19, v23;
	_ =	sdelay $0x3  }
0x655: {  	v26 =	vld.idx.msk [tilespmem:v26+s21+$0x0], $0xffff  }
0x656: {  	v23 =	vld.idx.msk [tilespmem:v23+s21+$0x0], $0xffff;
	_ =	sdelay $0x1  }
0x657: {  	v25 =	vmul.f32 $1.442695020e+00, v25;
	_ =	sdelay $0x1  }
0x658: {  	(erf) = vpow2.f32 v25;
	v58 =	vmul.f32 $1.442695020e+00, v26  }
0x659: {  	v23 =	vmul.f32 $1.442695020e+00, v23  }
0x65a: {  	(erf) = vpow2.f32 v58  }
0x65b: {  	(erf) = vpow2.f32 v23;
	_ =	sdelay $0x1  }
0x65c: {  	v23 =	vpop (erf)  }
0x65d: {  	v23 =	vadd.f32 v23, v24  }
0x65e: {  	v59 =	vpop (erf)  }
0x65f: {  	v23 =	vadd.f32 v59, v23  }
0x660: {  	v60 =	vpop (erf)  }
0x661: {  	v23 =	vadd.f32 v60, v23  }
0x662: {  	v62 =	vld [tilespmem:$0x10400];
	v61 =	vpop (erf)  }
0x663: {  	v23 =	vadd.f32 v61, v23;
	v63 =	vpop (erf)  }
0x664: {  	v24 =	vnsel vm1, $0x0, v63  }
0x665: {  	v23 =	vadd.f32 v24, v23;
	_ =	sdelay $0x1  }
0x666: {  	(xrf2) =	vadd.scan.msk.f32 $0xffff, v23;
	v23 =	vnsel vm2, $0x0, v62  }
0x667: {  	(xrf2) =	vadd.scan.msk.f32 $0xffff, v23;
	_ =	sdelay $0x8  }
0x668: {  	v23, _, _ =	vpop (xrf2)  }
0x669: {  	(v2sf) =	vpush v23, $0xF;
	v23, _, _ =	vpop (xrf2)  }
0x66a: {  	(v2sf) =	vpush v23, $0xF;
	_ =	sdelay $0xd  }
0x66b: {  	s0 =	spop (v2sf)  }
.Ltmp19:
0x66c: {  	s6 =	spop (v2sf);
	(pc) =	sbr.rel .LBB2_21-.Ltmp19, $3  }
0x66d: {  	s0 =	ssub.f32 s0, s6;
	_ =	sdelay $0x1  }
0x66e: {  	v23 =	vsel vm2, s0, v62  }
0x66f: {  	[tilespmem:$0x10400] =	vst v23  }
.LBB2_24:
0x670: {  	_ =	sfence.sel $0x180000  }
0x671: {  	[bflag:$0x0] =	sbarrier.arrive $0xFFFF  }
0x672: {  	_ =	strace $0x90000047  }
0x673: {  	s0 =	stileid.u32;
	[bflag:$0x2] =	sbarrier.arrive $0xFFFF  }
0x674: {  	p0 =	sne.s32 s0, $0x0;
	s0 =	rddreg [dreg:$0x3]  }
0x675: {  	s0 =	sadd.s32 @!p0 $0x100000, s0  }
0x676: {  	[sflag:s0] =	ssyncadd.tile.s32 @!p0 $0x1;
	_ =	shalt  }
.Lfunc_end2:
_tile_overlayer_lowered:
.L_overlay_start_2:
0x677: {  	(tag) =	ssettag $0x2  }
0x678: {  	s0 =	rddreg [dreg:$0x0];
	s2 =	stileid.u32  }
0x679: {  	s1 =	rddreg [dreg:$0x1];
	p0 =	sne.s32 s2, $0x0  }
0x67a: {  	s3 =	rddreg [dreg:$0x2];
	[bflag:$0x3] =	sbarrier.arrive $0xFFFF;
	s2 =	simm.s32 @!p0 $0x1C02  }
0x67b: {  	[timem:s3], [sflag:s2] =	dma.local @!p0 [hbm:s0], s1  }
0x67c: {  	s0 =	simm.s32 @!p0 $0x2  }
0x67d: {  	_ =	swait.ge @!p0 [sflag:s0], s1  }
0x67e: {  	s1 =	ssub.s32 @!p0 $0x0, s1;
	[sflag:s0] =	ssyncset.done @!p0 $0x0  }
0x67f: {  	[sflag:s0] =	ssyncadd.s32 @!p0 s1  }
0x680: {  	[bflag:$0x3] =	sbarrier.arrive $0xFFFF  }
0x681: {  	_ =	shalt  }

</sc_bundles>
